<compile_context>
chip_gen: v7x
topology: tpu7x:2x2x1
jax: 0.10.2.dev20260603
libtpu: 0.0.44.dev20260713+nightly
codegen_flags: <defaults>
</compile_context>

<pallas_src>
import functools

import jax
import jax.numpy as jnp
from jax import lax
from jax.experimental import pallas as pl
from jax.experimental.pallas import tpu as pltpu
from jax.experimental.pallas import tpu_sc as plsc

LANES = 16


@functools.partial(jax.jit, static_argnames=("nb", "half", "emb"))
def _sc_pooled_sums(data2, table, *, nb, half, emb):
    B = data2.shape[0]
    mesh = plsc.VectorSubcoreMesh(core_axis_name="c", subcore_axis_name="s")
    ncores = mesh.num_cores

    NBUF = 4

    def body(data_hbm, table_hbm, out_hbm, idx_v, rows_v, out_v, *sems):
        wid = lax.axis_index("s") * ncores + lax.axis_index("c")
        base = wid * nb
        pltpu.sync_copy(data_hbm.at[pl.ds(base, nb)], idx_v)

        def issue(r, slot):
            for j in range(2):
                pltpu.async_copy(
                    table_hbm.at[idx_v.at[r, j]], rows_v.at[slot, j], sems[slot]
                )

        def wait(r, slot):
            for j in range(2):
                pltpu.make_async_copy(
                    table_hbm.at[idx_v.at[r, j]], rows_v.at[slot, j], sems[slot]
                ).wait()

        def accumulate(r, slot):
            def acc_body(i, acc):
                out = []
                for c in range(emb // LANES):
                    v = acc[c]
                    for u in range(2):
                        for j in range(2):
                            v = v + rows_v[slot, j, 2 * i + u, pl.ds(c * LANES, LANES)]
                    out.append(v)
                return tuple(out)

            zero = jnp.zeros((LANES,), jnp.float32)
            acc = lax.fori_loop(0, half // 2, acc_body, (zero,) * (emb // LANES))
            for c in range(emb // LANES):
                out_v[r, pl.ds(c * LANES, LANES)] = acc[c]

        for slot in range(NBUF):
            issue(slot, slot)

        def ring_body(g, carry):
            for slot in range(NBUF):
                r = NBUF * g + slot
                wait(r, slot)
                accumulate(r, slot)
                issue(r + NBUF, slot)
            return carry

        lax.fori_loop(0, nb // NBUF - 1, ring_body, 0)
        for slot in range(NBUF):
            r = nb - NBUF + slot
            wait(r, slot)
            accumulate(r, slot)

        pltpu.sync_copy(out_v, out_hbm.at[pl.ds(base, nb)])

    return pl.kernel(
        body,
        out_type=jax.ShapeDtypeStruct((B, emb), jnp.float32),
        mesh=mesh,
        scratch_types=[
            pltpu.VMEM((nb, 2, half), jnp.int32),
            pltpu.VMEM((NBUF, 2, half, emb), jnp.float32),
            pltpu.VMEM((nb, emb), jnp.float32),
        ]
        + [pltpu.SemaphoreType.DMA] * NBUF,
        compiler_params=pltpu.CompilerParams(use_tc_tiling_on_sc=False),
    )(data2, table)


def _tc_body(sums_ref, len_ref, w_ref, b_ref, out_ref):
    s = sums_ref[...]
    out = lax.dot_general(
        s, w_ref[...], (((1,), (1,)), ((), ())), preferred_element_type=jnp.float32
    )
    out_ref[...] = out / len_ref[...] + b_ref[...]


@jax.jit
def _tc_linear(sums, length_col, W, b_row):
    B = sums.shape[0]
    n_cls = W.shape[0]
    return pl.pallas_call(
        _tc_body,
        out_shape=jax.ShapeDtypeStruct((B, n_cls), jnp.float32),
    )(sums, length_col, W, b_row)


def kernel(data, length, table, W, b):
    B, L = data.shape
    emb = table.shape[1]
    half = L // 2
    assert L % 2 == 0 and half <= 128 and emb % LANES == 0
    nw = 32
    nb = B // nw
    data2 = data.astype(jnp.int32).reshape(B, 2, half)
    sums = _sc_pooled_sums(data2, table, nb=nb, half=half, emb=emb)
    length_col = length.astype(jnp.float32).reshape(B, 1)
    return _tc_linear(sums, length_col, W, b.reshape(1, -1))

# --- scband reference (transcript-rebuilt; emitter-appended) ---
"""Pipeline reference for scband-bag-of-ngrams-3229815407031 (READ-ONLY COPY).

The authoritative reference and input builder live on the scoring server;
editing this copy changes nothing except your own understanding.
"""

import jax, jax.numpy as jnp
import numpy as np

VOCAB = 100000
EMB = 64
B = 4096
L = 200
N_CLASSES = 20


def setup_inputs(seed: int = 0) -> dict:
    key = jax.random.key(seed)
    k1, k2, k3, k4 = jax.random.split(key, 4)
    data = jax.random.randint(k1, (B, L), 0, VOCAB)
    # lengths must be >= 1 to avoid division by zero (matches non-trivial sentence lengths)
    length = jax.random.randint(k2, (B,), 1, L)
    table = jax.random.normal(k3, (VOCAB, EMB), dtype=jnp.float32) * 0.02
    table = table.at[0].set(0.0)  # padding_idx=0
    W = jax.random.normal(k4, (N_CLASSES, EMB), dtype=jnp.float32) * 0.02
    b = jnp.zeros((N_CLASSES,), dtype=jnp.float32)
    return {"data": data, "length": length, "table": table, "W": W, "b": b}


def reference(data, length, table, W, b):
    # nn.Embedding with padding_idx=0: row 0 is zero
    t = table.at[0].set(0.0)
    emb = jnp.take(t, data, axis=0)                 # [B, L, EMB] gather
    out = jnp.sum(emb, axis=1)                      # sum over sequence
    out = out / length[:, None].astype(jnp.float32)  # mean by true length
    out = out @ W.T + b                             # linear to 20 classes
    return out

if __name__ == "__main__":
    import jax
    _d = setup_inputs()
    print(jax.jit(kernel)(*tuple(_d.values())))

</pallas_src>

<mosaic_0001>
#map = affine_map<(d0, d1) -> (0, 0, 0)>
#map1 = affine_map<(d0, d1) -> (0, 0)>
module attributes {stable_mosaic.version = 14 : i64} {
  func.func @body(%arg0: i32, %arg1: i32, %arg2: memref<4096x2x100xi32, #tpu.memory_space<hbm>>, %arg3: memref<100000x64xf32, #tpu.memory_space<hbm>>, %arg4: memref<4096x64xf32, #tpu.memory_space<hbm>>, %arg5: memref<128x2x100xi32, #tpu.memory_space<vmem>>, %arg6: memref<4x2x100x64xf32, #tpu.memory_space<vmem>>, %arg7: memref<128x64xf32, #tpu.memory_space<vmem>>, %arg8: memref<!tpu.dma_semaphore, #tpu.memory_space<semaphore_mem>>, %arg9: memref<!tpu.dma_semaphore, #tpu.memory_space<semaphore_mem>>, %arg10: memref<!tpu.dma_semaphore, #tpu.memory_space<semaphore_mem>>, %arg11: memref<!tpu.dma_semaphore, #tpu.memory_space<semaphore_mem>>) attributes {dimension_semantics = [#tpu.dimension_semantics<core_parallel>, #tpu.dimension_semantics<subcore_parallel>], iteration_bounds = array<i64: 2, 16>, scalar_prefetch = 0 : i64, scratch_operands = 7 : i64, tpu.core_type = #tpu.core_type<sc_vector_subcore>, window_params = [{transform_indices = #map}, {transform_indices = #map1}, {transform_indices = #map1}]} {
    %mul3A = arith.constant 2 : i32
    %mul3A_0 = arith.muli %arg1, %mul3A : i32
    %add3A = arith.addi %mul3A_0, %arg0 : i32
    %mul3A_1 = arith.constant 128 : i32
    %mul3A_2 = arith.muli %add3A, %mul3A_1 : i32
    "tpu.region"() ({
      %run_scoped3A = tpu.sem_alloc : memref<!tpu.dma_semaphore, #tpu.memory_space<semaphore_mem>>
      %dma_start3A_356 = arith.constant 0 : i32
      %dma_start3A_357 = arith.constant 0 : i32
      %dma_start3A_358 = tpu.memref_slice %arg2[%mul3A_2, %dma_start3A_356, %dma_start3A_357] : memref<4096x2x100xi32, #tpu.memory_space<hbm>> -> memref<128x2x100xi32, #tpu.memory_space<hbm>>
      %dma_start3A_359 = arith.constant 0 : i32
      %dma_start3A_360 = arith.constant 0 : i32
      %dma_start3A_361 = tpu.memref_slice %arg2[%mul3A_2, %dma_start3A_359, %dma_start3A_360] : memref<4096x2x100xi32, #tpu.memory_space<hbm>> -> memref<128x2x100xi32, #tpu.memory_space<hbm>>
      tpu.enqueue_dma source(%dma_start3A_361 : memref<128x2x100xi32, #tpu.memory_space<hbm>>) target(%arg5 : memref<128x2x100xi32, #tpu.memory_space<vmem>>) target_semaphore(%run_scoped3A : memref<!tpu.dma_semaphore, #tpu.memory_space<semaphore_mem>>)
      %dma_wait3A_362 = arith.constant 0 : i32
      %dma_wait3A_363 = arith.constant 0 : i32
      %dma_wait3A_364 = tpu.memref_slice %arg2[%mul3A_2, %dma_wait3A_362, %dma_wait3A_363] : memref<4096x2x100xi32, #tpu.memory_space<hbm>> -> memref<128x2x100xi32, #tpu.memory_space<hbm>>
      %dma_wait3A_365 = arith.constant 0 : i32
      %dma_wait3A_366 = arith.constant 0 : i32
      %dma_wait3A_367 = tpu.memref_slice %arg2[%mul3A_2, %dma_wait3A_365, %dma_wait3A_366] : memref<4096x2x100xi32, #tpu.memory_space<hbm>> -> memref<128x2x100xi32, #tpu.memory_space<hbm>>
      tpu.wait_dma2 semaphore(%run_scoped3A : memref<!tpu.dma_semaphore, #tpu.memory_space<semaphore_mem>>) src(%dma_wait3A_367 : memref<128x2x100xi32, #tpu.memory_space<hbm>>) dst(%arg5 : memref<128x2x100xi32, #tpu.memory_space<vmem>>)
      tpu.yield
    }) : () -> ()
    %dma_start3A = arith.constant 0 : i32
    %dma_start3A_3 = arith.constant 0 : i32
    %dma_start3A_4 = arith.constant 0 : i32
    %dma_start3A_5 = arith.constant 0 : i32
    %dma_start3A_6 = arith.constant 0 : i32
    %dma_start3A_7 = arith.constant 0 : i32
    %dma_start3A_8 = tpu.memref_slice %arg6[%dma_start3A_4, %dma_start3A_5, %dma_start3A_6, %dma_start3A_7] : memref<4x2x100x64xf32, #tpu.memory_space<vmem>> -> memref<1x1x100x64xf32, #tpu.memory_space<vmem>>
    %dma_start3A_9 = tpu.memref_squeeze %dma_start3A_8 : memref<1x1x100x64xf32, #tpu.memory_space<vmem>> -> memref<100x64xf32, #tpu.memory_space<vmem>>
    %dma_start3A_10 = arith.constant 0 : i32
    %dma_start3A_11 = tpu.memref_slice %arg5[%dma_start3A, %dma_start3A_3, %dma_start3A_10] : memref<128x2x100xi32, #tpu.memory_space<vmem>> -> memref<1x1x100xi32, #tpu.memory_space<vmem>>
    %dma_start3A_12 = tpu.memref_squeeze %dma_start3A_11 : memref<1x1x100xi32, #tpu.memory_space<vmem>> -> memref<100xi32, #tpu.memory_space<vmem>>
    %dma_start3A_13 = arith.constant 0 : i32
    %dma_start3A_14 = arith.constant 0 : i32
    %dma_start3A_15 = tpu.memref_slice %arg3[%dma_start3A_13, %dma_start3A_14] : memref<100000x64xf32, #tpu.memory_space<hbm>> -> memref<100000x64xf32, #tpu.memory_space<hbm>>
    tpu.enqueue_indirect_dma source(%dma_start3A_15 : memref<100000x64xf32, #tpu.memory_space<hbm>>) target(%dma_start3A_9 : memref<100x64xf32, #tpu.memory_space<vmem>>) offsets(%dma_start3A_12 : memref<100xi32, #tpu.memory_space<vmem>>) semaphore(%arg8 : memref<!tpu.dma_semaphore, #tpu.memory_space<semaphore_mem>>)
    %dma_start3A_16 = arith.constant 0 : i32
    %dma_start3A_17 = arith.constant 1 : i32
    %dma_start3A_18 = arith.constant 0 : i32
    %dma_start3A_19 = arith.constant 1 : i32
    %dma_start3A_20 = arith.constant 0 : i32
    %dma_start3A_21 = arith.constant 0 : i32
    %dma_start3A_22 = tpu.memref_slice %arg6[%dma_start3A_18, %dma_start3A_19, %dma_start3A_20, %dma_start3A_21] : memref<4x2x100x64xf32, #tpu.memory_space<vmem>> -> memref<1x1x100x64xf32, #tpu.memory_space<vmem>>
    %dma_start3A_23 = tpu.memref_squeeze %dma_start3A_22 : memref<1x1x100x64xf32, #tpu.memory_space<vmem>> -> memref<100x64xf32, #tpu.memory_space<vmem>>
    %dma_start3A_24 = arith.constant 0 : i32
    %dma_start3A_25 = tpu.memref_slice %arg5[%dma_start3A_16, %dma_start3A_17, %dma_start3A_24] : memref<128x2x100xi32, #tpu.memory_space<vmem>> -> memref<1x1x100xi32, #tpu.memory_space<vmem>>
    %dma_start3A_26 = tpu.memref_squeeze %dma_start3A_25 : memref<1x1x100xi32, #tpu.memory_space<vmem>> -> memref<100xi32, #tpu.memory_space<vmem>>
    %dma_start3A_27 = arith.constant 0 : i32
    %dma_start3A_28 = arith.constant 0 : i32
    %dma_start3A_29 = tpu.memref_slice %arg3[%dma_start3A_27, %dma_start3A_28] : memref<100000x64xf32, #tpu.memory_space<hbm>> -> memref<100000x64xf32, #tpu.memory_space<hbm>>
    tpu.enqueue_indirect_dma source(%dma_start3A_29 : memref<100000x64xf32, #tpu.memory_space<hbm>>) target(%dma_start3A_23 : memref<100x64xf32, #tpu.memory_space<vmem>>) offsets(%dma_start3A_26 : memref<100xi32, #tpu.memory_space<vmem>>) semaphore(%arg8 : memref<!tpu.dma_semaphore, #tpu.memory_space<semaphore_mem>>)
    %dma_start3A_30 = arith.constant 1 : i32
    %dma_start3A_31 = arith.constant 0 : i32
    %dma_start3A_32 = arith.constant 1 : i32
    %dma_start3A_33 = arith.constant 0 : i32
    %dma_start3A_34 = arith.constant 0 : i32
    %dma_start3A_35 = arith.constant 0 : i32
    %dma_start3A_36 = tpu.memref_slice %arg6[%dma_start3A_32, %dma_start3A_33, %dma_start3A_34, %dma_start3A_35] : memref<4x2x100x64xf32, #tpu.memory_space<vmem>> -> memref<1x1x100x64xf32, #tpu.memory_space<vmem>>
    %dma_start3A_37 = tpu.memref_squeeze %dma_start3A_36 : memref<1x1x100x64xf32, #tpu.memory_space<vmem>> -> memref<100x64xf32, #tpu.memory_space<vmem>>
    %dma_start3A_38 = arith.constant 0 : i32
    %dma_start3A_39 = tpu.memref_slice %arg5[%dma_start3A_30, %dma_start3A_31, %dma_start3A_38] : memref<128x2x100xi32, #tpu.memory_space<vmem>> -> memref<1x1x100xi32, #tpu.memory_space<vmem>>
    %dma_start3A_40 = tpu.memref_squeeze %dma_start3A_39 : memref<1x1x100xi32, #tpu.memory_space<vmem>> -> memref<100xi32, #tpu.memory_space<vmem>>
    %dma_start3A_41 = arith.constant 0 : i32
    %dma_start3A_42 = arith.constant 0 : i32
    %dma_start3A_43 = tpu.memref_slice %arg3[%dma_start3A_41, %dma_start3A_42] : memref<100000x64xf32, #tpu.memory_space<hbm>> -> memref<100000x64xf32, #tpu.memory_space<hbm>>
    tpu.enqueue_indirect_dma source(%dma_start3A_43 : memref<100000x64xf32, #tpu.memory_space<hbm>>) target(%dma_start3A_37 : memref<100x64xf32, #tpu.memory_space<vmem>>) offsets(%dma_start3A_40 : memref<100xi32, #tpu.memory_space<vmem>>) semaphore(%arg9 : memref<!tpu.dma_semaphore, #tpu.memory_space<semaphore_mem>>)
    %dma_start3A_44 = arith.constant 1 : i32
    %dma_start3A_45 = arith.constant 1 : i32
    %dma_start3A_46 = arith.constant 1 : i32
    %dma_start3A_47 = arith.constant 1 : i32
    %dma_start3A_48 = arith.constant 0 : i32
    %dma_start3A_49 = arith.constant 0 : i32
    %dma_start3A_50 = tpu.memref_slice %arg6[%dma_start3A_46, %dma_start3A_47, %dma_start3A_48, %dma_start3A_49] : memref<4x2x100x64xf32, #tpu.memory_space<vmem>> -> memref<1x1x100x64xf32, #tpu.memory_space<vmem>>
    %dma_start3A_51 = tpu.memref_squeeze %dma_start3A_50 : memref<1x1x100x64xf32, #tpu.memory_space<vmem>> -> memref<100x64xf32, #tpu.memory_space<vmem>>
    %dma_start3A_52 = arith.constant 0 : i32
    %dma_start3A_53 = tpu.memref_slice %arg5[%dma_start3A_44, %dma_start3A_45, %dma_start3A_52] : memref<128x2x100xi32, #tpu.memory_space<vmem>> -> memref<1x1x100xi32, #tpu.memory_space<vmem>>
    %dma_start3A_54 = tpu.memref_squeeze %dma_start3A_53 : memref<1x1x100xi32, #tpu.memory_space<vmem>> -> memref<100xi32, #tpu.memory_space<vmem>>
    %dma_start3A_55 = arith.constant 0 : i32
    %dma_start3A_56 = arith.constant 0 : i32
    %dma_start3A_57 = tpu.memref_slice %arg3[%dma_start3A_55, %dma_start3A_56] : memref<100000x64xf32, #tpu.memory_space<hbm>> -> memref<100000x64xf32, #tpu.memory_space<hbm>>
    tpu.enqueue_indirect_dma source(%dma_start3A_57 : memref<100000x64xf32, #tpu.memory_space<hbm>>) target(%dma_start3A_51 : memref<100x64xf32, #tpu.memory_space<vmem>>) offsets(%dma_start3A_54 : memref<100xi32, #tpu.memory_space<vmem>>) semaphore(%arg9 : memref<!tpu.dma_semaphore, #tpu.memory_space<semaphore_mem>>)
    %dma_start3A_58 = arith.constant 2 : i32
    %dma_start3A_59 = arith.constant 0 : i32
    %dma_start3A_60 = arith.constant 2 : i32
    %dma_start3A_61 = arith.constant 0 : i32
    %dma_start3A_62 = arith.constant 0 : i32
    %dma_start3A_63 = arith.constant 0 : i32
    %dma_start3A_64 = tpu.memref_slice %arg6[%dma_start3A_60, %dma_start3A_61, %dma_start3A_62, %dma_start3A_63] : memref<4x2x100x64xf32, #tpu.memory_space<vmem>> -> memref<1x1x100x64xf32, #tpu.memory_space<vmem>>
    %dma_start3A_65 = tpu.memref_squeeze %dma_start3A_64 : memref<1x1x100x64xf32, #tpu.memory_space<vmem>> -> memref<100x64xf32, #tpu.memory_space<vmem>>
    %dma_start3A_66 = arith.constant 0 : i32
    %dma_start3A_67 = tpu.memref_slice %arg5[%dma_start3A_58, %dma_start3A_59, %dma_start3A_66] : memref<128x2x100xi32, #tpu.memory_space<vmem>> -> memref<1x1x100xi32, #tpu.memory_space<vmem>>
    %dma_start3A_68 = tpu.memref_squeeze %dma_start3A_67 : memref<1x1x100xi32, #tpu.memory_space<vmem>> -> memref<100xi32, #tpu.memory_space<vmem>>
    %dma_start3A_69 = arith.constant 0 : i32
    %dma_start3A_70 = arith.constant 0 : i32
    %dma_start3A_71 = tpu.memref_slice %arg3[%dma_start3A_69, %dma_start3A_70] : memref<100000x64xf32, #tpu.memory_space<hbm>> -> memref<100000x64xf32, #tpu.memory_space<hbm>>
    tpu.enqueue_indirect_dma source(%dma_start3A_71 : memref<100000x64xf32, #tpu.memory_space<hbm>>) target(%dma_start3A_65 : memref<100x64xf32, #tpu.memory_space<vmem>>) offsets(%dma_start3A_68 : memref<100xi32, #tpu.memory_space<vmem>>) semaphore(%arg10 : memref<!tpu.dma_semaphore, #tpu.memory_space<semaphore_mem>>)
    %dma_start3A_72 = arith.constant 2 : i32
    %dma_start3A_73 = arith.constant 1 : i32
    %dma_start3A_74 = arith.constant 2 : i32
    %dma_start3A_75 = arith.constant 1 : i32
    %dma_start3A_76 = arith.constant 0 : i32
    %dma_start3A_77 = arith.constant 0 : i32
    %dma_start3A_78 = tpu.memref_slice %arg6[%dma_start3A_74, %dma_start3A_75, %dma_start3A_76, %dma_start3A_77] : memref<4x2x100x64xf32, #tpu.memory_space<vmem>> -> memref<1x1x100x64xf32, #tpu.memory_space<vmem>>
    %dma_start3A_79 = tpu.memref_squeeze %dma_start3A_78 : memref<1x1x100x64xf32, #tpu.memory_space<vmem>> -> memref<100x64xf32, #tpu.memory_space<vmem>>
    %dma_start3A_80 = arith.constant 0 : i32
    %dma_start3A_81 = tpu.memref_slice %arg5[%dma_start3A_72, %dma_start3A_73, %dma_start3A_80] : memref<128x2x100xi32, #tpu.memory_space<vmem>> -> memref<1x1x100xi32, #tpu.memory_space<vmem>>
    %dma_start3A_82 = tpu.memref_squeeze %dma_start3A_81 : memref<1x1x100xi32, #tpu.memory_space<vmem>> -> memref<100xi32, #tpu.memory_space<vmem>>
    %dma_start3A_83 = arith.constant 0 : i32
    %dma_start3A_84 = arith.constant 0 : i32
    %dma_start3A_85 = tpu.memref_slice %arg3[%dma_start3A_83, %dma_start3A_84] : memref<100000x64xf32, #tpu.memory_space<hbm>> -> memref<100000x64xf32, #tpu.memory_space<hbm>>
    tpu.enqueue_indirect_dma source(%dma_start3A_85 : memref<100000x64xf32, #tpu.memory_space<hbm>>) target(%dma_start3A_79 : memref<100x64xf32, #tpu.memory_space<vmem>>) offsets(%dma_start3A_82 : memref<100xi32, #tpu.memory_space<vmem>>) semaphore(%arg10 : memref<!tpu.dma_semaphore, #tpu.memory_space<semaphore_mem>>)
    %dma_start3A_86 = arith.constant 3 : i32
    %dma_start3A_87 = arith.constant 0 : i32
    %dma_start3A_88 = arith.constant 3 : i32
    %dma_start3A_89 = arith.constant 0 : i32
    %dma_start3A_90 = arith.constant 0 : i32
    %dma_start3A_91 = arith.constant 0 : i32
    %dma_start3A_92 = tpu.memref_slice %arg6[%dma_start3A_88, %dma_start3A_89, %dma_start3A_90, %dma_start3A_91] : memref<4x2x100x64xf32, #tpu.memory_space<vmem>> -> memref<1x1x100x64xf32, #tpu.memory_space<vmem>>
    %dma_start3A_93 = tpu.memref_squeeze %dma_start3A_92 : memref<1x1x100x64xf32, #tpu.memory_space<vmem>> -> memref<100x64xf32, #tpu.memory_space<vmem>>
    %dma_start3A_94 = arith.constant 0 : i32
    %dma_start3A_95 = tpu.memref_slice %arg5[%dma_start3A_86, %dma_start3A_87, %dma_start3A_94] : memref<128x2x100xi32, #tpu.memory_space<vmem>> -> memref<1x1x100xi32, #tpu.memory_space<vmem>>
    %dma_start3A_96 = tpu.memref_squeeze %dma_start3A_95 : memref<1x1x100xi32, #tpu.memory_space<vmem>> -> memref<100xi32, #tpu.memory_space<vmem>>
    %dma_start3A_97 = arith.constant 0 : i32
    %dma_start3A_98 = arith.constant 0 : i32
    %dma_start3A_99 = tpu.memref_slice %arg3[%dma_start3A_97, %dma_start3A_98] : memref<100000x64xf32, #tpu.memory_space<hbm>> -> memref<100000x64xf32, #tpu.memory_space<hbm>>
    tpu.enqueue_indirect_dma source(%dma_start3A_99 : memref<100000x64xf32, #tpu.memory_space<hbm>>) target(%dma_start3A_93 : memref<100x64xf32, #tpu.memory_space<vmem>>) offsets(%dma_start3A_96 : memref<100xi32, #tpu.memory_space<vmem>>) semaphore(%arg11 : memref<!tpu.dma_semaphore, #tpu.memory_space<semaphore_mem>>)
    %dma_start3A_100 = arith.constant 3 : i32
    %dma_start3A_101 = arith.constant 1 : i32
    %dma_start3A_102 = arith.constant 3 : i32
    %dma_start3A_103 = arith.constant 1 : i32
    %dma_start3A_104 = arith.constant 0 : i32
    %dma_start3A_105 = arith.constant 0 : i32
    %dma_start3A_106 = tpu.memref_slice %arg6[%dma_start3A_102, %dma_start3A_103, %dma_start3A_104, %dma_start3A_105] : memref<4x2x100x64xf32, #tpu.memory_space<vmem>> -> memref<1x1x100x64xf32, #tpu.memory_space<vmem>>
    %dma_start3A_107 = tpu.memref_squeeze %dma_start3A_106 : memref<1x1x100x64xf32, #tpu.memory_space<vmem>> -> memref<100x64xf32, #tpu.memory_space<vmem>>
    %dma_start3A_108 = arith.constant 0 : i32
    %dma_start3A_109 = tpu.memref_slice %arg5[%dma_start3A_100, %dma_start3A_101, %dma_start3A_108] : memref<128x2x100xi32, #tpu.memory_space<vmem>> -> memref<1x1x100xi32, #tpu.memory_space<vmem>>
    %dma_start3A_110 = tpu.memref_squeeze %dma_start3A_109 : memref<1x1x100xi32, #tpu.memory_space<vmem>> -> memref<100xi32, #tpu.memory_space<vmem>>
    %dma_start3A_111 = arith.constant 0 : i32
    %dma_start3A_112 = arith.constant 0 : i32
    %dma_start3A_113 = tpu.memref_slice %arg3[%dma_start3A_111, %dma_start3A_112] : memref<100000x64xf32, #tpu.memory_space<hbm>> -> memref<100000x64xf32, #tpu.memory_space<hbm>>
    tpu.enqueue_indirect_dma source(%dma_start3A_113 : memref<100000x64xf32, #tpu.memory_space<hbm>>) target(%dma_start3A_107 : memref<100x64xf32, #tpu.memory_space<vmem>>) offsets(%dma_start3A_110 : memref<100xi32, #tpu.memory_space<vmem>>) semaphore(%arg11 : memref<!tpu.dma_semaphore, #tpu.memory_space<semaphore_mem>>)
    %scan3A = arith.constant 0 : i32
    %scan3A_114 = arith.constant 0 : i32
    %scan3A_115 = arith.constant 31 : i32
    %scan3A_116 = arith.addi %scan3A_114, %scan3A_115 : i32
    %scan3A_117 = arith.constant 1 : i32
    scf.for %scan3A_356 = %scan3A_114 to %scan3A_116 step %scan3A_117  : i32 {
      %mul3A_357 = arith.constant 4 : i32
      %mul3A_358 = arith.muli %mul3A_357, %scan3A_356 : i32
      %add3A_359 = arith.constant 0 : i32
      %add3A_360 = arith.addi %mul3A_358, %add3A_359 : i32
      %dma_wait3A_361 = arith.constant 0 : i32
      %dma_wait3A_362 = arith.constant 0 : i32
      %dma_wait3A_363 = arith.constant 0 : i32
      %dma_wait3A_364 = arith.constant 0 : i32
      %dma_wait3A_365 = arith.constant 0 : i32
      %dma_wait3A_366 = tpu.memref_slice %arg6[%dma_wait3A_362, %dma_wait3A_363, %dma_wait3A_364, %dma_wait3A_365] : memref<4x2x100x64xf32, #tpu.memory_space<vmem>> -> memref<1x1x100x64xf32, #tpu.memory_space<vmem>>
      %dma_wait3A_367 = tpu.memref_squeeze %dma_wait3A_366 : memref<1x1x100x64xf32, #tpu.memory_space<vmem>> -> memref<100x64xf32, #tpu.memory_space<vmem>>
      %dma_wait3A_368 = arith.constant 0 : i32
      %dma_wait3A_369 = tpu.memref_slice %arg5[%add3A_360, %dma_wait3A_361, %dma_wait3A_368] : memref<128x2x100xi32, #tpu.memory_space<vmem>> -> memref<1x1x100xi32, #tpu.memory_space<vmem>>
      %dma_wait3A_370 = tpu.memref_squeeze %dma_wait3A_369 : memref<1x1x100xi32, #tpu.memory_space<vmem>> -> memref<100xi32, #tpu.memory_space<vmem>>
      %dma_wait3A_371 = arith.constant 0 : i32
      %dma_wait3A_372 = arith.constant 0 : i32
      %dma_wait3A_373 = tpu.memref_slice %arg3[%dma_wait3A_371, %dma_wait3A_372] : memref<100000x64xf32, #tpu.memory_space<hbm>> -> memref<100000x64xf32, #tpu.memory_space<hbm>>
      tpu.wait_indirect_dma semaphore(%arg8 : memref<!tpu.dma_semaphore, #tpu.memory_space<semaphore_mem>>) src(%dma_wait3A_373 : memref<100000x64xf32, #tpu.memory_space<hbm>>) dst(%dma_wait3A_367 : memref<100x64xf32, #tpu.memory_space<vmem>>)
      %dma_wait3A_374 = arith.constant 1 : i32
      %dma_wait3A_375 = arith.constant 0 : i32
      %dma_wait3A_376 = arith.constant 1 : i32
      %dma_wait3A_377 = arith.constant 0 : i32
      %dma_wait3A_378 = arith.constant 0 : i32
      %dma_wait3A_379 = tpu.memref_slice %arg6[%dma_wait3A_375, %dma_wait3A_376, %dma_wait3A_377, %dma_wait3A_378] : memref<4x2x100x64xf32, #tpu.memory_space<vmem>> -> memref<1x1x100x64xf32, #tpu.memory_space<vmem>>
      %dma_wait3A_380 = tpu.memref_squeeze %dma_wait3A_379 : memref<1x1x100x64xf32, #tpu.memory_space<vmem>> -> memref<100x64xf32, #tpu.memory_space<vmem>>
      %dma_wait3A_381 = arith.constant 0 : i32
      %dma_wait3A_382 = tpu.memref_slice %arg5[%add3A_360, %dma_wait3A_374, %dma_wait3A_381] : memref<128x2x100xi32, #tpu.memory_space<vmem>> -> memref<1x1x100xi32, #tpu.memory_space<vmem>>
      %dma_wait3A_383 = tpu.memref_squeeze %dma_wait3A_382 : memref<1x1x100xi32, #tpu.memory_space<vmem>> -> memref<100xi32, #tpu.memory_space<vmem>>
      %dma_wait3A_384 = arith.constant 0 : i32
      %dma_wait3A_385 = arith.constant 0 : i32
      %dma_wait3A_386 = tpu.memref_slice %arg3[%dma_wait3A_384, %dma_wait3A_385] : memref<100000x64xf32, #tpu.memory_space<hbm>> -> memref<100000x64xf32, #tpu.memory_space<hbm>>
      tpu.wait_indirect_dma semaphore(%arg8 : memref<!tpu.dma_semaphore, #tpu.memory_space<semaphore_mem>>) src(%dma_wait3A_386 : memref<100000x64xf32, #tpu.memory_space<hbm>>) dst(%dma_wait3A_380 : memref<100x64xf32, #tpu.memory_space<vmem>>)
      %broadcast_in_dim3A_387 = arith.constant 0.000000e+00 : f32
      %broadcast_in_dim3A_388 = vector.broadcast %broadcast_in_dim3A_387 : f32 to vector<16xf32>
      %scan3A_389 = arith.constant 0 : i32
      %scan3A_390 = arith.constant 50 : i32
      %scan3A_391 = arith.addi %scan3A_389, %scan3A_390 : i32
      %scan3A_392 = arith.constant 1 : i32
      %scan3A_393:4 = scf.for %scan3A_701 = %scan3A_389 to %scan3A_391 step %scan3A_392 iter_args(%scan3A_702 = %broadcast_in_dim3A_388, %scan3A_703 = %broadcast_in_dim3A_388, %scan3A_704 = %broadcast_in_dim3A_388, %scan3A_705 = %broadcast_in_dim3A_388) -> (vector<16xf32>, vector<16xf32>, vector<16xf32>, vector<16xf32>)  : i32 {
        %mul3A_706 = arith.constant 2 : i32
        %mul3A_707 = arith.muli %mul3A_706, %scan3A_701 : i32
        %add3A_708 = arith.constant 0 : i32
        %add3A_709 = arith.addi %mul3A_707, %add3A_708 : i32
        %get3A = arith.constant 0 : i32
        %get3A_710 = arith.constant 0 : i32
        %get3A_711 = arith.index_cast %get3A : i32 to index
        %get3A_712 = arith.index_cast %get3A_710 : i32 to index
        %get3A_713 = arith.index_cast %add3A_709 : i32 to index
        %get3A_714 = arith.constant 0 : index
        %get3A_715 = tpu.vector_load %arg6[%get3A_711, %get3A_712, %get3A_713, %get3A_714] {strides = array<i32>} : memref<4x2x100x64xf32, #tpu.memory_space<vmem>>, vector<1x1x1x16xf32>,
        %get3A_716 = vector.shape_cast %get3A_715 : vector<1x1x1x16xf32> to vector<16xf32>
        %add3A_717 = arith.addf %scan3A_702, %get3A_716 : vector<16xf32>
        %mul3A_718 = arith.constant 2 : i32
        %mul3A_719 = arith.muli %mul3A_718, %scan3A_701 : i32
        %add3A_720 = arith.constant 0 : i32
        %add3A_721 = arith.addi %mul3A_719, %add3A_720 : i32
        %get3A_722 = arith.constant 0 : i32
        %get3A_723 = arith.constant 1 : i32
        %get3A_724 = arith.index_cast %get3A_722 : i32 to index
        %get3A_725 = arith.index_cast %get3A_723 : i32 to index
        %get3A_726 = arith.index_cast %add3A_721 : i32 to index
        %get3A_727 = arith.constant 0 : index
        %get3A_728 = tpu.vector_load %arg6[%get3A_724, %get3A_725, %get3A_726, %get3A_727] {strides = array<i32>} : memref<4x2x100x64xf32, #tpu.memory_space<vmem>>, vector<1x1x1x16xf32>,
        %get3A_729 = vector.shape_cast %get3A_728 : vector<1x1x1x16xf32> to vector<16xf32>
        %add3A_730 = arith.addf %add3A_717, %get3A_729 : vector<16xf32>
        %mul3A_731 = arith.constant 2 : i32
        %mul3A_732 = arith.muli %mul3A_731, %scan3A_701 : i32
        %add3A_733 = arith.constant 1 : i32
        %add3A_734 = arith.addi %mul3A_732, %add3A_733 : i32
        %get3A_735 = arith.constant 0 : i32
        %get3A_736 = arith.constant 0 : i32
        %get3A_737 = arith.index_cast %get3A_735 : i32 to index
        %get3A_738 = arith.index_cast %get3A_736 : i32 to index
        %get3A_739 = arith.index_cast %add3A_734 : i32 to index
        %get3A_740 = arith.constant 0 : index
        %get3A_741 = tpu.vector_load %arg6[%get3A_737, %get3A_738, %get3A_739, %get3A_740] {strides = array<i32>} : memref<4x2x100x64xf32, #tpu.memory_space<vmem>>, vector<1x1x1x16xf32>,
        %get3A_742 = vector.shape_cast %get3A_741 : vector<1x1x1x16xf32> to vector<16xf32>
        %add3A_743 = arith.addf %add3A_730, %get3A_742 : vector<16xf32>
        %mul3A_744 = arith.constant 2 : i32
        %mul3A_745 = arith.muli %mul3A_744, %scan3A_701 : i32
        %add3A_746 = arith.constant 1 : i32
        %add3A_747 = arith.addi %mul3A_745, %add3A_746 : i32
        %get3A_748 = arith.constant 0 : i32
        %get3A_749 = arith.constant 1 : i32
        %get3A_750 = arith.index_cast %get3A_748 : i32 to index
        %get3A_751 = arith.index_cast %get3A_749 : i32 to index
        %get3A_752 = arith.index_cast %add3A_747 : i32 to index
        %get3A_753 = arith.constant 0 : index
        %get3A_754 = tpu.vector_load %arg6[%get3A_750, %get3A_751, %get3A_752, %get3A_753] {strides = array<i32>} : memref<4x2x100x64xf32, #tpu.memory_space<vmem>>, vector<1x1x1x16xf32>,
        %get3A_755 = vector.shape_cast %get3A_754 : vector<1x1x1x16xf32> to vector<16xf32>
        %add3A_756 = arith.addf %add3A_743, %get3A_755 : vector<16xf32>
        %mul3A_757 = arith.constant 2 : i32
        %mul3A_758 = arith.muli %mul3A_757, %scan3A_701 : i32
        %add3A_759 = arith.constant 0 : i32
        %add3A_760 = arith.addi %mul3A_758, %add3A_759 : i32
        %get3A_761 = arith.constant 0 : i32
        %get3A_762 = arith.constant 0 : i32
        %get3A_763 = arith.index_cast %get3A_761 : i32 to index
        %get3A_764 = arith.index_cast %get3A_762 : i32 to index
        %get3A_765 = arith.index_cast %add3A_760 : i32 to index
        %get3A_766 = arith.constant 16 : index
        %get3A_767 = tpu.vector_load %arg6[%get3A_763, %get3A_764, %get3A_765, %get3A_766] {strides = array<i32>} : memref<4x2x100x64xf32, #tpu.memory_space<vmem>>, vector<1x1x1x16xf32>,
        %get3A_768 = vector.shape_cast %get3A_767 : vector<1x1x1x16xf32> to vector<16xf32>
        %add3A_769 = arith.addf %scan3A_703, %get3A_768 : vector<16xf32>
        %mul3A_770 = arith.constant 2 : i32
        %mul3A_771 = arith.muli %mul3A_770, %scan3A_701 : i32
        %add3A_772 = arith.constant 0 : i32
        %add3A_773 = arith.addi %mul3A_771, %add3A_772 : i32
        %get3A_774 = arith.constant 0 : i32
        %get3A_775 = arith.constant 1 : i32
        %get3A_776 = arith.index_cast %get3A_774 : i32 to index
        %get3A_777 = arith.index_cast %get3A_775 : i32 to index
        %get3A_778 = arith.index_cast %add3A_773 : i32 to index
        %get3A_779 = arith.constant 16 : index
        %get3A_780 = tpu.vector_load %arg6[%get3A_776, %get3A_777, %get3A_778, %get3A_779] {strides = array<i32>} : memref<4x2x100x64xf32, #tpu.memory_space<vmem>>, vector<1x1x1x16xf32>,
        %get3A_781 = vector.shape_cast %get3A_780 : vector<1x1x1x16xf32> to vector<16xf32>
        %add3A_782 = arith.addf %add3A_769, %get3A_781 : vector<16xf32>
        %mul3A_783 = arith.constant 2 : i32
        %mul3A_784 = arith.muli %mul3A_783, %scan3A_701 : i32
        %add3A_785 = arith.constant 1 : i32
        %add3A_786 = arith.addi %mul3A_784, %add3A_785 : i32
        %get3A_787 = arith.constant 0 : i32
        %get3A_788 = arith.constant 0 : i32
        %get3A_789 = arith.index_cast %get3A_787 : i32 to index
        %get3A_790 = arith.index_cast %get3A_788 : i32 to index
        %get3A_791 = arith.index_cast %add3A_786 : i32 to index
        %get3A_792 = arith.constant 16 : index
        %get3A_793 = tpu.vector_load %arg6[%get3A_789, %get3A_790, %get3A_791, %get3A_792] {strides = array<i32>} : memref<4x2x100x64xf32, #tpu.memory_space<vmem>>, vector<1x1x1x16xf32>,
        %get3A_794 = vector.shape_cast %get3A_793 : vector<1x1x1x16xf32> to vector<16xf32>
        %add3A_795 = arith.addf %add3A_782, %get3A_794 : vector<16xf32>
        %mul3A_796 = arith.constant 2 : i32
        %mul3A_797 = arith.muli %mul3A_796, %scan3A_701 : i32
        %add3A_798 = arith.constant 1 : i32
        %add3A_799 = arith.addi %mul3A_797, %add3A_798 : i32
        %get3A_800 = arith.constant 0 : i32
        %get3A_801 = arith.constant 1 : i32
        %get3A_802 = arith.index_cast %get3A_800 : i32 to index
        %get3A_803 = arith.index_cast %get3A_801 : i32 to index
        %get3A_804 = arith.index_cast %add3A_799 : i32 to index
        %get3A_805 = arith.constant 16 : index
        %get3A_806 = tpu.vector_load %arg6[%get3A_802, %get3A_803, %get3A_804, %get3A_805] {strides = array<i32>} : memref<4x2x100x64xf32, #tpu.memory_space<vmem>>, vector<1x1x1x16xf32>,
        %get3A_807 = vector.shape_cast %get3A_806 : vector<1x1x1x16xf32> to vector<16xf32>
        %add3A_808 = arith.addf %add3A_795, %get3A_807 : vector<16xf32>
        %mul3A_809 = arith.constant 2 : i32
        %mul3A_810 = arith.muli %mul3A_809, %scan3A_701 : i32
        %add3A_811 = arith.constant 0 : i32
        %add3A_812 = arith.addi %mul3A_810, %add3A_811 : i32
        %get3A_813 = arith.constant 0 : i32
        %get3A_814 = arith.constant 0 : i32
        %get3A_815 = arith.index_cast %get3A_813 : i32 to index
        %get3A_816 = arith.index_cast %get3A_814 : i32 to index
        %get3A_817 = arith.index_cast %add3A_812 : i32 to index
        %get3A_818 = arith.constant 32 : index
        %get3A_819 = tpu.vector_load %arg6[%get3A_815, %get3A_816, %get3A_817, %get3A_818] {strides = array<i32>} : memref<4x2x100x64xf32, #tpu.memory_space<vmem>>, vector<1x1x1x16xf32>,
        %get3A_820 = vector.shape_cast %get3A_819 : vector<1x1x1x16xf32> to vector<16xf32>
        %add3A_821 = arith.addf %scan3A_704, %get3A_820 : vector<16xf32>
        %mul3A_822 = arith.constant 2 : i32
        %mul3A_823 = arith.muli %mul3A_822, %scan3A_701 : i32
        %add3A_824 = arith.constant 0 : i32
        %add3A_825 = arith.addi %mul3A_823, %add3A_824 : i32
        %get3A_826 = arith.constant 0 : i32
        %get3A_827 = arith.constant 1 : i32
        %get3A_828 = arith.index_cast %get3A_826 : i32 to index
        %get3A_829 = arith.index_cast %get3A_827 : i32 to index
        %get3A_830 = arith.index_cast %add3A_825 : i32 to index
        %get3A_831 = arith.constant 32 : index
        %get3A_832 = tpu.vector_load %arg6[%get3A_828, %get3A_829, %get3A_830, %get3A_831] {strides = array<i32>} : memref<4x2x100x64xf32, #tpu.memory_space<vmem>>, vector<1x1x1x16xf32>,
        %get3A_833 = vector.shape_cast %get3A_832 : vector<1x1x1x16xf32> to vector<16xf32>
        %add3A_834 = arith.addf %add3A_821, %get3A_833 : vector<16xf32>
        %mul3A_835 = arith.constant 2 : i32
        %mul3A_836 = arith.muli %mul3A_835, %scan3A_701 : i32
        %add3A_837 = arith.constant 1 : i32
        %add3A_838 = arith.addi %mul3A_836, %add3A_837 : i32
        %get3A_839 = arith.constant 0 : i32
        %get3A_840 = arith.constant 0 : i32
        %get3A_841 = arith.index_cast %get3A_839 : i32 to index
        %get3A_842 = arith.index_cast %get3A_840 : i32 to index
        %get3A_843 = arith.index_cast %add3A_838 : i32 to index
        %get3A_844 = arith.constant 32 : index
        %get3A_845 = tpu.vector_load %arg6[%get3A_841, %get3A_842, %get3A_843, %get3A_844] {strides = array<i32>} : memref<4x2x100x64xf32, #tpu.memory_space<vmem>>, vector<1x1x1x16xf32>,
        %get3A_846 = vector.shape_cast %get3A_845 : vector<1x1x1x16xf32> to vector<16xf32>
        %add3A_847 = arith.addf %add3A_834, %get3A_846 : vector<16xf32>
        %mul3A_848 = arith.constant 2 : i32
        %mul3A_849 = arith.muli %mul3A_848, %scan3A_701 : i32
        %add3A_850 = arith.constant 1 : i32
        %add3A_851 = arith.addi %mul3A_849, %add3A_850 : i32
        %get3A_852 = arith.constant 0 : i32
        %get3A_853 = arith.constant 1 : i32
        %get3A_854 = arith.index_cast %get3A_852 : i32 to index
        %get3A_855 = arith.index_cast %get3A_853 : i32 to index
        %get3A_856 = arith.index_cast %add3A_851 : i32 to index
        %get3A_857 = arith.constant 32 : index
        %get3A_858 = tpu.vector_load %arg6[%get3A_854, %get3A_855, %get3A_856, %get3A_857] {strides = array<i32>} : memref<4x2x100x64xf32, #tpu.memory_space<vmem>>, vector<1x1x1x16xf32>,
        %get3A_859 = vector.shape_cast %get3A_858 : vector<1x1x1x16xf32> to vector<16xf32>
        %add3A_860 = arith.addf %add3A_847, %get3A_859 : vector<16xf32>
        %mul3A_861 = arith.constant 2 : i32
        %mul3A_862 = arith.muli %mul3A_861, %scan3A_701 : i32
        %add3A_863 = arith.constant 0 : i32
        %add3A_864 = arith.addi %mul3A_862, %add3A_863 : i32
        %get3A_865 = arith.constant 0 : i32
        %get3A_866 = arith.constant 0 : i32
        %get3A_867 = arith.index_cast %get3A_865 : i32 to index
        %get3A_868 = arith.index_cast %get3A_866 : i32 to index
        %get3A_869 = arith.index_cast %add3A_864 : i32 to index
        %get3A_870 = arith.constant 48 : index
        %get3A_871 = tpu.vector_load %arg6[%get3A_867, %get3A_868, %get3A_869, %get3A_870] {strides = array<i32>} : memref<4x2x100x64xf32, #tpu.memory_space<vmem>>, vector<1x1x1x16xf32>,
        %get3A_872 = vector.shape_cast %get3A_871 : vector<1x1x1x16xf32> to vector<16xf32>
        %add3A_873 = arith.addf %scan3A_705, %get3A_872 : vector<16xf32>
        %mul3A_874 = arith.constant 2 : i32
        %mul3A_875 = arith.muli %mul3A_874, %scan3A_701 : i32
        %add3A_876 = arith.constant 0 : i32
        %add3A_877 = arith.addi %mul3A_875, %add3A_876 : i32
        %get3A_878 = arith.constant 0 : i32
        %get3A_879 = arith.constant 1 : i32
        %get3A_880 = arith.index_cast %get3A_878 : i32 to index
        %get3A_881 = arith.index_cast %get3A_879 : i32 to index
        %get3A_882 = arith.index_cast %add3A_877 : i32 to index
        %get3A_883 = arith.constant 48 : index
        %get3A_884 = tpu.vector_load %arg6[%get3A_880, %get3A_881, %get3A_882, %get3A_883] {strides = array<i32>} : memref<4x2x100x64xf32, #tpu.memory_space<vmem>>, vector<1x1x1x16xf32>,
        %get3A_885 = vector.shape_cast %get3A_884 : vector<1x1x1x16xf32> to vector<16xf32>
        %add3A_886 = arith.addf %add3A_873, %get3A_885 : vector<16xf32>
        %mul3A_887 = arith.constant 2 : i32
        %mul3A_888 = arith.muli %mul3A_887, %scan3A_701 : i32
        %add3A_889 = arith.constant 1 : i32
        %add3A_890 = arith.addi %mul3A_888, %add3A_889 : i32
        %get3A_891 = arith.constant 0 : i32
        %get3A_892 = arith.constant 0 : i32
        %get3A_893 = arith.index_cast %get3A_891 : i32 to index
        %get3A_894 = arith.index_cast %get3A_892 : i32 to index
        %get3A_895 = arith.index_cast %add3A_890 : i32 to index
        %get3A_896 = arith.constant 48 : index
        %get3A_897 = tpu.vector_load %arg6[%get3A_893, %get3A_894, %get3A_895, %get3A_896] {strides = array<i32>} : memref<4x2x100x64xf32, #tpu.memory_space<vmem>>, vector<1x1x1x16xf32>,
        %get3A_898 = vector.shape_cast %get3A_897 : vector<1x1x1x16xf32> to vector<16xf32>
        %add3A_899 = arith.addf %add3A_886, %get3A_898 : vector<16xf32>
        %mul3A_900 = arith.constant 2 : i32
        %mul3A_901 = arith.muli %mul3A_900, %scan3A_701 : i32
        %add3A_902 = arith.constant 1 : i32
        %add3A_903 = arith.addi %mul3A_901, %add3A_902 : i32
        %get3A_904 = arith.constant 0 : i32
        %get3A_905 = arith.constant 1 : i32
        %get3A_906 = arith.index_cast %get3A_904 : i32 to index
        %get3A_907 = arith.index_cast %get3A_905 : i32 to index
        %get3A_908 = arith.index_cast %add3A_903 : i32 to index
        %get3A_909 = arith.constant 48 : index
        %get3A_910 = tpu.vector_load %arg6[%get3A_906, %get3A_907, %get3A_908, %get3A_909] {strides = array<i32>} : memref<4x2x100x64xf32, #tpu.memory_space<vmem>>, vector<1x1x1x16xf32>,
        %get3A_911 = vector.shape_cast %get3A_910 : vector<1x1x1x16xf32> to vector<16xf32>
        %add3A_912 = arith.addf %add3A_899, %get3A_911 : vector<16xf32>
        scf.yield %add3A_756, %add3A_808, %add3A_860, %add3A_912 : vector<16xf32>, vector<16xf32>, vector<16xf32>, vector<16xf32>
      }
      %scan3A_394 = arith.constant 50 : i32
      %swap3A_395 = arith.index_cast %add3A_360 : i32 to index
      %swap3A_396 = arith.constant 0 : index
      %swap3A_397 = tpu.vector_load %arg7[%swap3A_395, %swap3A_396] {strides = array<i32>} : memref<128x64xf32, #tpu.memory_space<vmem>>, vector<1x16xf32>,
      %swap3A_398 = vector.shape_cast %swap3A_397 : vector<1x16xf32> to vector<16xf32>
      %swap3A_399 = vector.shape_cast %scan3A_393#0 : vector<16xf32> to vector<1x16xf32>
      tpu.vector_store %arg7[%swap3A_395, %swap3A_396], %swap3A_399 {strides = array<i32>} : memref<128x64xf32, #tpu.memory_space<vmem>>, vector<1x16xf32>,
      %swap3A_400 = arith.index_cast %add3A_360 : i32 to index
      %swap3A_401 = arith.constant 16 : index
      %swap3A_402 = tpu.vector_load %arg7[%swap3A_400, %swap3A_401] {strides = array<i32>} : memref<128x64xf32, #tpu.memory_space<vmem>>, vector<1x16xf32>,
      %swap3A_403 = vector.shape_cast %swap3A_402 : vector<1x16xf32> to vector<16xf32>
      %swap3A_404 = vector.shape_cast %scan3A_393#1 : vector<16xf32> to vector<1x16xf32>
      tpu.vector_store %arg7[%swap3A_400, %swap3A_401], %swap3A_404 {strides = array<i32>} : memref<128x64xf32, #tpu.memory_space<vmem>>, vector<1x16xf32>,
      %swap3A_405 = arith.index_cast %add3A_360 : i32 to index
      %swap3A_406 = arith.constant 32 : index
      %swap3A_407 = tpu.vector_load %arg7[%swap3A_405, %swap3A_406] {strides = array<i32>} : memref<128x64xf32, #tpu.memory_space<vmem>>, vector<1x16xf32>,
      %swap3A_408 = vector.shape_cast %swap3A_407 : vector<1x16xf32> to vector<16xf32>
      %swap3A_409 = vector.shape_cast %scan3A_393#2 : vector<16xf32> to vector<1x16xf32>
      tpu.vector_store %arg7[%swap3A_405, %swap3A_406], %swap3A_409 {strides = array<i32>} : memref<128x64xf32, #tpu.memory_space<vmem>>, vector<1x16xf32>,
      %swap3A_410 = arith.index_cast %add3A_360 : i32 to index
      %swap3A_411 = arith.constant 48 : index
      %swap3A_412 = tpu.vector_load %arg7[%swap3A_410, %swap3A_411] {strides = array<i32>} : memref<128x64xf32, #tpu.memory_space<vmem>>, vector<1x16xf32>,
      %swap3A_413 = vector.shape_cast %swap3A_412 : vector<1x16xf32> to vector<16xf32>
      %swap3A_414 = vector.shape_cast %scan3A_393#3 : vector<16xf32> to vector<1x16xf32>
      tpu.vector_store %arg7[%swap3A_410, %swap3A_411], %swap3A_414 {strides = array<i32>} : memref<128x64xf32, #tpu.memory_space<vmem>>, vector<1x16xf32>,
      %add3A_415 = arith.constant 4 : i32
      %add3A_416 = arith.addi %add3A_360, %add3A_415 : i32
      %dma_start3A_417 = arith.constant 0 : i32
      %dma_start3A_418 = arith.constant 0 : i32
      %dma_start3A_419 = arith.constant 0 : i32
      %dma_start3A_420 = arith.constant 0 : i32
      %dma_start3A_421 = arith.constant 0 : i32
      %dma_start3A_422 = tpu.memref_slice %arg6[%dma_start3A_418, %dma_start3A_419, %dma_start3A_420, %dma_start3A_421] : memref<4x2x100x64xf32, #tpu.memory_space<vmem>> -> memref<1x1x100x64xf32, #tpu.memory_space<vmem>>
      %dma_start3A_423 = tpu.memref_squeeze %dma_start3A_422 : memref<1x1x100x64xf32, #tpu.memory_space<vmem>> -> memref<100x64xf32, #tpu.memory_space<vmem>>
      %dma_start3A_424 = arith.constant 0 : i32
      %dma_start3A_425 = tpu.memref_slice %arg5[%add3A_416, %dma_start3A_417, %dma_start3A_424] : memref<128x2x100xi32, #tpu.memory_space<vmem>> -> memref<1x1x100xi32, #tpu.memory_space<vmem>>
      %dma_start3A_426 = tpu.memref_squeeze %dma_start3A_425 : memref<1x1x100xi32, #tpu.memory_space<vmem>> -> memref<100xi32, #tpu.memory_space<vmem>>
      %dma_start3A_427 = arith.constant 0 : i32
      %dma_start3A_428 = arith.constant 0 : i32
      %dma_start3A_429 = tpu.memref_slice %arg3[%dma_start3A_427, %dma_start3A_428] : memref<100000x64xf32, #tpu.memory_space<hbm>> -> memref<100000x64xf32, #tpu.memory_space<hbm>>
      tpu.enqueue_indirect_dma source(%dma_start3A_429 : memref<100000x64xf32, #tpu.memory_space<hbm>>) target(%dma_start3A_423 : memref<100x64xf32, #tpu.memory_space<vmem>>) offsets(%dma_start3A_426 : memref<100xi32, #tpu.memory_space<vmem>>) semaphore(%arg8 : memref<!tpu.dma_semaphore, #tpu.memory_space<semaphore_mem>>)
      %dma_start3A_430 = arith.constant 1 : i32
      %dma_start3A_431 = arith.constant 0 : i32
      %dma_start3A_432 = arith.constant 1 : i32
      %dma_start3A_433 = arith.constant 0 : i32
      %dma_start3A_434 = arith.constant 0 : i32
      %dma_start3A_435 = tpu.memref_slice %arg6[%dma_start3A_431, %dma_start3A_432, %dma_start3A_433, %dma_start3A_434] : memref<4x2x100x64xf32, #tpu.memory_space<vmem>> -> memref<1x1x100x64xf32, #tpu.memory_space<vmem>>
      %dma_start3A_436 = tpu.memref_squeeze %dma_start3A_435 : memref<1x1x100x64xf32, #tpu.memory_space<vmem>> -> memref<100x64xf32, #tpu.memory_space<vmem>>
      %dma_start3A_437 = arith.constant 0 : i32
      %dma_start3A_438 = tpu.memref_slice %arg5[%add3A_416, %dma_start3A_430, %dma_start3A_437] : memref<128x2x100xi32, #tpu.memory_space<vmem>> -> memref<1x1x100xi32, #tpu.memory_space<vmem>>
      %dma_start3A_439 = tpu.memref_squeeze %dma_start3A_438 : memref<1x1x100xi32, #tpu.memory_space<vmem>> -> memref<100xi32, #tpu.memory_space<vmem>>
      %dma_start3A_440 = arith.constant 0 : i32
      %dma_start3A_441 = arith.constant 0 : i32
      %dma_start3A_442 = tpu.memref_slice %arg3[%dma_start3A_440, %dma_start3A_441] : memref<100000x64xf32, #tpu.memory_space<hbm>> -> memref<100000x64xf32, #tpu.memory_space<hbm>>
      tpu.enqueue_indirect_dma source(%dma_start3A_442 : memref<100000x64xf32, #tpu.memory_space<hbm>>) target(%dma_start3A_436 : memref<100x64xf32, #tpu.memory_space<vmem>>) offsets(%dma_start3A_439 : memref<100xi32, #tpu.memory_space<vmem>>) semaphore(%arg8 : memref<!tpu.dma_semaphore, #tpu.memory_space<semaphore_mem>>)
      %mul3A_443 = arith.constant 4 : i32
      %mul3A_444 = arith.muli %mul3A_443, %scan3A_356 : i32
      %add3A_445 = arith.constant 1 : i32
      %add3A_446 = arith.addi %mul3A_444, %add3A_445 : i32
      %dma_wait3A_447 = arith.constant 0 : i32
      %dma_wait3A_448 = arith.constant 1 : i32
      %dma_wait3A_449 = arith.constant 0 : i32
      %dma_wait3A_450 = arith.constant 0 : i32
      %dma_wait3A_451 = arith.constant 0 : i32
      %dma_wait3A_452 = tpu.memref_slice %arg6[%dma_wait3A_448, %dma_wait3A_449, %dma_wait3A_450, %dma_wait3A_451] : memref<4x2x100x64xf32, #tpu.memory_space<vmem>> -> memref<1x1x100x64xf32, #tpu.memory_space<vmem>>
      %dma_wait3A_453 = tpu.memref_squeeze %dma_wait3A_452 : memref<1x1x100x64xf32, #tpu.memory_space<vmem>> -> memref<100x64xf32, #tpu.memory_space<vmem>>
      %dma_wait3A_454 = arith.constant 0 : i32
      %dma_wait3A_455 = tpu.memref_slice %arg5[%add3A_446, %dma_wait3A_447, %dma_wait3A_454] : memref<128x2x100xi32, #tpu.memory_space<vmem>> -> memref<1x1x100xi32, #tpu.memory_space<vmem>>
      %dma_wait3A_456 = tpu.memref_squeeze %dma_wait3A_455 : memref<1x1x100xi32, #tpu.memory_space<vmem>> -> memref<100xi32, #tpu.memory_space<vmem>>
      %dma_wait3A_457 = arith.constant 0 : i32
      %dma_wait3A_458 = arith.constant 0 : i32
      %dma_wait3A_459 = tpu.memref_slice %arg3[%dma_wait3A_457, %dma_wait3A_458] : memref<100000x64xf32, #tpu.memory_space<hbm>> -> memref<100000x64xf32, #tpu.memory_space<hbm>>
      tpu.wait_indirect_dma semaphore(%arg9 : memref<!tpu.dma_semaphore, #tpu.memory_space<semaphore_mem>>) src(%dma_wait3A_459 : memref<100000x64xf32, #tpu.memory_space<hbm>>) dst(%dma_wait3A_453 : memref<100x64xf32, #tpu.memory_space<vmem>>)
      %dma_wait3A_460 = arith.constant 1 : i32
      %dma_wait3A_461 = arith.constant 1 : i32
      %dma_wait3A_462 = arith.constant 1 : i32
      %dma_wait3A_463 = arith.constant 0 : i32
      %dma_wait3A_464 = arith.constant 0 : i32
      %dma_wait3A_465 = tpu.memref_slice %arg6[%dma_wait3A_461, %dma_wait3A_462, %dma_wait3A_463, %dma_wait3A_464] : memref<4x2x100x64xf32, #tpu.memory_space<vmem>> -> memref<1x1x100x64xf32, #tpu.memory_space<vmem>>
      %dma_wait3A_466 = tpu.memref_squeeze %dma_wait3A_465 : memref<1x1x100x64xf32, #tpu.memory_space<vmem>> -> memref<100x64xf32, #tpu.memory_space<vmem>>
      %dma_wait3A_467 = arith.constant 0 : i32
      %dma_wait3A_468 = tpu.memref_slice %arg5[%add3A_446, %dma_wait3A_460, %dma_wait3A_467] : memref<128x2x100xi32, #tpu.memory_space<vmem>> -> memref<1x1x100xi32, #tpu.memory_space<vmem>>
      %dma_wait3A_469 = tpu.memref_squeeze %dma_wait3A_468 : memref<1x1x100xi32, #tpu.memory_space<vmem>> -> memref<100xi32, #tpu.memory_space<vmem>>
      %dma_wait3A_470 = arith.constant 0 : i32
      %dma_wait3A_471 = arith.constant 0 : i32
      %dma_wait3A_472 = tpu.memref_slice %arg3[%dma_wait3A_470, %dma_wait3A_471] : memref<100000x64xf32, #tpu.memory_space<hbm>> -> memref<100000x64xf32, #tpu.memory_space<hbm>>
      tpu.wait_indirect_dma semaphore(%arg9 : memref<!tpu.dma_semaphore, #tpu.memory_space<semaphore_mem>>) src(%dma_wait3A_472 : memref<100000x64xf32, #tpu.memory_space<hbm>>) dst(%dma_wait3A_466 : memref<100x64xf32, #tpu.memory_space<vmem>>)
      %broadcast_in_dim3A_473 = arith.constant 0.000000e+00 : f32
      %broadcast_in_dim3A_474 = vector.broadcast %broadcast_in_dim3A_473 : f32 to vector<16xf32>
      %scan3A_475 = arith.constant 0 : i32
      %scan3A_476 = arith.constant 50 : i32
      %scan3A_477 = arith.addi %scan3A_475, %scan3A_476 : i32
      %scan3A_478 = arith.constant 1 : i32
      %scan3A_479:4 = scf.for %scan3A_701 = %scan3A_475 to %scan3A_477 step %scan3A_478 iter_args(%scan3A_702 = %broadcast_in_dim3A_474, %scan3A_703 = %broadcast_in_dim3A_474, %scan3A_704 = %broadcast_in_dim3A_474, %scan3A_705 = %broadcast_in_dim3A_474) -> (vector<16xf32>, vector<16xf32>, vector<16xf32>, vector<16xf32>)  : i32 {
        %mul3A_706 = arith.constant 2 : i32
        %mul3A_707 = arith.muli %mul3A_706, %scan3A_701 : i32
        %add3A_708 = arith.constant 0 : i32
        %add3A_709 = arith.addi %mul3A_707, %add3A_708 : i32
        %get3A = arith.constant 1 : i32
        %get3A_710 = arith.constant 0 : i32
        %get3A_711 = arith.index_cast %get3A : i32 to index
        %get3A_712 = arith.index_cast %get3A_710 : i32 to index
        %get3A_713 = arith.index_cast %add3A_709 : i32 to index
        %get3A_714 = arith.constant 0 : index
        %get3A_715 = tpu.vector_load %arg6[%get3A_711, %get3A_712, %get3A_713, %get3A_714] {strides = array<i32>} : memref<4x2x100x64xf32, #tpu.memory_space<vmem>>, vector<1x1x1x16xf32>,
        %get3A_716 = vector.shape_cast %get3A_715 : vector<1x1x1x16xf32> to vector<16xf32>
        %add3A_717 = arith.addf %scan3A_702, %get3A_716 : vector<16xf32>
        %mul3A_718 = arith.constant 2 : i32
        %mul3A_719 = arith.muli %mul3A_718, %scan3A_701 : i32
        %add3A_720 = arith.constant 0 : i32
        %add3A_721 = arith.addi %mul3A_719, %add3A_720 : i32
        %get3A_722 = arith.constant 1 : i32
        %get3A_723 = arith.constant 1 : i32
        %get3A_724 = arith.index_cast %get3A_722 : i32 to index
        %get3A_725 = arith.index_cast %get3A_723 : i32 to index
        %get3A_726 = arith.index_cast %add3A_721 : i32 to index
        %get3A_727 = arith.constant 0 : index
        %get3A_728 = tpu.vector_load %arg6[%get3A_724, %get3A_725, %get3A_726, %get3A_727] {strides = array<i32>} : memref<4x2x100x64xf32, #tpu.memory_space<vmem>>, vector<1x1x1x16xf32>,
        %get3A_729 = vector.shape_cast %get3A_728 : vector<1x1x1x16xf32> to vector<16xf32>
        %add3A_730 = arith.addf %add3A_717, %get3A_729 : vector<16xf32>
        %mul3A_731 = arith.constant 2 : i32
        %mul3A_732 = arith.muli %mul3A_731, %scan3A_701 : i32
        %add3A_733 = arith.constant 1 : i32
        %add3A_734 = arith.addi %mul3A_732, %add3A_733 : i32
        %get3A_735 = arith.constant 1 : i32
        %get3A_736 = arith.constant 0 : i32
        %get3A_737 = arith.index_cast %get3A_735 : i32 to index
        %get3A_738 = arith.index_cast %get3A_736 : i32 to index
        %get3A_739 = arith.index_cast %add3A_734 : i32 to index
        %get3A_740 = arith.constant 0 : index
        %get3A_741 = tpu.vector_load %arg6[%get3A_737, %get3A_738, %get3A_739, %get3A_740] {strides = array<i32>} : memref<4x2x100x64xf32, #tpu.memory_space<vmem>>, vector<1x1x1x16xf32>,
        %get3A_742 = vector.shape_cast %get3A_741 : vector<1x1x1x16xf32> to vector<16xf32>
        %add3A_743 = arith.addf %add3A_730, %get3A_742 : vector<16xf32>
        %mul3A_744 = arith.constant 2 : i32
        %mul3A_745 = arith.muli %mul3A_744, %scan3A_701 : i32
        %add3A_746 = arith.constant 1 : i32
        %add3A_747 = arith.addi %mul3A_745, %add3A_746 : i32
        %get3A_748 = arith.constant 1 : i32
        %get3A_749 = arith.constant 1 : i32
        %get3A_750 = arith.index_cast %get3A_748 : i32 to index
        %get3A_751 = arith.index_cast %get3A_749 : i32 to index
        %get3A_752 = arith.index_cast %add3A_747 : i32 to index
        %get3A_753 = arith.constant 0 : index
        %get3A_754 = tpu.vector_load %arg6[%get3A_750, %get3A_751, %get3A_752, %get3A_753] {strides = array<i32>} : memref<4x2x100x64xf32, #tpu.memory_space<vmem>>, vector<1x1x1x16xf32>,
        %get3A_755 = vector.shape_cast %get3A_754 : vector<1x1x1x16xf32> to vector<16xf32>
        %add3A_756 = arith.addf %add3A_743, %get3A_755 : vector<16xf32>
        %mul3A_757 = arith.constant 2 : i32
        %mul3A_758 = arith.muli %mul3A_757, %scan3A_701 : i32
        %add3A_759 = arith.constant 0 : i32
        %add3A_760 = arith.addi %mul3A_758, %add3A_759 : i32
        %get3A_761 = arith.constant 1 : i32
        %get3A_762 = arith.constant 0 : i32
        %get3A_763 = arith.index_cast %get3A_761 : i32 to index
        %get3A_764 = arith.index_cast %get3A_762 : i32 to index
        %get3A_765 = arith.index_cast %add3A_760 : i32 to index
        %get3A_766 = arith.constant 16 : index
        %get3A_767 = tpu.vector_load %arg6[%get3A_763, %get3A_764, %get3A_765, %get3A_766] {strides = array<i32>} : memref<4x2x100x64xf32, #tpu.memory_space<vmem>>, vector<1x1x1x16xf32>,
        %get3A_768 = vector.shape_cast %get3A_767 : vector<1x1x1x16xf32> to vector<16xf32>
        %add3A_769 = arith.addf %scan3A_703, %get3A_768 : vector<16xf32>
        %mul3A_770 = arith.constant 2 : i32
        %mul3A_771 = arith.muli %mul3A_770, %scan3A_701 : i32
        %add3A_772 = arith.constant 0 : i32
        %add3A_773 = arith.addi %mul3A_771, %add3A_772 : i32
        %get3A_774 = arith.constant 1 : i32
        %get3A_775 = arith.constant 1 : i32
        %get3A_776 = arith.index_cast %get3A_774 : i32 to index
        %get3A_777 = arith.index_cast %get3A_775 : i32 to index
        %get3A_778 = arith.index_cast %add3A_773 : i32 to index
        %get3A_779 = arith.constant 16 : index
        %get3A_780 = tpu.vector_load %arg6[%get3A_776, %get3A_777, %get3A_778, %get3A_779] {strides = array<i32>} : memref<4x2x100x64xf32, #tpu.memory_space<vmem>>, vector<1x1x1x16xf32>,
        %get3A_781 = vector.shape_cast %get3A_780 : vector<1x1x1x16xf32> to vector<16xf32>
        %add3A_782 = arith.addf %add3A_769, %get3A_781 : vector<16xf32>
        %mul3A_783 = arith.constant 2 : i32
        %mul3A_784 = arith.muli %mul3A_783, %scan3A_701 : i32
        %add3A_785 = arith.constant 1 : i32
        %add3A_786 = arith.addi %mul3A_784, %add3A_785 : i32
        %get3A_787 = arith.constant 1 : i32
        %get3A_788 = arith.constant 0 : i32
        %get3A_789 = arith.index_cast %get3A_787 : i32 to index
        %get3A_790 = arith.index_cast %get3A_788 : i32 to index
        %get3A_791 = arith.index_cast %add3A_786 : i32 to index
        %get3A_792 = arith.constant 16 : index
        %get3A_793 = tpu.vector_load %arg6[%get3A_789, %get3A_790, %get3A_791, %get3A_792] {strides = array<i32>} : memref<4x2x100x64xf32, #tpu.memory_space<vmem>>, vector<1x1x1x16xf32>,
        %get3A_794 = vector.shape_cast %get3A_793 : vector<1x1x1x16xf32> to vector<16xf32>
        %add3A_795 = arith.addf %add3A_782, %get3A_794 : vector<16xf32>
        %mul3A_796 = arith.constant 2 : i32
        %mul3A_797 = arith.muli %mul3A_796, %scan3A_701 : i32
        %add3A_798 = arith.constant 1 : i32
        %add3A_799 = arith.addi %mul3A_797, %add3A_798 : i32
        %get3A_800 = arith.constant 1 : i32
        %get3A_801 = arith.constant 1 : i32
        %get3A_802 = arith.index_cast %get3A_800 : i32 to index
        %get3A_803 = arith.index_cast %get3A_801 : i32 to index
        %get3A_804 = arith.index_cast %add3A_799 : i32 to index
        %get3A_805 = arith.constant 16 : index
        %get3A_806 = tpu.vector_load %arg6[%get3A_802, %get3A_803, %get3A_804, %get3A_805] {strides = array<i32>} : memref<4x2x100x64xf32, #tpu.memory_space<vmem>>, vector<1x1x1x16xf32>,
        %get3A_807 = vector.shape_cast %get3A_806 : vector<1x1x1x16xf32> to vector<16xf32>
        %add3A_808 = arith.addf %add3A_795, %get3A_807 : vector<16xf32>
        %mul3A_809 = arith.constant 2 : i32
        %mul3A_810 = arith.muli %mul3A_809, %scan3A_701 : i32
        %add3A_811 = arith.constant 0 : i32
        %add3A_812 = arith.addi %mul3A_810, %add3A_811 : i32
        %get3A_813 = arith.constant 1 : i32
        %get3A_814 = arith.constant 0 : i32
        %get3A_815 = arith.index_cast %get3A_813 : i32 to index
        %get3A_816 = arith.index_cast %get3A_814 : i32 to index
        %get3A_817 = arith.index_cast %add3A_812 : i32 to index
        %get3A_818 = arith.constant 32 : index
        %get3A_819 = tpu.vector_load %arg6[%get3A_815, %get3A_816, %get3A_817, %get3A_818] {strides = array<i32>} : memref<4x2x100x64xf32, #tpu.memory_space<vmem>>, vector<1x1x1x16xf32>,
        %get3A_820 = vector.shape_cast %get3A_819 : vector<1x1x1x16xf32> to vector<16xf32>
        %add3A_821 = arith.addf %scan3A_704, %get3A_820 : vector<16xf32>
        %mul3A_822 = arith.constant 2 : i32
        %mul3A_823 = arith.muli %mul3A_822, %scan3A_701 : i32
        %add3A_824 = arith.constant 0 : i32
        %add3A_825 = arith.addi %mul3A_823, %add3A_824 : i32
        %get3A_826 = arith.constant 1 : i32
        %get3A_827 = arith.constant 1 : i32
        %get3A_828 = arith.index_cast %get3A_826 : i32 to index
        %get3A_829 = arith.index_cast %get3A_827 : i32 to index
        %get3A_830 = arith.index_cast %add3A_825 : i32 to index
        %get3A_831 = arith.constant 32 : index
        %get3A_832 = tpu.vector_load %arg6[%get3A_828, %get3A_829, %get3A_830, %get3A_831] {strides = array<i32>} : memref<4x2x100x64xf32, #tpu.memory_space<vmem>>, vector<1x1x1x16xf32>,
        %get3A_833 = vector.shape_cast %get3A_832 : vector<1x1x1x16xf32> to vector<16xf32>
        %add3A_834 = arith.addf %add3A_821, %get3A_833 : vector<16xf32>
        %mul3A_835 = arith.constant 2 : i32
        %mul3A_836 = arith.muli %mul3A_835, %scan3A_701 : i32
        %add3A_837 = arith.constant 1 : i32
        %add3A_838 = arith.addi %mul3A_836, %add3A_837 : i32
        %get3A_839 = arith.constant 1 : i32
        %get3A_840 = arith.constant 0 : i32
        %get3A_841 = arith.index_cast %get3A_839 : i32 to index
        %get3A_842 = arith.index_cast %get3A_840 : i32 to index
        %get3A_843 = arith.index_cast %add3A_838 : i32 to index
        %get3A_844 = arith.constant 32 : index
        %get3A_845 = tpu.vector_load %arg6[%get3A_841, %get3A_842, %get3A_843, %get3A_844] {strides = array<i32>} : memref<4x2x100x64xf32, #tpu.memory_space<vmem>>, vector<1x1x1x16xf32>,
        %get3A_846 = vector.shape_cast %get3A_845 : vector<1x1x1x16xf32> to vector<16xf32>
        %add3A_847 = arith.addf %add3A_834, %get3A_846 : vector<16xf32>
        %mul3A_848 = arith.constant 2 : i32
        %mul3A_849 = arith.muli %mul3A_848, %scan3A_701 : i32
        %add3A_850 = arith.constant 1 : i32
        %add3A_851 = arith.addi %mul3A_849, %add3A_850 : i32
        %get3A_852 = arith.constant 1 : i32
        %get3A_853 = arith.constant 1 : i32
        %get3A_854 = arith.index_cast %get3A_852 : i32 to index
        %get3A_855 = arith.index_cast %get3A_853 : i32 to index
        %get3A_856 = arith.index_cast %add3A_851 : i32 to index
        %get3A_857 = arith.constant 32 : index
        %get3A_858 = tpu.vector_load %arg6[%get3A_854, %get3A_855, %get3A_856, %get3A_857] {strides = array<i32>} : memref<4x2x100x64xf32, #tpu.memory_space<vmem>>, vector<1x1x1x16xf32>,
        %get3A_859 = vector.shape_cast %get3A_858 : vector<1x1x1x16xf32> to vector<16xf32>
        %add3A_860 = arith.addf %add3A_847, %get3A_859 : vector<16xf32>
        %mul3A_861 = arith.constant 2 : i32
        %mul3A_862 = arith.muli %mul3A_861, %scan3A_701 : i32
        %add3A_863 = arith.constant 0 : i32
        %add3A_864 = arith.addi %mul3A_862, %add3A_863 : i32
        %get3A_865 = arith.constant 1 : i32
        %get3A_866 = arith.constant 0 : i32
        %get3A_867 = arith.index_cast %get3A_865 : i32 to index
        %get3A_868 = arith.index_cast %get3A_866 : i32 to index
        %get3A_869 = arith.index_cast %add3A_864 : i32 to index
        %get3A_870 = arith.constant 48 : index
        %get3A_871 = tpu.vector_load %arg6[%get3A_867, %get3A_868, %get3A_869, %get3A_870] {strides = array<i32>} : memref<4x2x100x64xf32, #tpu.memory_space<vmem>>, vector<1x1x1x16xf32>,
        %get3A_872 = vector.shape_cast %get3A_871 : vector<1x1x1x16xf32> to vector<16xf32>
        %add3A_873 = arith.addf %scan3A_705, %get3A_872 : vector<16xf32>
        %mul3A_874 = arith.constant 2 : i32
        %mul3A_875 = arith.muli %mul3A_874, %scan3A_701 : i32
        %add3A_876 = arith.constant 0 : i32
        %add3A_877 = arith.addi %mul3A_875, %add3A_876 : i32
        %get3A_878 = arith.constant 1 : i32
        %get3A_879 = arith.constant 1 : i32
        %get3A_880 = arith.index_cast %get3A_878 : i32 to index
        %get3A_881 = arith.index_cast %get3A_879 : i32 to index
        %get3A_882 = arith.index_cast %add3A_877 : i32 to index
        %get3A_883 = arith.constant 48 : index
        %get3A_884 = tpu.vector_load %arg6[%get3A_880, %get3A_881, %get3A_882, %get3A_883] {strides = array<i32>} : memref<4x2x100x64xf32, #tpu.memory_space<vmem>>, vector<1x1x1x16xf32>,
        %get3A_885 = vector.shape_cast %get3A_884 : vector<1x1x1x16xf32> to vector<16xf32>
        %add3A_886 = arith.addf %add3A_873, %get3A_885 : vector<16xf32>
        %mul3A_887 = arith.constant 2 : i32
        %mul3A_888 = arith.muli %mul3A_887, %scan3A_701 : i32
        %add3A_889 = arith.constant 1 : i32
        %add3A_890 = arith.addi %mul3A_888, %add3A_889 : i32
        %get3A_891 = arith.constant 1 : i32
        %get3A_892 = arith.constant 0 : i32
        %get3A_893 = arith.index_cast %get3A_891 : i32 to index
        %get3A_894 = arith.index_cast %get3A_892 : i32 to index
        %get3A_895 = arith.index_cast %add3A_890 : i32 to index
        %get3A_896 = arith.constant 48 : index
        %get3A_897 = tpu.vector_load %arg6[%get3A_893, %get3A_894, %get3A_895, %get3A_896] {strides = array<i32>} : memref<4x2x100x64xf32, #tpu.memory_space<vmem>>, vector<1x1x1x16xf32>,
        %get3A_898 = vector.shape_cast %get3A_897 : vector<1x1x1x16xf32> to vector<16xf32>
        %add3A_899 = arith.addf %add3A_886, %get3A_898 : vector<16xf32>
        %mul3A_900 = arith.constant 2 : i32
        %mul3A_901 = arith.muli %mul3A_900, %scan3A_701 : i32
        %add3A_902 = arith.constant 1 : i32
        %add3A_903 = arith.addi %mul3A_901, %add3A_902 : i32
        %get3A_904 = arith.constant 1 : i32
        %get3A_905 = arith.constant 1 : i32
        %get3A_906 = arith.index_cast %get3A_904 : i32 to index
        %get3A_907 = arith.index_cast %get3A_905 : i32 to index
        %get3A_908 = arith.index_cast %add3A_903 : i32 to index
        %get3A_909 = arith.constant 48 : index
        %get3A_910 = tpu.vector_load %arg6[%get3A_906, %get3A_907, %get3A_908, %get3A_909] {strides = array<i32>} : memref<4x2x100x64xf32, #tpu.memory_space<vmem>>, vector<1x1x1x16xf32>,
        %get3A_911 = vector.shape_cast %get3A_910 : vector<1x1x1x16xf32> to vector<16xf32>
        %add3A_912 = arith.addf %add3A_899, %get3A_911 : vector<16xf32>
        scf.yield %add3A_756, %add3A_808, %add3A_860, %add3A_912 : vector<16xf32>, vector<16xf32>, vector<16xf32>, vector<16xf32>
      }
      %scan3A_480 = arith.constant 50 : i32
      %swap3A_481 = arith.index_cast %add3A_446 : i32 to index
      %swap3A_482 = arith.constant 0 : index
      %swap3A_483 = tpu.vector_load %arg7[%swap3A_481, %swap3A_482] {strides = array<i32>} : memref<128x64xf32, #tpu.memory_space<vmem>>, vector<1x16xf32>,
      %swap3A_484 = vector.shape_cast %swap3A_483 : vector<1x16xf32> to vector<16xf32>
      %swap3A_485 = vector.shape_cast %scan3A_479#0 : vector<16xf32> to vector<1x16xf32>
      tpu.vector_store %arg7[%swap3A_481, %swap3A_482], %swap3A_485 {strides = array<i32>} : memref<128x64xf32, #tpu.memory_space<vmem>>, vector<1x16xf32>,
      %swap3A_486 = arith.index_cast %add3A_446 : i32 to index
      %swap3A_487 = arith.constant 16 : index
      %swap3A_488 = tpu.vector_load %arg7[%swap3A_486, %swap3A_487] {strides = array<i32>} : memref<128x64xf32, #tpu.memory_space<vmem>>, vector<1x16xf32>,
      %swap3A_489 = vector.shape_cast %swap3A_488 : vector<1x16xf32> to vector<16xf32>
      %swap3A_490 = vector.shape_cast %scan3A_479#1 : vector<16xf32> to vector<1x16xf32>
      tpu.vector_store %arg7[%swap3A_486, %swap3A_487], %swap3A_490 {strides = array<i32>} : memref<128x64xf32, #tpu.memory_space<vmem>>, vector<1x16xf32>,
      %swap3A_491 = arith.index_cast %add3A_446 : i32 to index
      %swap3A_492 = arith.constant 32 : index
      %swap3A_493 = tpu.vector_load %arg7[%swap3A_491, %swap3A_492] {strides = array<i32>} : memref<128x64xf32, #tpu.memory_space<vmem>>, vector<1x16xf32>,
      %swap3A_494 = vector.shape_cast %swap3A_493 : vector<1x16xf32> to vector<16xf32>
      %swap3A_495 = vector.shape_cast %scan3A_479#2 : vector<16xf32> to vector<1x16xf32>
      tpu.vector_store %arg7[%swap3A_491, %swap3A_492], %swap3A_495 {strides = array<i32>} : memref<128x64xf32, #tpu.memory_space<vmem>>, vector<1x16xf32>,
      %swap3A_496 = arith.index_cast %add3A_446 : i32 to index
      %swap3A_497 = arith.constant 48 : index
      %swap3A_498 = tpu.vector_load %arg7[%swap3A_496, %swap3A_497] {strides = array<i32>} : memref<128x64xf32, #tpu.memory_space<vmem>>, vector<1x16xf32>,
      %swap3A_499 = vector.shape_cast %swap3A_498 : vector<1x16xf32> to vector<16xf32>
      %swap3A_500 = vector.shape_cast %scan3A_479#3 : vector<16xf32> to vector<1x16xf32>
      tpu.vector_store %arg7[%swap3A_496, %swap3A_497], %swap3A_500 {strides = array<i32>} : memref<128x64xf32, #tpu.memory_space<vmem>>, vector<1x16xf32>,
      %add3A_501 = arith.constant 4 : i32
      %add3A_502 = arith.addi %add3A_446, %add3A_501 : i32
      %dma_start3A_503 = arith.constant 0 : i32
      %dma_start3A_504 = arith.constant 1 : i32
      %dma_start3A_505 = arith.constant 0 : i32
      %dma_start3A_506 = arith.constant 0 : i32
      %dma_start3A_507 = arith.constant 0 : i32
      %dma_start3A_508 = tpu.memref_slice %arg6[%dma_start3A_504, %dma_start3A_505, %dma_start3A_506, %dma_start3A_507] : memref<4x2x100x64xf32, #tpu.memory_space<vmem>> -> memref<1x1x100x64xf32, #tpu.memory_space<vmem>>
      %dma_start3A_509 = tpu.memref_squeeze %dma_start3A_508 : memref<1x1x100x64xf32, #tpu.memory_space<vmem>> -> memref<100x64xf32, #tpu.memory_space<vmem>>
      %dma_start3A_510 = arith.constant 0 : i32
      %dma_start3A_511 = tpu.memref_slice %arg5[%add3A_502, %dma_start3A_503, %dma_start3A_510] : memref<128x2x100xi32, #tpu.memory_space<vmem>> -> memref<1x1x100xi32, #tpu.memory_space<vmem>>
      %dma_start3A_512 = tpu.memref_squeeze %dma_start3A_511 : memref<1x1x100xi32, #tpu.memory_space<vmem>> -> memref<100xi32, #tpu.memory_space<vmem>>
      %dma_start3A_513 = arith.constant 0 : i32
      %dma_start3A_514 = arith.constant 0 : i32
      %dma_start3A_515 = tpu.memref_slice %arg3[%dma_start3A_513, %dma_start3A_514] : memref<100000x64xf32, #tpu.memory_space<hbm>> -> memref<100000x64xf32, #tpu.memory_space<hbm>>
      tpu.enqueue_indirect_dma source(%dma_start3A_515 : memref<100000x64xf32, #tpu.memory_space<hbm>>) target(%dma_start3A_509 : memref<100x64xf32, #tpu.memory_space<vmem>>) offsets(%dma_start3A_512 : memref<100xi32, #tpu.memory_space<vmem>>) semaphore(%arg9 : memref<!tpu.dma_semaphore, #tpu.memory_space<semaphore_mem>>)
      %dma_start3A_516 = arith.constant 1 : i32
      %dma_start3A_517 = arith.constant 1 : i32
      %dma_start3A_518 = arith.constant 1 : i32
      %dma_start3A_519 = arith.constant 0 : i32
      %dma_start3A_520 = arith.constant 0 : i32
      %dma_start3A_521 = tpu.memref_slice %arg6[%dma_start3A_517, %dma_start3A_518, %dma_start3A_519, %dma_start3A_520] : memref<4x2x100x64xf32, #tpu.memory_space<vmem>> -> memref<1x1x100x64xf32, #tpu.memory_space<vmem>>
      %dma_start3A_522 = tpu.memref_squeeze %dma_start3A_521 : memref<1x1x100x64xf32, #tpu.memory_space<vmem>> -> memref<100x64xf32, #tpu.memory_space<vmem>>
      %dma_start3A_523 = arith.constant 0 : i32
      %dma_start3A_524 = tpu.memref_slice %arg5[%add3A_502, %dma_start3A_516, %dma_start3A_523] : memref<128x2x100xi32, #tpu.memory_space<vmem>> -> memref<1x1x100xi32, #tpu.memory_space<vmem>>
      %dma_start3A_525 = tpu.memref_squeeze %dma_start3A_524 : memref<1x1x100xi32, #tpu.memory_space<vmem>> -> memref<100xi32, #tpu.memory_space<vmem>>
      %dma_start3A_526 = arith.constant 0 : i32
      %dma_start3A_527 = arith.constant 0 : i32
      %dma_start3A_528 = tpu.memref_slice %arg3[%dma_start3A_526, %dma_start3A_527] : memref<100000x64xf32, #tpu.memory_space<hbm>> -> memref<100000x64xf32, #tpu.memory_space<hbm>>
      tpu.enqueue_indirect_dma source(%dma_start3A_528 : memref<100000x64xf32, #tpu.memory_space<hbm>>) target(%dma_start3A_522 : memref<100x64xf32, #tpu.memory_space<vmem>>) offsets(%dma_start3A_525 : memref<100xi32, #tpu.memory_space<vmem>>) semaphore(%arg9 : memref<!tpu.dma_semaphore, #tpu.memory_space<semaphore_mem>>)
      %mul3A_529 = arith.constant 4 : i32
      %mul3A_530 = arith.muli %mul3A_529, %scan3A_356 : i32
      %add3A_531 = arith.constant 2 : i32
      %add3A_532 = arith.addi %mul3A_530, %add3A_531 : i32
      %dma_wait3A_533 = arith.constant 0 : i32
      %dma_wait3A_534 = arith.constant 2 : i32
      %dma_wait3A_535 = arith.constant 0 : i32
      %dma_wait3A_536 = arith.constant 0 : i32
      %dma_wait3A_537 = arith.constant 0 : i32
      %dma_wait3A_538 = tpu.memref_slice %arg6[%dma_wait3A_534, %dma_wait3A_535, %dma_wait3A_536, %dma_wait3A_537] : memref<4x2x100x64xf32, #tpu.memory_space<vmem>> -> memref<1x1x100x64xf32, #tpu.memory_space<vmem>>
      %dma_wait3A_539 = tpu.memref_squeeze %dma_wait3A_538 : memref<1x1x100x64xf32, #tpu.memory_space<vmem>> -> memref<100x64xf32, #tpu.memory_space<vmem>>
      %dma_wait3A_540 = arith.constant 0 : i32
      %dma_wait3A_541 = tpu.memref_slice %arg5[%add3A_532, %dma_wait3A_533, %dma_wait3A_540] : memref<128x2x100xi32, #tpu.memory_space<vmem>> -> memref<1x1x100xi32, #tpu.memory_space<vmem>>
      %dma_wait3A_542 = tpu.memref_squeeze %dma_wait3A_541 : memref<1x1x100xi32, #tpu.memory_space<vmem>> -> memref<100xi32, #tpu.memory_space<vmem>>
      %dma_wait3A_543 = arith.constant 0 : i32
      %dma_wait3A_544 = arith.constant 0 : i32
      %dma_wait3A_545 = tpu.memref_slice %arg3[%dma_wait3A_543, %dma_wait3A_544] : memref<100000x64xf32, #tpu.memory_space<hbm>> -> memref<100000x64xf32, #tpu.memory_space<hbm>>
      tpu.wait_indirect_dma semaphore(%arg10 : memref<!tpu.dma_semaphore, #tpu.memory_space<semaphore_mem>>) src(%dma_wait3A_545 : memref<100000x64xf32, #tpu.memory_space<hbm>>) dst(%dma_wait3A_539 : memref<100x64xf32, #tpu.memory_space<vmem>>)
      %dma_wait3A_546 = arith.constant 1 : i32
      %dma_wait3A_547 = arith.constant 2 : i32
      %dma_wait3A_548 = arith.constant 1 : i32
      %dma_wait3A_549 = arith.constant 0 : i32
      %dma_wait3A_550 = arith.constant 0 : i32
      %dma_wait3A_551 = tpu.memref_slice %arg6[%dma_wait3A_547, %dma_wait3A_548, %dma_wait3A_549, %dma_wait3A_550] : memref<4x2x100x64xf32, #tpu.memory_space<vmem>> -> memref<1x1x100x64xf32, #tpu.memory_space<vmem>>
      %dma_wait3A_552 = tpu.memref_squeeze %dma_wait3A_551 : memref<1x1x100x64xf32, #tpu.memory_space<vmem>> -> memref<100x64xf32, #tpu.memory_space<vmem>>
      %dma_wait3A_553 = arith.constant 0 : i32
      %dma_wait3A_554 = tpu.memref_slice %arg5[%add3A_532, %dma_wait3A_546, %dma_wait3A_553] : memref<128x2x100xi32, #tpu.memory_space<vmem>> -> memref<1x1x100xi32, #tpu.memory_space<vmem>>
      %dma_wait3A_555 = tpu.memref_squeeze %dma_wait3A_554 : memref<1x1x100xi32, #tpu.memory_space<vmem>> -> memref<100xi32, #tpu.memory_space<vmem>>
      %dma_wait3A_556 = arith.constant 0 : i32
      %dma_wait3A_557 = arith.constant 0 : i32
      %dma_wait3A_558 = tpu.memref_slice %arg3[%dma_wait3A_556, %dma_wait3A_557] : memref<100000x64xf32, #tpu.memory_space<hbm>> -> memref<100000x64xf32, #tpu.memory_space<hbm>>
      tpu.wait_indirect_dma semaphore(%arg10 : memref<!tpu.dma_semaphore, #tpu.memory_space<semaphore_mem>>) src(%dma_wait3A_558 : memref<100000x64xf32, #tpu.memory_space<hbm>>) dst(%dma_wait3A_552 : memref<100x64xf32, #tpu.memory_space<vmem>>)
      %broadcast_in_dim3A_559 = arith.constant 0.000000e+00 : f32
      %broadcast_in_dim3A_560 = vector.broadcast %broadcast_in_dim3A_559 : f32 to vector<16xf32>
      %scan3A_561 = arith.constant 0 : i32
      %scan3A_562 = arith.constant 50 : i32
      %scan3A_563 = arith.addi %scan3A_561, %scan3A_562 : i32
      %scan3A_564 = arith.constant 1 : i32
      %scan3A_565:4 = scf.for %scan3A_701 = %scan3A_561 to %scan3A_563 step %scan3A_564 iter_args(%scan3A_702 = %broadcast_in_dim3A_560, %scan3A_703 = %broadcast_in_dim3A_560, %scan3A_704 = %broadcast_in_dim3A_560, %scan3A_705 = %broadcast_in_dim3A_560) -> (vector<16xf32>, vector<16xf32>, vector<16xf32>, vector<16xf32>)  : i32 {
        %mul3A_706 = arith.constant 2 : i32
        %mul3A_707 = arith.muli %mul3A_706, %scan3A_701 : i32
        %add3A_708 = arith.constant 0 : i32
        %add3A_709 = arith.addi %mul3A_707, %add3A_708 : i32
        %get3A = arith.constant 2 : i32
        %get3A_710 = arith.constant 0 : i32
        %get3A_711 = arith.index_cast %get3A : i32 to index
        %get3A_712 = arith.index_cast %get3A_710 : i32 to index
        %get3A_713 = arith.index_cast %add3A_709 : i32 to index
        %get3A_714 = arith.constant 0 : index
        %get3A_715 = tpu.vector_load %arg6[%get3A_711, %get3A_712, %get3A_713, %get3A_714] {strides = array<i32>} : memref<4x2x100x64xf32, #tpu.memory_space<vmem>>, vector<1x1x1x16xf32>,
        %get3A_716 = vector.shape_cast %get3A_715 : vector<1x1x1x16xf32> to vector<16xf32>
        %add3A_717 = arith.addf %scan3A_702, %get3A_716 : vector<16xf32>
        %mul3A_718 = arith.constant 2 : i32
        %mul3A_719 = arith.muli %mul3A_718, %scan3A_701 : i32
        %add3A_720 = arith.constant 0 : i32
        %add3A_721 = arith.addi %mul3A_719, %add3A_720 : i32
        %get3A_722 = arith.constant 2 : i32
        %get3A_723 = arith.constant 1 : i32
        %get3A_724 = arith.index_cast %get3A_722 : i32 to index
        %get3A_725 = arith.index_cast %get3A_723 : i32 to index
        %get3A_726 = arith.index_cast %add3A_721 : i32 to index
        %get3A_727 = arith.constant 0 : index
        %get3A_728 = tpu.vector_load %arg6[%get3A_724, %get3A_725, %get3A_726, %get3A_727] {strides = array<i32>} : memref<4x2x100x64xf32, #tpu.memory_space<vmem>>, vector<1x1x1x16xf32>,
        %get3A_729 = vector.shape_cast %get3A_728 : vector<1x1x1x16xf32> to vector<16xf32>
        %add3A_730 = arith.addf %add3A_717, %get3A_729 : vector<16xf32>
        %mul3A_731 = arith.constant 2 : i32
        %mul3A_732 = arith.muli %mul3A_731, %scan3A_701 : i32
        %add3A_733 = arith.constant 1 : i32
        %add3A_734 = arith.addi %mul3A_732, %add3A_733 : i32
        %get3A_735 = arith.constant 2 : i32
        %get3A_736 = arith.constant 0 : i32
        %get3A_737 = arith.index_cast %get3A_735 : i32 to index
        %get3A_738 = arith.index_cast %get3A_736 : i32 to index
        %get3A_739 = arith.index_cast %add3A_734 : i32 to index
        %get3A_740 = arith.constant 0 : index
        %get3A_741 = tpu.vector_load %arg6[%get3A_737, %get3A_738, %get3A_739, %get3A_740] {strides = array<i32>} : memref<4x2x100x64xf32, #tpu.memory_space<vmem>>, vector<1x1x1x16xf32>,
        %get3A_742 = vector.shape_cast %get3A_741 : vector<1x1x1x16xf32> to vector<16xf32>
        %add3A_743 = arith.addf %add3A_730, %get3A_742 : vector<16xf32>
        %mul3A_744 = arith.constant 2 : i32
        %mul3A_745 = arith.muli %mul3A_744, %scan3A_701 : i32
        %add3A_746 = arith.constant 1 : i32
        %add3A_747 = arith.addi %mul3A_745, %add3A_746 : i32
        %get3A_748 = arith.constant 2 : i32
        %get3A_749 = arith.constant 1 : i32
        %get3A_750 = arith.index_cast %get3A_748 : i32 to index
        %get3A_751 = arith.index_cast %get3A_749 : i32 to index
        %get3A_752 = arith.index_cast %add3A_747 : i32 to index
        %get3A_753 = arith.constant 0 : index
        %get3A_754 = tpu.vector_load %arg6[%get3A_750, %get3A_751, %get3A_752, %get3A_753] {strides = array<i32>} : memref<4x2x100x64xf32, #tpu.memory_space<vmem>>, vector<1x1x1x16xf32>,
        %get3A_755 = vector.shape_cast %get3A_754 : vector<1x1x1x16xf32> to vector<16xf32>
        %add3A_756 = arith.addf %add3A_743, %get3A_755 : vector<16xf32>
        %mul3A_757 = arith.constant 2 : i32
        %mul3A_758 = arith.muli %mul3A_757, %scan3A_701 : i32
        %add3A_759 = arith.constant 0 : i32
        %add3A_760 = arith.addi %mul3A_758, %add3A_759 : i32
        %get3A_761 = arith.constant 2 : i32
        %get3A_762 = arith.constant 0 : i32
        %get3A_763 = arith.index_cast %get3A_761 : i32 to index
        %get3A_764 = arith.index_cast %get3A_762 : i32 to index
        %get3A_765 = arith.index_cast %add3A_760 : i32 to index
        %get3A_766 = arith.constant 16 : index
        %get3A_767 = tpu.vector_load %arg6[%get3A_763, %get3A_764, %get3A_765, %get3A_766] {strides = array<i32>} : memref<4x2x100x64xf32, #tpu.memory_space<vmem>>, vector<1x1x1x16xf32>,
        %get3A_768 = vector.shape_cast %get3A_767 : vector<1x1x1x16xf32> to vector<16xf32>
        %add3A_769 = arith.addf %scan3A_703, %get3A_768 : vector<16xf32>
        %mul3A_770 = arith.constant 2 : i32
        %mul3A_771 = arith.muli %mul3A_770, %scan3A_701 : i32
        %add3A_772 = arith.constant 0 : i32
        %add3A_773 = arith.addi %mul3A_771, %add3A_772 : i32
        %get3A_774 = arith.constant 2 : i32
        %get3A_775 = arith.constant 1 : i32
        %get3A_776 = arith.index_cast %get3A_774 : i32 to index
        %get3A_777 = arith.index_cast %get3A_775 : i32 to index
        %get3A_778 = arith.index_cast %add3A_773 : i32 to index
        %get3A_779 = arith.constant 16 : index
        %get3A_780 = tpu.vector_load %arg6[%get3A_776, %get3A_777, %get3A_778, %get3A_779] {strides = array<i32>} : memref<4x2x100x64xf32, #tpu.memory_space<vmem>>, vector<1x1x1x16xf32>,
        %get3A_781 = vector.shape_cast %get3A_780 : vector<1x1x1x16xf32> to vector<16xf32>
        %add3A_782 = arith.addf %add3A_769, %get3A_781 : vector<16xf32>
        %mul3A_783 = arith.constant 2 : i32
        %mul3A_784 = arith.muli %mul3A_783, %scan3A_701 : i32
        %add3A_785 = arith.constant 1 : i32
        %add3A_786 = arith.addi %mul3A_784, %add3A_785 : i32
        %get3A_787 = arith.constant 2 : i32
        %get3A_788 = arith.constant 0 : i32
        %get3A_789 = arith.index_cast %get3A_787 : i32 to index
        %get3A_790 = arith.index_cast %get3A_788 : i32 to index
        %get3A_791 = arith.index_cast %add3A_786 : i32 to index
        %get3A_792 = arith.constant 16 : index
        %get3A_793 = tpu.vector_load %arg6[%get3A_789, %get3A_790, %get3A_791, %get3A_792] {strides = array<i32>} : memref<4x2x100x64xf32, #tpu.memory_space<vmem>>, vector<1x1x1x16xf32>,
        %get3A_794 = vector.shape_cast %get3A_793 : vector<1x1x1x16xf32> to vector<16xf32>
        %add3A_795 = arith.addf %add3A_782, %get3A_794 : vector<16xf32>
        %mul3A_796 = arith.constant 2 : i32
        %mul3A_797 = arith.muli %mul3A_796, %scan3A_701 : i32
        %add3A_798 = arith.constant 1 : i32
        %add3A_799 = arith.addi %mul3A_797, %add3A_798 : i32
        %get3A_800 = arith.constant 2 : i32
        %get3A_801 = arith.constant 1 : i32
        %get3A_802 = arith.index_cast %get3A_800 : i32 to index
        %get3A_803 = arith.index_cast %get3A_801 : i32 to index
        %get3A_804 = arith.index_cast %add3A_799 : i32 to index
        %get3A_805 = arith.constant 16 : index
        %get3A_806 = tpu.vector_load %arg6[%get3A_802, %get3A_803, %get3A_804, %get3A_805] {strides = array<i32>} : memref<4x2x100x64xf32, #tpu.memory_space<vmem>>, vector<1x1x1x16xf32>,
        %get3A_807 = vector.shape_cast %get3A_806 : vector<1x1x1x16xf32> to vector<16xf32>
        %add3A_808 = arith.addf %add3A_795, %get3A_807 : vector<16xf32>
        %mul3A_809 = arith.constant 2 : i32
        %mul3A_810 = arith.muli %mul3A_809, %scan3A_701 : i32
        %add3A_811 = arith.constant 0 : i32
        %add3A_812 = arith.addi %mul3A_810, %add3A_811 : i32
        %get3A_813 = arith.constant 2 : i32
        %get3A_814 = arith.constant 0 : i32
        %get3A_815 = arith.index_cast %get3A_813 : i32 to index
        %get3A_816 = arith.index_cast %get3A_814 : i32 to index
        %get3A_817 = arith.index_cast %add3A_812 : i32 to index
        %get3A_818 = arith.constant 32 : index
        %get3A_819 = tpu.vector_load %arg6[%get3A_815, %get3A_816, %get3A_817, %get3A_818] {strides = array<i32>} : memref<4x2x100x64xf32, #tpu.memory_space<vmem>>, vector<1x1x1x16xf32>,
        %get3A_820 = vector.shape_cast %get3A_819 : vector<1x1x1x16xf32> to vector<16xf32>
        %add3A_821 = arith.addf %scan3A_704, %get3A_820 : vector<16xf32>
        %mul3A_822 = arith.constant 2 : i32
        %mul3A_823 = arith.muli %mul3A_822, %scan3A_701 : i32
        %add3A_824 = arith.constant 0 : i32
        %add3A_825 = arith.addi %mul3A_823, %add3A_824 : i32
        %get3A_826 = arith.constant 2 : i32
        %get3A_827 = arith.constant 1 : i32
        %get3A_828 = arith.index_cast %get3A_826 : i32 to index
        %get3A_829 = arith.index_cast %get3A_827 : i32 to index
        %get3A_830 = arith.index_cast %add3A_825 : i32 to index
        %get3A_831 = arith.constant 32 : index
        %get3A_832 = tpu.vector_load %arg6[%get3A_828, %get3A_829, %get3A_830, %get3A_831] {strides = array<i32>} : memref<4x2x100x64xf32, #tpu.memory_space<vmem>>, vector<1x1x1x16xf32>,
        %get3A_833 = vector.shape_cast %get3A_832 : vector<1x1x1x16xf32> to vector<16xf32>
        %add3A_834 = arith.addf %add3A_821, %get3A_833 : vector<16xf32>
        %mul3A_835 = arith.constant 2 : i32
        %mul3A_836 = arith.muli %mul3A_835, %scan3A_701 : i32
        %add3A_837 = arith.constant 1 : i32
        %add3A_838 = arith.addi %mul3A_836, %add3A_837 : i32
        %get3A_839 = arith.constant 2 : i32
        %get3A_840 = arith.constant 0 : i32
        %get3A_841 = arith.index_cast %get3A_839 : i32 to index
        %get3A_842 = arith.index_cast %get3A_840 : i32 to index
        %get3A_843 = arith.index_cast %add3A_838 : i32 to index
        %get3A_844 = arith.constant 32 : index
        %get3A_845 = tpu.vector_load %arg6[%get3A_841, %get3A_842, %get3A_843, %get3A_844] {strides = array<i32>} : memref<4x2x100x64xf32, #tpu.memory_space<vmem>>, vector<1x1x1x16xf32>,
        %get3A_846 = vector.shape_cast %get3A_845 : vector<1x1x1x16xf32> to vector<16xf32>
        %add3A_847 = arith.addf %add3A_834, %get3A_846 : vector<16xf32>
        %mul3A_848 = arith.constant 2 : i32
        %mul3A_849 = arith.muli %mul3A_848, %scan3A_701 : i32
        %add3A_850 = arith.constant 1 : i32
        %add3A_851 = arith.addi %mul3A_849, %add3A_850 : i32
        %get3A_852 = arith.constant 2 : i32
        %get3A_853 = arith.constant 1 : i32
        %get3A_854 = arith.index_cast %get3A_852 : i32 to index
        %get3A_855 = arith.index_cast %get3A_853 : i32 to index
        %get3A_856 = arith.index_cast %add3A_851 : i32 to index
        %get3A_857 = arith.constant 32 : index
        %get3A_858 = tpu.vector_load %arg6[%get3A_854, %get3A_855, %get3A_856, %get3A_857] {strides = array<i32>} : memref<4x2x100x64xf32, #tpu.memory_space<vmem>>, vector<1x1x1x16xf32>,
        %get3A_859 = vector.shape_cast %get3A_858 : vector<1x1x1x16xf32> to vector<16xf32>
        %add3A_860 = arith.addf %add3A_847, %get3A_859 : vector<16xf32>
        %mul3A_861 = arith.constant 2 : i32
        %mul3A_862 = arith.muli %mul3A_861, %scan3A_701 : i32
        %add3A_863 = arith.constant 0 : i32
        %add3A_864 = arith.addi %mul3A_862, %add3A_863 : i32
        %get3A_865 = arith.constant 2 : i32
        %get3A_866 = arith.constant 0 : i32
        %get3A_867 = arith.index_cast %get3A_865 : i32 to index
        %get3A_868 = arith.index_cast %get3A_866 : i32 to index
        %get3A_869 = arith.index_cast %add3A_864 : i32 to index
        %get3A_870 = arith.constant 48 : index
        %get3A_871 = tpu.vector_load %arg6[%get3A_867, %get3A_868, %get3A_869, %get3A_870] {strides = array<i32>} : memref<4x2x100x64xf32, #tpu.memory_space<vmem>>, vector<1x1x1x16xf32>,
        %get3A_872 = vector.shape_cast %get3A_871 : vector<1x1x1x16xf32> to vector<16xf32>
        %add3A_873 = arith.addf %scan3A_705, %get3A_872 : vector<16xf32>
        %mul3A_874 = arith.constant 2 : i32
        %mul3A_875 = arith.muli %mul3A_874, %scan3A_701 : i32
        %add3A_876 = arith.constant 0 : i32
        %add3A_877 = arith.addi %mul3A_875, %add3A_876 : i32
        %get3A_878 = arith.constant 2 : i32
        %get3A_879 = arith.constant 1 : i32
        %get3A_880 = arith.index_cast %get3A_878 : i32 to index
        %get3A_881 = arith.index_cast %get3A_879 : i32 to index
        %get3A_882 = arith.index_cast %add3A_877 : i32 to index
        %get3A_883 = arith.constant 48 : index
        %get3A_884 = tpu.vector_load %arg6[%get3A_880, %get3A_881, %get3A_882, %get3A_883] {strides = array<i32>} : memref<4x2x100x64xf32, #tpu.memory_space<vmem>>, vector<1x1x1x16xf32>,
        %get3A_885 = vector.shape_cast %get3A_884 : vector<1x1x1x16xf32> to vector<16xf32>
        %add3A_886 = arith.addf %add3A_873, %get3A_885 : vector<16xf32>
        %mul3A_887 = arith.constant 2 : i32
        %mul3A_888 = arith.muli %mul3A_887, %scan3A_701 : i32
        %add3A_889 = arith.constant 1 : i32
        %add3A_890 = arith.addi %mul3A_888, %add3A_889 : i32
        %get3A_891 = arith.constant 2 : i32
        %get3A_892 = arith.constant 0 : i32
        %get3A_893 = arith.index_cast %get3A_891 : i32 to index
        %get3A_894 = arith.index_cast %get3A_892 : i32 to index
        %get3A_895 = arith.index_cast %add3A_890 : i32 to index
        %get3A_896 = arith.constant 48 : index
        %get3A_897 = tpu.vector_load %arg6[%get3A_893, %get3A_894, %get3A_895, %get3A_896] {strides = array<i32>} : memref<4x2x100x64xf32, #tpu.memory_space<vmem>>, vector<1x1x1x16xf32>,
        %get3A_898 = vector.shape_cast %get3A_897 : vector<1x1x1x16xf32> to vector<16xf32>
        %add3A_899 = arith.addf %add3A_886, %get3A_898 : vector<16xf32>
        %mul3A_900 = arith.constant 2 : i32
        %mul3A_901 = arith.muli %mul3A_900, %scan3A_701 : i32
        %add3A_902 = arith.constant 1 : i32
        %add3A_903 = arith.addi %mul3A_901, %add3A_902 : i32
        %get3A_904 = arith.constant 2 : i32
        %get3A_905 = arith.constant 1 : i32
        %get3A_906 = arith.index_cast %get3A_904 : i32 to index
        %get3A_907 = arith.index_cast %get3A_905 : i32 to index
        %get3A_908 = arith.index_cast %add3A_903 : i32 to index
        %get3A_909 = arith.constant 48 : index
        %get3A_910 = tpu.vector_load %arg6[%get3A_906, %get3A_907, %get3A_908, %get3A_909] {strides = array<i32>} : memref<4x2x100x64xf32, #tpu.memory_space<vmem>>, vector<1x1x1x16xf32>,
        %get3A_911 = vector.shape_cast %get3A_910 : vector<1x1x1x16xf32> to vector<16xf32>
        %add3A_912 = arith.addf %add3A_899, %get3A_911 : vector<16xf32>
        scf.yield %add3A_756, %add3A_808, %add3A_860, %add3A_912 : vector<16xf32>, vector<16xf32>, vector<16xf32>, vector<16xf32>
      }
      %scan3A_566 = arith.constant 50 : i32
      %swap3A_567 = arith.index_cast %add3A_532 : i32 to index
      %swap3A_568 = arith.constant 0 : index
      %swap3A_569 = tpu.vector_load %arg7[%swap3A_567, %swap3A_568] {strides = array<i32>} : memref<128x64xf32, #tpu.memory_space<vmem>>, vector<1x16xf32>,
      %swap3A_570 = vector.shape_cast %swap3A_569 : vector<1x16xf32> to vector<16xf32>
      %swap3A_571 = vector.shape_cast %scan3A_565#0 : vector<16xf32> to vector<1x16xf32>
      tpu.vector_store %arg7[%swap3A_567, %swap3A_568], %swap3A_571 {strides = array<i32>} : memref<128x64xf32, #tpu.memory_space<vmem>>, vector<1x16xf32>,
      %swap3A_572 = arith.index_cast %add3A_532 : i32 to index
      %swap3A_573 = arith.constant 16 : index
      %swap3A_574 = tpu.vector_load %arg7[%swap3A_572, %swap3A_573] {strides = array<i32>} : memref<128x64xf32, #tpu.memory_space<vmem>>, vector<1x16xf32>,
      %swap3A_575 = vector.shape_cast %swap3A_574 : vector<1x16xf32> to vector<16xf32>
      %swap3A_576 = vector.shape_cast %scan3A_565#1 : vector<16xf32> to vector<1x16xf32>
      tpu.vector_store %arg7[%swap3A_572, %swap3A_573], %swap3A_576 {strides = array<i32>} : memref<128x64xf32, #tpu.memory_space<vmem>>, vector<1x16xf32>,
      %swap3A_577 = arith.index_cast %add3A_532 : i32 to index
      %swap3A_578 = arith.constant 32 : index
      %swap3A_579 = tpu.vector_load %arg7[%swap3A_577, %swap3A_578] {strides = array<i32>} : memref<128x64xf32, #tpu.memory_space<vmem>>, vector<1x16xf32>,
      %swap3A_580 = vector.shape_cast %swap3A_579 : vector<1x16xf32> to vector<16xf32>
      %swap3A_581 = vector.shape_cast %scan3A_565#2 : vector<16xf32> to vector<1x16xf32>
      tpu.vector_store %arg7[%swap3A_577, %swap3A_578], %swap3A_581 {strides = array<i32>} : memref<128x64xf32, #tpu.memory_space<vmem>>, vector<1x16xf32>,
      %swap3A_582 = arith.index_cast %add3A_532 : i32 to index
      %swap3A_583 = arith.constant 48 : index
      %swap3A_584 = tpu.vector_load %arg7[%swap3A_582, %swap3A_583] {strides = array<i32>} : memref<128x64xf32, #tpu.memory_space<vmem>>, vector<1x16xf32>,
      %swap3A_585 = vector.shape_cast %swap3A_584 : vector<1x16xf32> to vector<16xf32>
      %swap3A_586 = vector.shape_cast %scan3A_565#3 : vector<16xf32> to vector<1x16xf32>
      tpu.vector_store %arg7[%swap3A_582, %swap3A_583], %swap3A_586 {strides = array<i32>} : memref<128x64xf32, #tpu.memory_space<vmem>>, vector<1x16xf32>,
      %add3A_587 = arith.constant 4 : i32
      %add3A_588 = arith.addi %add3A_532, %add3A_587 : i32
      %dma_start3A_589 = arith.constant 0 : i32
      %dma_start3A_590 = arith.constant 2 : i32
      %dma_start3A_591 = arith.constant 0 : i32
      %dma_start3A_592 = arith.constant 0 : i32
      %dma_start3A_593 = arith.constant 0 : i32
      %dma_start3A_594 = tpu.memref_slice %arg6[%dma_start3A_590, %dma_start3A_591, %dma_start3A_592, %dma_start3A_593] : memref<4x2x100x64xf32, #tpu.memory_space<vmem>> -> memref<1x1x100x64xf32, #tpu.memory_space<vmem>>
      %dma_start3A_595 = tpu.memref_squeeze %dma_start3A_594 : memref<1x1x100x64xf32, #tpu.memory_space<vmem>> -> memref<100x64xf32, #tpu.memory_space<vmem>>
      %dma_start3A_596 = arith.constant 0 : i32
      %dma_start3A_597 = tpu.memref_slice %arg5[%add3A_588, %dma_start3A_589, %dma_start3A_596] : memref<128x2x100xi32, #tpu.memory_space<vmem>> -> memref<1x1x100xi32, #tpu.memory_space<vmem>>
      %dma_start3A_598 = tpu.memref_squeeze %dma_start3A_597 : memref<1x1x100xi32, #tpu.memory_space<vmem>> -> memref<100xi32, #tpu.memory_space<vmem>>
      %dma_start3A_599 = arith.constant 0 : i32
      %dma_start3A_600 = arith.constant 0 : i32
      %dma_start3A_601 = tpu.memref_slice %arg3[%dma_start3A_599, %dma_start3A_600] : memref<100000x64xf32, #tpu.memory_space<hbm>> -> memref<100000x64xf32, #tpu.memory_space<hbm>>
      tpu.enqueue_indirect_dma source(%dma_start3A_601 : memref<100000x64xf32, #tpu.memory_space<hbm>>) target(%dma_start3A_595 : memref<100x64xf32, #tpu.memory_space<vmem>>) offsets(%dma_start3A_598 : memref<100xi32, #tpu.memory_space<vmem>>) semaphore(%arg10 : memref<!tpu.dma_semaphore, #tpu.memory_space<semaphore_mem>>)
      %dma_start3A_602 = arith.constant 1 : i32
      %dma_start3A_603 = arith.constant 2 : i32
      %dma_start3A_604 = arith.constant 1 : i32
      %dma_start3A_605 = arith.constant 0 : i32
      %dma_start3A_606 = arith.constant 0 : i32
      %dma_start3A_607 = tpu.memref_slice %arg6[%dma_start3A_603, %dma_start3A_604, %dma_start3A_605, %dma_start3A_606] : memref<4x2x100x64xf32, #tpu.memory_space<vmem>> -> memref<1x1x100x64xf32, #tpu.memory_space<vmem>>
      %dma_start3A_608 = tpu.memref_squeeze %dma_start3A_607 : memref<1x1x100x64xf32, #tpu.memory_space<vmem>> -> memref<100x64xf32, #tpu.memory_space<vmem>>
      %dma_start3A_609 = arith.constant 0 : i32
      %dma_start3A_610 = tpu.memref_slice %arg5[%add3A_588, %dma_start3A_602, %dma_start3A_609] : memref<128x2x100xi32, #tpu.memory_space<vmem>> -> memref<1x1x100xi32, #tpu.memory_space<vmem>>
      %dma_start3A_611 = tpu.memref_squeeze %dma_start3A_610 : memref<1x1x100xi32, #tpu.memory_space<vmem>> -> memref<100xi32, #tpu.memory_space<vmem>>
      %dma_start3A_612 = arith.constant 0 : i32
      %dma_start3A_613 = arith.constant 0 : i32
      %dma_start3A_614 = tpu.memref_slice %arg3[%dma_start3A_612, %dma_start3A_613] : memref<100000x64xf32, #tpu.memory_space<hbm>> -> memref<100000x64xf32, #tpu.memory_space<hbm>>
      tpu.enqueue_indirect_dma source(%dma_start3A_614 : memref<100000x64xf32, #tpu.memory_space<hbm>>) target(%dma_start3A_608 : memref<100x64xf32, #tpu.memory_space<vmem>>) offsets(%dma_start3A_611 : memref<100xi32, #tpu.memory_space<vmem>>) semaphore(%arg10 : memref<!tpu.dma_semaphore, #tpu.memory_space<semaphore_mem>>)
      %mul3A_615 = arith.constant 4 : i32
      %mul3A_616 = arith.muli %mul3A_615, %scan3A_356 : i32
      %add3A_617 = arith.constant 3 : i32
      %add3A_618 = arith.addi %mul3A_616, %add3A_617 : i32
      %dma_wait3A_619 = arith.constant 0 : i32
      %dma_wait3A_620 = arith.constant 3 : i32
      %dma_wait3A_621 = arith.constant 0 : i32
      %dma_wait3A_622 = arith.constant 0 : i32
      %dma_wait3A_623 = arith.constant 0 : i32
      %dma_wait3A_624 = tpu.memref_slice %arg6[%dma_wait3A_620, %dma_wait3A_621, %dma_wait3A_622, %dma_wait3A_623] : memref<4x2x100x64xf32, #tpu.memory_space<vmem>> -> memref<1x1x100x64xf32, #tpu.memory_space<vmem>>
      %dma_wait3A_625 = tpu.memref_squeeze %dma_wait3A_624 : memref<1x1x100x64xf32, #tpu.memory_space<vmem>> -> memref<100x64xf32, #tpu.memory_space<vmem>>
      %dma_wait3A_626 = arith.constant 0 : i32
      %dma_wait3A_627 = tpu.memref_slice %arg5[%add3A_618, %dma_wait3A_619, %dma_wait3A_626] : memref<128x2x100xi32, #tpu.memory_space<vmem>> -> memref<1x1x100xi32, #tpu.memory_space<vmem>>
      %dma_wait3A_628 = tpu.memref_squeeze %dma_wait3A_627 : memref<1x1x100xi32, #tpu.memory_space<vmem>> -> memref<100xi32, #tpu.memory_space<vmem>>
      %dma_wait3A_629 = arith.constant 0 : i32
      %dma_wait3A_630 = arith.constant 0 : i32
      %dma_wait3A_631 = tpu.memref_slice %arg3[%dma_wait3A_629, %dma_wait3A_630] : memref<100000x64xf32, #tpu.memory_space<hbm>> -> memref<100000x64xf32, #tpu.memory_space<hbm>>
      tpu.wait_indirect_dma semaphore(%arg11 : memref<!tpu.dma_semaphore, #tpu.memory_space<semaphore_mem>>) src(%dma_wait3A_631 : memref<100000x64xf32, #tpu.memory_space<hbm>>) dst(%dma_wait3A_625 : memref<100x64xf32, #tpu.memory_space<vmem>>)
      %dma_wait3A_632 = arith.constant 1 : i32
      %dma_wait3A_633 = arith.constant 3 : i32
      %dma_wait3A_634 = arith.constant 1 : i32
      %dma_wait3A_635 = arith.constant 0 : i32
      %dma_wait3A_636 = arith.constant 0 : i32
      %dma_wait3A_637 = tpu.memref_slice %arg6[%dma_wait3A_633, %dma_wait3A_634, %dma_wait3A_635, %dma_wait3A_636] : memref<4x2x100x64xf32, #tpu.memory_space<vmem>> -> memref<1x1x100x64xf32, #tpu.memory_space<vmem>>
      %dma_wait3A_638 = tpu.memref_squeeze %dma_wait3A_637 : memref<1x1x100x64xf32, #tpu.memory_space<vmem>> -> memref<100x64xf32, #tpu.memory_space<vmem>>
      %dma_wait3A_639 = arith.constant 0 : i32
      %dma_wait3A_640 = tpu.memref_slice %arg5[%add3A_618, %dma_wait3A_632, %dma_wait3A_639] : memref<128x2x100xi32, #tpu.memory_space<vmem>> -> memref<1x1x100xi32, #tpu.memory_space<vmem>>
      %dma_wait3A_641 = tpu.memref_squeeze %dma_wait3A_640 : memref<1x1x100xi32, #tpu.memory_space<vmem>> -> memref<100xi32, #tpu.memory_space<vmem>>
      %dma_wait3A_642 = arith.constant 0 : i32
      %dma_wait3A_643 = arith.constant 0 : i32
      %dma_wait3A_644 = tpu.memref_slice %arg3[%dma_wait3A_642, %dma_wait3A_643] : memref<100000x64xf32, #tpu.memory_space<hbm>> -> memref<100000x64xf32, #tpu.memory_space<hbm>>
      tpu.wait_indirect_dma semaphore(%arg11 : memref<!tpu.dma_semaphore, #tpu.memory_space<semaphore_mem>>) src(%dma_wait3A_644 : memref<100000x64xf32, #tpu.memory_space<hbm>>) dst(%dma_wait3A_638 : memref<100x64xf32, #tpu.memory_space<vmem>>)
      %broadcast_in_dim3A_645 = arith.constant 0.000000e+00 : f32
      %broadcast_in_dim3A_646 = vector.broadcast %broadcast_in_dim3A_645 : f32 to vector<16xf32>
      %scan3A_647 = arith.constant 0 : i32
      %scan3A_648 = arith.constant 50 : i32
      %scan3A_649 = arith.addi %scan3A_647, %scan3A_648 : i32
      %scan3A_650 = arith.constant 1 : i32
      %scan3A_651:4 = scf.for %scan3A_701 = %scan3A_647 to %scan3A_649 step %scan3A_650 iter_args(%scan3A_702 = %broadcast_in_dim3A_646, %scan3A_703 = %broadcast_in_dim3A_646, %scan3A_704 = %broadcast_in_dim3A_646, %scan3A_705 = %broadcast_in_dim3A_646) -> (vector<16xf32>, vector<16xf32>, vector<16xf32>, vector<16xf32>)  : i32 {
        %mul3A_706 = arith.constant 2 : i32
        %mul3A_707 = arith.muli %mul3A_706, %scan3A_701 : i32
        %add3A_708 = arith.constant 0 : i32
        %add3A_709 = arith.addi %mul3A_707, %add3A_708 : i32
        %get3A = arith.constant 3 : i32
        %get3A_710 = arith.constant 0 : i32
        %get3A_711 = arith.index_cast %get3A : i32 to index
        %get3A_712 = arith.index_cast %get3A_710 : i32 to index
        %get3A_713 = arith.index_cast %add3A_709 : i32 to index
        %get3A_714 = arith.constant 0 : index
        %get3A_715 = tpu.vector_load %arg6[%get3A_711, %get3A_712, %get3A_713, %get3A_714] {strides = array<i32>} : memref<4x2x100x64xf32, #tpu.memory_space<vmem>>, vector<1x1x1x16xf32>,
        %get3A_716 = vector.shape_cast %get3A_715 : vector<1x1x1x16xf32> to vector<16xf32>
        %add3A_717 = arith.addf %scan3A_702, %get3A_716 : vector<16xf32>
        %mul3A_718 = arith.constant 2 : i32
        %mul3A_719 = arith.muli %mul3A_718, %scan3A_701 : i32
        %add3A_720 = arith.constant 0 : i32
        %add3A_721 = arith.addi %mul3A_719, %add3A_720 : i32
        %get3A_722 = arith.constant 3 : i32
        %get3A_723 = arith.constant 1 : i32
        %get3A_724 = arith.index_cast %get3A_722 : i32 to index
        %get3A_725 = arith.index_cast %get3A_723 : i32 to index
        %get3A_726 = arith.index_cast %add3A_721 : i32 to index
        %get3A_727 = arith.constant 0 : index
        %get3A_728 = tpu.vector_load %arg6[%get3A_724, %get3A_725, %get3A_726, %get3A_727] {strides = array<i32>} : memref<4x2x100x64xf32, #tpu.memory_space<vmem>>, vector<1x1x1x16xf32>,
        %get3A_729 = vector.shape_cast %get3A_728 : vector<1x1x1x16xf32> to vector<16xf32>
        %add3A_730 = arith.addf %add3A_717, %get3A_729 : vector<16xf32>
        %mul3A_731 = arith.constant 2 : i32
        %mul3A_732 = arith.muli %mul3A_731, %scan3A_701 : i32
        %add3A_733 = arith.constant 1 : i32
        %add3A_734 = arith.addi %mul3A_732, %add3A_733 : i32
        %get3A_735 = arith.constant 3 : i32
        %get3A_736 = arith.constant 0 : i32
        %get3A_737 = arith.index_cast %get3A_735 : i32 to index
        %get3A_738 = arith.index_cast %get3A_736 : i32 to index
        %get3A_739 = arith.index_cast %add3A_734 : i32 to index
        %get3A_740 = arith.constant 0 : index
        %get3A_741 = tpu.vector_load %arg6[%get3A_737, %get3A_738, %get3A_739, %get3A_740] {strides = array<i32>} : memref<4x2x100x64xf32, #tpu.memory_space<vmem>>, vector<1x1x1x16xf32>,
        %get3A_742 = vector.shape_cast %get3A_741 : vector<1x1x1x16xf32> to vector<16xf32>
        %add3A_743 = arith.addf %add3A_730, %get3A_742 : vector<16xf32>
        %mul3A_744 = arith.constant 2 : i32
        %mul3A_745 = arith.muli %mul3A_744, %scan3A_701 : i32
        %add3A_746 = arith.constant 1 : i32
        %add3A_747 = arith.addi %mul3A_745, %add3A_746 : i32
        %get3A_748 = arith.constant 3 : i32
        %get3A_749 = arith.constant 1 : i32
        %get3A_750 = arith.index_cast %get3A_748 : i32 to index
        %get3A_751 = arith.index_cast %get3A_749 : i32 to index
        %get3A_752 = arith.index_cast %add3A_747 : i32 to index
        %get3A_753 = arith.constant 0 : index
        %get3A_754 = tpu.vector_load %arg6[%get3A_750, %get3A_751, %get3A_752, %get3A_753] {strides = array<i32>} : memref<4x2x100x64xf32, #tpu.memory_space<vmem>>, vector<1x1x1x16xf32>,
        %get3A_755 = vector.shape_cast %get3A_754 : vector<1x1x1x16xf32> to vector<16xf32>
        %add3A_756 = arith.addf %add3A_743, %get3A_755 : vector<16xf32>
        %mul3A_757 = arith.constant 2 : i32
        %mul3A_758 = arith.muli %mul3A_757, %scan3A_701 : i32
        %add3A_759 = arith.constant 0 : i32
        %add3A_760 = arith.addi %mul3A_758, %add3A_759 : i32
        %get3A_761 = arith.constant 3 : i32
        %get3A_762 = arith.constant 0 : i32
        %get3A_763 = arith.index_cast %get3A_761 : i32 to index
        %get3A_764 = arith.index_cast %get3A_762 : i32 to index
        %get3A_765 = arith.index_cast %add3A_760 : i32 to index
        %get3A_766 = arith.constant 16 : index
        %get3A_767 = tpu.vector_load %arg6[%get3A_763, %get3A_764, %get3A_765, %get3A_766] {strides = array<i32>} : memref<4x2x100x64xf32, #tpu.memory_space<vmem>>, vector<1x1x1x16xf32>,
        %get3A_768 = vector.shape_cast %get3A_767 : vector<1x1x1x16xf32> to vector<16xf32>
        %add3A_769 = arith.addf %scan3A_703, %get3A_768 : vector<16xf32>
        %mul3A_770 = arith.constant 2 : i32
        %mul3A_771 = arith.muli %mul3A_770, %scan3A_701 : i32
        %add3A_772 = arith.constant 0 : i32
        %add3A_773 = arith.addi %mul3A_771, %add3A_772 : i32
        %get3A_774 = arith.constant 3 : i32
        %get3A_775 = arith.constant 1 : i32
        %get3A_776 = arith.index_cast %get3A_774 : i32 to index
        %get3A_777 = arith.index_cast %get3A_775 : i32 to index
        %get3A_778 = arith.index_cast %add3A_773 : i32 to index
        %get3A_779 = arith.constant 16 : index
        %get3A_780 = tpu.vector_load %arg6[%get3A_776, %get3A_777, %get3A_778, %get3A_779] {strides = array<i32>} : memref<4x2x100x64xf32, #tpu.memory_space<vmem>>, vector<1x1x1x16xf32>,
        %get3A_781 = vector.shape_cast %get3A_780 : vector<1x1x1x16xf32> to vector<16xf32>
        %add3A_782 = arith.addf %add3A_769, %get3A_781 : vector<16xf32>
        %mul3A_783 = arith.constant 2 : i32
        %mul3A_784 = arith.muli %mul3A_783, %scan3A_701 : i32
        %add3A_785 = arith.constant 1 : i32
        %add3A_786 = arith.addi %mul3A_784, %add3A_785 : i32
        %get3A_787 = arith.constant 3 : i32
        %get3A_788 = arith.constant 0 : i32
        %get3A_789 = arith.index_cast %get3A_787 : i32 to index
        %get3A_790 = arith.index_cast %get3A_788 : i32 to index
        %get3A_791 = arith.index_cast %add3A_786 : i32 to index
        %get3A_792 = arith.constant 16 : index
        %get3A_793 = tpu.vector_load %arg6[%get3A_789, %get3A_790, %get3A_791, %get3A_792] {strides = array<i32>} : memref<4x2x100x64xf32, #tpu.memory_space<vmem>>, vector<1x1x1x16xf32>,
        %get3A_794 = vector.shape_cast %get3A_793 : vector<1x1x1x16xf32> to vector<16xf32>
        %add3A_795 = arith.addf %add3A_782, %get3A_794 : vector<16xf32>
        %mul3A_796 = arith.constant 2 : i32
        %mul3A_797 = arith.muli %mul3A_796, %scan3A_701 : i32
        %add3A_798 = arith.constant 1 : i32
        %add3A_799 = arith.addi %mul3A_797, %add3A_798 : i32
        %get3A_800 = arith.constant 3 : i32
        %get3A_801 = arith.constant 1 : i32
        %get3A_802 = arith.index_cast %get3A_800 : i32 to index
        %get3A_803 = arith.index_cast %get3A_801 : i32 to index
        %get3A_804 = arith.index_cast %add3A_799 : i32 to index
        %get3A_805 = arith.constant 16 : index
        %get3A_806 = tpu.vector_load %arg6[%get3A_802, %get3A_803, %get3A_804, %get3A_805] {strides = array<i32>} : memref<4x2x100x64xf32, #tpu.memory_space<vmem>>, vector<1x1x1x16xf32>,
        %get3A_807 = vector.shape_cast %get3A_806 : vector<1x1x1x16xf32> to vector<16xf32>
        %add3A_808 = arith.addf %add3A_795, %get3A_807 : vector<16xf32>
        %mul3A_809 = arith.constant 2 : i32
        %mul3A_810 = arith.muli %mul3A_809, %scan3A_701 : i32
        %add3A_811 = arith.constant 0 : i32
        %add3A_812 = arith.addi %mul3A_810, %add3A_811 : i32
        %get3A_813 = arith.constant 3 : i32
        %get3A_814 = arith.constant 0 : i32
        %get3A_815 = arith.index_cast %get3A_813 : i32 to index
        %get3A_816 = arith.index_cast %get3A_814 : i32 to index
        %get3A_817 = arith.index_cast %add3A_812 : i32 to index
        %get3A_818 = arith.constant 32 : index
        %get3A_819 = tpu.vector_load %arg6[%get3A_815, %get3A_816, %get3A_817, %get3A_818] {strides = array<i32>} : memref<4x2x100x64xf32, #tpu.memory_space<vmem>>, vector<1x1x1x16xf32>,
        %get3A_820 = vector.shape_cast %get3A_819 : vector<1x1x1x16xf32> to vector<16xf32>
        %add3A_821 = arith.addf %scan3A_704, %get3A_820 : vector<16xf32>
        %mul3A_822 = arith.constant 2 : i32
        %mul3A_823 = arith.muli %mul3A_822, %scan3A_701 : i32
        %add3A_824 = arith.constant 0 : i32
        %add3A_825 = arith.addi %mul3A_823, %add3A_824 : i32
        %get3A_826 = arith.constant 3 : i32
        %get3A_827 = arith.constant 1 : i32
        %get3A_828 = arith.index_cast %get3A_826 : i32 to index
        %get3A_829 = arith.index_cast %get3A_827 : i32 to index
        %get3A_830 = arith.index_cast %add3A_825 : i32 to index
        %get3A_831 = arith.constant 32 : index
        %get3A_832 = tpu.vector_load %arg6[%get3A_828, %get3A_829, %get3A_830, %get3A_831] {strides = array<i32>} : memref<4x2x100x64xf32, #tpu.memory_space<vmem>>, vector<1x1x1x16xf32>,
        %get3A_833 = vector.shape_cast %get3A_832 : vector<1x1x1x16xf32> to vector<16xf32>
        %add3A_834 = arith.addf %add3A_821, %get3A_833 : vector<16xf32>
        %mul3A_835 = arith.constant 2 : i32
        %mul3A_836 = arith.muli %mul3A_835, %scan3A_701 : i32
        %add3A_837 = arith.constant 1 : i32
        %add3A_838 = arith.addi %mul3A_836, %add3A_837 : i32
        %get3A_839 = arith.constant 3 : i32
        %get3A_840 = arith.constant 0 : i32
        %get3A_841 = arith.index_cast %get3A_839 : i32 to index
        %get3A_842 = arith.index_cast %get3A_840 : i32 to index
        %get3A_843 = arith.index_cast %add3A_838 : i32 to index
        %get3A_844 = arith.constant 32 : index
        %get3A_845 = tpu.vector_load %arg6[%get3A_841, %get3A_842, %get3A_843, %get3A_844] {strides = array<i32>} : memref<4x2x100x64xf32, #tpu.memory_space<vmem>>, vector<1x1x1x16xf32>,
        %get3A_846 = vector.shape_cast %get3A_845 : vector<1x1x1x16xf32> to vector<16xf32>
        %add3A_847 = arith.addf %add3A_834, %get3A_846 : vector<16xf32>
        %mul3A_848 = arith.constant 2 : i32
        %mul3A_849 = arith.muli %mul3A_848, %scan3A_701 : i32
        %add3A_850 = arith.constant 1 : i32
        %add3A_851 = arith.addi %mul3A_849, %add3A_850 : i32
        %get3A_852 = arith.constant 3 : i32
        %get3A_853 = arith.constant 1 : i32
        %get3A_854 = arith.index_cast %get3A_852 : i32 to index
        %get3A_855 = arith.index_cast %get3A_853 : i32 to index
        %get3A_856 = arith.index_cast %add3A_851 : i32 to index
        %get3A_857 = arith.constant 32 : index
        %get3A_858 = tpu.vector_load %arg6[%get3A_854, %get3A_855, %get3A_856, %get3A_857] {strides = array<i32>} : memref<4x2x100x64xf32, #tpu.memory_space<vmem>>, vector<1x1x1x16xf32>,
        %get3A_859 = vector.shape_cast %get3A_858 : vector<1x1x1x16xf32> to vector<16xf32>
        %add3A_860 = arith.addf %add3A_847, %get3A_859 : vector<16xf32>
        %mul3A_861 = arith.constant 2 : i32
        %mul3A_862 = arith.muli %mul3A_861, %scan3A_701 : i32
        %add3A_863 = arith.constant 0 : i32
        %add3A_864 = arith.addi %mul3A_862, %add3A_863 : i32
        %get3A_865 = arith.constant 3 : i32
        %get3A_866 = arith.constant 0 : i32
        %get3A_867 = arith.index_cast %get3A_865 : i32 to index
        %get3A_868 = arith.index_cast %get3A_866 : i32 to index
        %get3A_869 = arith.index_cast %add3A_864 : i32 to index
        %get3A_870 = arith.constant 48 : index
        %get3A_871 = tpu.vector_load %arg6[%get3A_867, %get3A_868, %get3A_869, %get3A_870] {strides = array<i32>} : memref<4x2x100x64xf32, #tpu.memory_space<vmem>>, vector<1x1x1x16xf32>,
        %get3A_872 = vector.shape_cast %get3A_871 : vector<1x1x1x16xf32> to vector<16xf32>
        %add3A_873 = arith.addf %scan3A_705, %get3A_872 : vector<16xf32>
        %mul3A_874 = arith.constant 2 : i32
        %mul3A_875 = arith.muli %mul3A_874, %scan3A_701 : i32
        %add3A_876 = arith.constant 0 : i32
        %add3A_877 = arith.addi %mul3A_875, %add3A_876 : i32
        %get3A_878 = arith.constant 3 : i32
        %get3A_879 = arith.constant 1 : i32
        %get3A_880 = arith.index_cast %get3A_878 : i32 to index
        %get3A_881 = arith.index_cast %get3A_879 : i32 to index
        %get3A_882 = arith.index_cast %add3A_877 : i32 to index
        %get3A_883 = arith.constant 48 : index
        %get3A_884 = tpu.vector_load %arg6[%get3A_880, %get3A_881, %get3A_882, %get3A_883] {strides = array<i32>} : memref<4x2x100x64xf32, #tpu.memory_space<vmem>>, vector<1x1x1x16xf32>,
        %get3A_885 = vector.shape_cast %get3A_884 : vector<1x1x1x16xf32> to vector<16xf32>
        %add3A_886 = arith.addf %add3A_873, %get3A_885 : vector<16xf32>
        %mul3A_887 = arith.constant 2 : i32
        %mul3A_888 = arith.muli %mul3A_887, %scan3A_701 : i32
        %add3A_889 = arith.constant 1 : i32
        %add3A_890 = arith.addi %mul3A_888, %add3A_889 : i32
        %get3A_891 = arith.constant 3 : i32
        %get3A_892 = arith.constant 0 : i32
        %get3A_893 = arith.index_cast %get3A_891 : i32 to index
        %get3A_894 = arith.index_cast %get3A_892 : i32 to index
        %get3A_895 = arith.index_cast %add3A_890 : i32 to index
        %get3A_896 = arith.constant 48 : index
        %get3A_897 = tpu.vector_load %arg6[%get3A_893, %get3A_894, %get3A_895, %get3A_896] {strides = array<i32>} : memref<4x2x100x64xf32, #tpu.memory_space<vmem>>, vector<1x1x1x16xf32>,
        %get3A_898 = vector.shape_cast %get3A_897 : vector<1x1x1x16xf32> to vector<16xf32>
        %add3A_899 = arith.addf %add3A_886, %get3A_898 : vector<16xf32>
        %mul3A_900 = arith.constant 2 : i32
        %mul3A_901 = arith.muli %mul3A_900, %scan3A_701 : i32
        %add3A_902 = arith.constant 1 : i32
        %add3A_903 = arith.addi %mul3A_901, %add3A_902 : i32
        %get3A_904 = arith.constant 3 : i32
        %get3A_905 = arith.constant 1 : i32
        %get3A_906 = arith.index_cast %get3A_904 : i32 to index
        %get3A_907 = arith.index_cast %get3A_905 : i32 to index
        %get3A_908 = arith.index_cast %add3A_903 : i32 to index
        %get3A_909 = arith.constant 48 : index
        %get3A_910 = tpu.vector_load %arg6[%get3A_906, %get3A_907, %get3A_908, %get3A_909] {strides = array<i32>} : memref<4x2x100x64xf32, #tpu.memory_space<vmem>>, vector<1x1x1x16xf32>,
        %get3A_911 = vector.shape_cast %get3A_910 : vector<1x1x1x16xf32> to vector<16xf32>
        %add3A_912 = arith.addf %add3A_899, %get3A_911 : vector<16xf32>
        scf.yield %add3A_756, %add3A_808, %add3A_860, %add3A_912 : vector<16xf32>, vector<16xf32>, vector<16xf32>, vector<16xf32>
      }
      %scan3A_652 = arith.constant 50 : i32
      %swap3A_653 = arith.index_cast %add3A_618 : i32 to index
      %swap3A_654 = arith.constant 0 : index
      %swap3A_655 = tpu.vector_load %arg7[%swap3A_653, %swap3A_654] {strides = array<i32>} : memref<128x64xf32, #tpu.memory_space<vmem>>, vector<1x16xf32>,
      %swap3A_656 = vector.shape_cast %swap3A_655 : vector<1x16xf32> to vector<16xf32>
      %swap3A_657 = vector.shape_cast %scan3A_651#0 : vector<16xf32> to vector<1x16xf32>
      tpu.vector_store %arg7[%swap3A_653, %swap3A_654], %swap3A_657 {strides = array<i32>} : memref<128x64xf32, #tpu.memory_space<vmem>>, vector<1x16xf32>,
      %swap3A_658 = arith.index_cast %add3A_618 : i32 to index
      %swap3A_659 = arith.constant 16 : index
      %swap3A_660 = tpu.vector_load %arg7[%swap3A_658, %swap3A_659] {strides = array<i32>} : memref<128x64xf32, #tpu.memory_space<vmem>>, vector<1x16xf32>,
      %swap3A_661 = vector.shape_cast %swap3A_660 : vector<1x16xf32> to vector<16xf32>
      %swap3A_662 = vector.shape_cast %scan3A_651#1 : vector<16xf32> to vector<1x16xf32>
      tpu.vector_store %arg7[%swap3A_658, %swap3A_659], %swap3A_662 {strides = array<i32>} : memref<128x64xf32, #tpu.memory_space<vmem>>, vector<1x16xf32>,
      %swap3A_663 = arith.index_cast %add3A_618 : i32 to index
      %swap3A_664 = arith.constant 32 : index
      %swap3A_665 = tpu.vector_load %arg7[%swap3A_663, %swap3A_664] {strides = array<i32>} : memref<128x64xf32, #tpu.memory_space<vmem>>, vector<1x16xf32>,
      %swap3A_666 = vector.shape_cast %swap3A_665 : vector<1x16xf32> to vector<16xf32>
      %swap3A_667 = vector.shape_cast %scan3A_651#2 : vector<16xf32> to vector<1x16xf32>
      tpu.vector_store %arg7[%swap3A_663, %swap3A_664], %swap3A_667 {strides = array<i32>} : memref<128x64xf32, #tpu.memory_space<vmem>>, vector<1x16xf32>,
      %swap3A_668 = arith.index_cast %add3A_618 : i32 to index
      %swap3A_669 = arith.constant 48 : index
      %swap3A_670 = tpu.vector_load %arg7[%swap3A_668, %swap3A_669] {strides = array<i32>} : memref<128x64xf32, #tpu.memory_space<vmem>>, vector<1x16xf32>,
      %swap3A_671 = vector.shape_cast %swap3A_670 : vector<1x16xf32> to vector<16xf32>
      %swap3A_672 = vector.shape_cast %scan3A_651#3 : vector<16xf32> to vector<1x16xf32>
      tpu.vector_store %arg7[%swap3A_668, %swap3A_669], %swap3A_672 {strides = array<i32>} : memref<128x64xf32, #tpu.memory_space<vmem>>, vector<1x16xf32>,
      %add3A_673 = arith.constant 4 : i32
      %add3A_674 = arith.addi %add3A_618, %add3A_673 : i32
      %dma_start3A_675 = arith.constant 0 : i32
      %dma_start3A_676 = arith.constant 3 : i32
      %dma_start3A_677 = arith.constant 0 : i32
      %dma_start3A_678 = arith.constant 0 : i32
      %dma_start3A_679 = arith.constant 0 : i32
      %dma_start3A_680 = tpu.memref_slice %arg6[%dma_start3A_676, %dma_start3A_677, %dma_start3A_678, %dma_start3A_679] : memref<4x2x100x64xf32, #tpu.memory_space<vmem>> -> memref<1x1x100x64xf32, #tpu.memory_space<vmem>>
      %dma_start3A_681 = tpu.memref_squeeze %dma_start3A_680 : memref<1x1x100x64xf32, #tpu.memory_space<vmem>> -> memref<100x64xf32, #tpu.memory_space<vmem>>
      %dma_start3A_682 = arith.constant 0 : i32
      %dma_start3A_683 = tpu.memref_slice %arg5[%add3A_674, %dma_start3A_675, %dma_start3A_682] : memref<128x2x100xi32, #tpu.memory_space<vmem>> -> memref<1x1x100xi32, #tpu.memory_space<vmem>>
      %dma_start3A_684 = tpu.memref_squeeze %dma_start3A_683 : memref<1x1x100xi32, #tpu.memory_space<vmem>> -> memref<100xi32, #tpu.memory_space<vmem>>
      %dma_start3A_685 = arith.constant 0 : i32
      %dma_start3A_686 = arith.constant 0 : i32
      %dma_start3A_687 = tpu.memref_slice %arg3[%dma_start3A_685, %dma_start3A_686] : memref<100000x64xf32, #tpu.memory_space<hbm>> -> memref<100000x64xf32, #tpu.memory_space<hbm>>
      tpu.enqueue_indirect_dma source(%dma_start3A_687 : memref<100000x64xf32, #tpu.memory_space<hbm>>) target(%dma_start3A_681 : memref<100x64xf32, #tpu.memory_space<vmem>>) offsets(%dma_start3A_684 : memref<100xi32, #tpu.memory_space<vmem>>) semaphore(%arg11 : memref<!tpu.dma_semaphore, #tpu.memory_space<semaphore_mem>>)
      %dma_start3A_688 = arith.constant 1 : i32
      %dma_start3A_689 = arith.constant 3 : i32
      %dma_start3A_690 = arith.constant 1 : i32
      %dma_start3A_691 = arith.constant 0 : i32
      %dma_start3A_692 = arith.constant 0 : i32
      %dma_start3A_693 = tpu.memref_slice %arg6[%dma_start3A_689, %dma_start3A_690, %dma_start3A_691, %dma_start3A_692] : memref<4x2x100x64xf32, #tpu.memory_space<vmem>> -> memref<1x1x100x64xf32, #tpu.memory_space<vmem>>
      %dma_start3A_694 = tpu.memref_squeeze %dma_start3A_693 : memref<1x1x100x64xf32, #tpu.memory_space<vmem>> -> memref<100x64xf32, #tpu.memory_space<vmem>>
      %dma_start3A_695 = arith.constant 0 : i32
      %dma_start3A_696 = tpu.memref_slice %arg5[%add3A_674, %dma_start3A_688, %dma_start3A_695] : memref<128x2x100xi32, #tpu.memory_space<vmem>> -> memref<1x1x100xi32, #tpu.memory_space<vmem>>
      %dma_start3A_697 = tpu.memref_squeeze %dma_start3A_696 : memref<1x1x100xi32, #tpu.memory_space<vmem>> -> memref<100xi32, #tpu.memory_space<vmem>>
      %dma_start3A_698 = arith.constant 0 : i32
      %dma_start3A_699 = arith.constant 0 : i32
      %dma_start3A_700 = tpu.memref_slice %arg3[%dma_start3A_698, %dma_start3A_699] : memref<100000x64xf32, #tpu.memory_space<hbm>> -> memref<100000x64xf32, #tpu.memory_space<hbm>>
      tpu.enqueue_indirect_dma source(%dma_start3A_700 : memref<100000x64xf32, #tpu.memory_space<hbm>>) target(%dma_start3A_694 : memref<100x64xf32, #tpu.memory_space<vmem>>) offsets(%dma_start3A_697 : memref<100xi32, #tpu.memory_space<vmem>>) semaphore(%arg11 : memref<!tpu.dma_semaphore, #tpu.memory_space<semaphore_mem>>)
    }
    %scan3A_118 = arith.constant 31 : i32
    %dma_wait3A = arith.constant 124 : i32
    %dma_wait3A_119 = arith.constant 0 : i32
    %dma_wait3A_120 = arith.constant 0 : i32
    %dma_wait3A_121 = arith.constant 0 : i32
    %dma_wait3A_122 = arith.constant 0 : i32
    %dma_wait3A_123 = arith.constant 0 : i32
    %dma_wait3A_124 = tpu.memref_slice %arg6[%dma_wait3A_120, %dma_wait3A_121, %dma_wait3A_122, %dma_wait3A_123] : memref<4x2x100x64xf32, #tpu.memory_space<vmem>> -> memref<1x1x100x64xf32, #tpu.memory_space<vmem>>
    %dma_wait3A_125 = tpu.memref_squeeze %dma_wait3A_124 : memref<1x1x100x64xf32, #tpu.memory_space<vmem>> -> memref<100x64xf32, #tpu.memory_space<vmem>>
    %dma_wait3A_126 = arith.constant 0 : i32
    %dma_wait3A_127 = tpu.memref_slice %arg5[%dma_wait3A, %dma_wait3A_119, %dma_wait3A_126] : memref<128x2x100xi32, #tpu.memory_space<vmem>> -> memref<1x1x100xi32, #tpu.memory_space<vmem>>
    %dma_wait3A_128 = tpu.memref_squeeze %dma_wait3A_127 : memref<1x1x100xi32, #tpu.memory_space<vmem>> -> memref<100xi32, #tpu.memory_space<vmem>>
    %dma_wait3A_129 = arith.constant 0 : i32
    %dma_wait3A_130 = arith.constant 0 : i32
    %dma_wait3A_131 = tpu.memref_slice %arg3[%dma_wait3A_129, %dma_wait3A_130] : memref<100000x64xf32, #tpu.memory_space<hbm>> -> memref<100000x64xf32, #tpu.memory_space<hbm>>
    tpu.wait_indirect_dma semaphore(%arg8 : memref<!tpu.dma_semaphore, #tpu.memory_space<semaphore_mem>>) src(%dma_wait3A_131 : memref<100000x64xf32, #tpu.memory_space<hbm>>) dst(%dma_wait3A_125 : memref<100x64xf32, #tpu.memory_space<vmem>>)
    %dma_wait3A_132 = arith.constant 124 : i32
    %dma_wait3A_133 = arith.constant 1 : i32
    %dma_wait3A_134 = arith.constant 0 : i32
    %dma_wait3A_135 = arith.constant 1 : i32
    %dma_wait3A_136 = arith.constant 0 : i32
    %dma_wait3A_137 = arith.constant 0 : i32
    %dma_wait3A_138 = tpu.memref_slice %arg6[%dma_wait3A_134, %dma_wait3A_135, %dma_wait3A_136, %dma_wait3A_137] : memref<4x2x100x64xf32, #tpu.memory_space<vmem>> -> memref<1x1x100x64xf32, #tpu.memory_space<vmem>>
    %dma_wait3A_139 = tpu.memref_squeeze %dma_wait3A_138 : memref<1x1x100x64xf32, #tpu.memory_space<vmem>> -> memref<100x64xf32, #tpu.memory_space<vmem>>
    %dma_wait3A_140 = arith.constant 0 : i32
    %dma_wait3A_141 = tpu.memref_slice %arg5[%dma_wait3A_132, %dma_wait3A_133, %dma_wait3A_140] : memref<128x2x100xi32, #tpu.memory_space<vmem>> -> memref<1x1x100xi32, #tpu.memory_space<vmem>>
    %dma_wait3A_142 = tpu.memref_squeeze %dma_wait3A_141 : memref<1x1x100xi32, #tpu.memory_space<vmem>> -> memref<100xi32, #tpu.memory_space<vmem>>
    %dma_wait3A_143 = arith.constant 0 : i32
    %dma_wait3A_144 = arith.constant 0 : i32
    %dma_wait3A_145 = tpu.memref_slice %arg3[%dma_wait3A_143, %dma_wait3A_144] : memref<100000x64xf32, #tpu.memory_space<hbm>> -> memref<100000x64xf32, #tpu.memory_space<hbm>>
    tpu.wait_indirect_dma semaphore(%arg8 : memref<!tpu.dma_semaphore, #tpu.memory_space<semaphore_mem>>) src(%dma_wait3A_145 : memref<100000x64xf32, #tpu.memory_space<hbm>>) dst(%dma_wait3A_139 : memref<100x64xf32, #tpu.memory_space<vmem>>)
    %broadcast_in_dim3A = arith.constant 0.000000e+00 : f32
    %broadcast_in_dim3A_146 = vector.broadcast %broadcast_in_dim3A : f32 to vector<16xf32>
    %scan3A_147 = arith.constant 0 : i32
    %scan3A_148 = arith.constant 50 : i32
    %scan3A_149 = arith.addi %scan3A_147, %scan3A_148 : i32
    %scan3A_150 = arith.constant 1 : i32
    %scan3A_151:4 = scf.for %scan3A_356 = %scan3A_147 to %scan3A_149 step %scan3A_150 iter_args(%scan3A_357 = %broadcast_in_dim3A_146, %scan3A_358 = %broadcast_in_dim3A_146, %scan3A_359 = %broadcast_in_dim3A_146, %scan3A_360 = %broadcast_in_dim3A_146) -> (vector<16xf32>, vector<16xf32>, vector<16xf32>, vector<16xf32>)  : i32 {
      %mul3A_361 = arith.constant 2 : i32
      %mul3A_362 = arith.muli %mul3A_361, %scan3A_356 : i32
      %add3A_363 = arith.constant 0 : i32
      %add3A_364 = arith.addi %mul3A_362, %add3A_363 : i32
      %get3A = arith.constant 0 : i32
      %get3A_365 = arith.constant 0 : i32
      %get3A_366 = arith.index_cast %get3A : i32 to index
      %get3A_367 = arith.index_cast %get3A_365 : i32 to index
      %get3A_368 = arith.index_cast %add3A_364 : i32 to index
      %get3A_369 = arith.constant 0 : index
      %get3A_370 = tpu.vector_load %arg6[%get3A_366, %get3A_367, %get3A_368, %get3A_369] {strides = array<i32>} : memref<4x2x100x64xf32, #tpu.memory_space<vmem>>, vector<1x1x1x16xf32>,
      %get3A_371 = vector.shape_cast %get3A_370 : vector<1x1x1x16xf32> to vector<16xf32>
      %add3A_372 = arith.addf %scan3A_357, %get3A_371 : vector<16xf32>
      %mul3A_373 = arith.constant 2 : i32
      %mul3A_374 = arith.muli %mul3A_373, %scan3A_356 : i32
      %add3A_375 = arith.constant 0 : i32
      %add3A_376 = arith.addi %mul3A_374, %add3A_375 : i32
      %get3A_377 = arith.constant 0 : i32
      %get3A_378 = arith.constant 1 : i32
      %get3A_379 = arith.index_cast %get3A_377 : i32 to index
      %get3A_380 = arith.index_cast %get3A_378 : i32 to index
      %get3A_381 = arith.index_cast %add3A_376 : i32 to index
      %get3A_382 = arith.constant 0 : index
      %get3A_383 = tpu.vector_load %arg6[%get3A_379, %get3A_380, %get3A_381, %get3A_382] {strides = array<i32>} : memref<4x2x100x64xf32, #tpu.memory_space<vmem>>, vector<1x1x1x16xf32>,
      %get3A_384 = vector.shape_cast %get3A_383 : vector<1x1x1x16xf32> to vector<16xf32>
      %add3A_385 = arith.addf %add3A_372, %get3A_384 : vector<16xf32>
      %mul3A_386 = arith.constant 2 : i32
      %mul3A_387 = arith.muli %mul3A_386, %scan3A_356 : i32
      %add3A_388 = arith.constant 1 : i32
      %add3A_389 = arith.addi %mul3A_387, %add3A_388 : i32
      %get3A_390 = arith.constant 0 : i32
      %get3A_391 = arith.constant 0 : i32
      %get3A_392 = arith.index_cast %get3A_390 : i32 to index
      %get3A_393 = arith.index_cast %get3A_391 : i32 to index
      %get3A_394 = arith.index_cast %add3A_389 : i32 to index
      %get3A_395 = arith.constant 0 : index
      %get3A_396 = tpu.vector_load %arg6[%get3A_392, %get3A_393, %get3A_394, %get3A_395] {strides = array<i32>} : memref<4x2x100x64xf32, #tpu.memory_space<vmem>>, vector<1x1x1x16xf32>,
      %get3A_397 = vector.shape_cast %get3A_396 : vector<1x1x1x16xf32> to vector<16xf32>
      %add3A_398 = arith.addf %add3A_385, %get3A_397 : vector<16xf32>
      %mul3A_399 = arith.constant 2 : i32
      %mul3A_400 = arith.muli %mul3A_399, %scan3A_356 : i32
      %add3A_401 = arith.constant 1 : i32
      %add3A_402 = arith.addi %mul3A_400, %add3A_401 : i32
      %get3A_403 = arith.constant 0 : i32
      %get3A_404 = arith.constant 1 : i32
      %get3A_405 = arith.index_cast %get3A_403 : i32 to index
      %get3A_406 = arith.index_cast %get3A_404 : i32 to index
      %get3A_407 = arith.index_cast %add3A_402 : i32 to index
      %get3A_408 = arith.constant 0 : index
      %get3A_409 = tpu.vector_load %arg6[%get3A_405, %get3A_406, %get3A_407, %get3A_408] {strides = array<i32>} : memref<4x2x100x64xf32, #tpu.memory_space<vmem>>, vector<1x1x1x16xf32>,
      %get3A_410 = vector.shape_cast %get3A_409 : vector<1x1x1x16xf32> to vector<16xf32>
      %add3A_411 = arith.addf %add3A_398, %get3A_410 : vector<16xf32>
      %mul3A_412 = arith.constant 2 : i32
      %mul3A_413 = arith.muli %mul3A_412, %scan3A_356 : i32
      %add3A_414 = arith.constant 0 : i32
      %add3A_415 = arith.addi %mul3A_413, %add3A_414 : i32
      %get3A_416 = arith.constant 0 : i32
      %get3A_417 = arith.constant 0 : i32
      %get3A_418 = arith.index_cast %get3A_416 : i32 to index
      %get3A_419 = arith.index_cast %get3A_417 : i32 to index
      %get3A_420 = arith.index_cast %add3A_415 : i32 to index
      %get3A_421 = arith.constant 16 : index
      %get3A_422 = tpu.vector_load %arg6[%get3A_418, %get3A_419, %get3A_420, %get3A_421] {strides = array<i32>} : memref<4x2x100x64xf32, #tpu.memory_space<vmem>>, vector<1x1x1x16xf32>,
      %get3A_423 = vector.shape_cast %get3A_422 : vector<1x1x1x16xf32> to vector<16xf32>
      %add3A_424 = arith.addf %scan3A_358, %get3A_423 : vector<16xf32>
      %mul3A_425 = arith.constant 2 : i32
      %mul3A_426 = arith.muli %mul3A_425, %scan3A_356 : i32
      %add3A_427 = arith.constant 0 : i32
      %add3A_428 = arith.addi %mul3A_426, %add3A_427 : i32
      %get3A_429 = arith.constant 0 : i32
      %get3A_430 = arith.constant 1 : i32
      %get3A_431 = arith.index_cast %get3A_429 : i32 to index
      %get3A_432 = arith.index_cast %get3A_430 : i32 to index
      %get3A_433 = arith.index_cast %add3A_428 : i32 to index
      %get3A_434 = arith.constant 16 : index
      %get3A_435 = tpu.vector_load %arg6[%get3A_431, %get3A_432, %get3A_433, %get3A_434] {strides = array<i32>} : memref<4x2x100x64xf32, #tpu.memory_space<vmem>>, vector<1x1x1x16xf32>,
      %get3A_436 = vector.shape_cast %get3A_435 : vector<1x1x1x16xf32> to vector<16xf32>
      %add3A_437 = arith.addf %add3A_424, %get3A_436 : vector<16xf32>
      %mul3A_438 = arith.constant 2 : i32
      %mul3A_439 = arith.muli %mul3A_438, %scan3A_356 : i32
      %add3A_440 = arith.constant 1 : i32
      %add3A_441 = arith.addi %mul3A_439, %add3A_440 : i32
      %get3A_442 = arith.constant 0 : i32
      %get3A_443 = arith.constant 0 : i32
      %get3A_444 = arith.index_cast %get3A_442 : i32 to index
      %get3A_445 = arith.index_cast %get3A_443 : i32 to index
      %get3A_446 = arith.index_cast %add3A_441 : i32 to index
      %get3A_447 = arith.constant 16 : index
      %get3A_448 = tpu.vector_load %arg6[%get3A_444, %get3A_445, %get3A_446, %get3A_447] {strides = array<i32>} : memref<4x2x100x64xf32, #tpu.memory_space<vmem>>, vector<1x1x1x16xf32>,
      %get3A_449 = vector.shape_cast %get3A_448 : vector<1x1x1x16xf32> to vector<16xf32>
      %add3A_450 = arith.addf %add3A_437, %get3A_449 : vector<16xf32>
      %mul3A_451 = arith.constant 2 : i32
      %mul3A_452 = arith.muli %mul3A_451, %scan3A_356 : i32
      %add3A_453 = arith.constant 1 : i32
      %add3A_454 = arith.addi %mul3A_452, %add3A_453 : i32
      %get3A_455 = arith.constant 0 : i32
      %get3A_456 = arith.constant 1 : i32
      %get3A_457 = arith.index_cast %get3A_455 : i32 to index
      %get3A_458 = arith.index_cast %get3A_456 : i32 to index
      %get3A_459 = arith.index_cast %add3A_454 : i32 to index
      %get3A_460 = arith.constant 16 : index
      %get3A_461 = tpu.vector_load %arg6[%get3A_457, %get3A_458, %get3A_459, %get3A_460] {strides = array<i32>} : memref<4x2x100x64xf32, #tpu.memory_space<vmem>>, vector<1x1x1x16xf32>,
      %get3A_462 = vector.shape_cast %get3A_461 : vector<1x1x1x16xf32> to vector<16xf32>
      %add3A_463 = arith.addf %add3A_450, %get3A_462 : vector<16xf32>
      %mul3A_464 = arith.constant 2 : i32
      %mul3A_465 = arith.muli %mul3A_464, %scan3A_356 : i32
      %add3A_466 = arith.constant 0 : i32
      %add3A_467 = arith.addi %mul3A_465, %add3A_466 : i32
      %get3A_468 = arith.constant 0 : i32
      %get3A_469 = arith.constant 0 : i32
      %get3A_470 = arith.index_cast %get3A_468 : i32 to index
      %get3A_471 = arith.index_cast %get3A_469 : i32 to index
      %get3A_472 = arith.index_cast %add3A_467 : i32 to index
      %get3A_473 = arith.constant 32 : index
      %get3A_474 = tpu.vector_load %arg6[%get3A_470, %get3A_471, %get3A_472, %get3A_473] {strides = array<i32>} : memref<4x2x100x64xf32, #tpu.memory_space<vmem>>, vector<1x1x1x16xf32>,
      %get3A_475 = vector.shape_cast %get3A_474 : vector<1x1x1x16xf32> to vector<16xf32>
      %add3A_476 = arith.addf %scan3A_359, %get3A_475 : vector<16xf32>
      %mul3A_477 = arith.constant 2 : i32
      %mul3A_478 = arith.muli %mul3A_477, %scan3A_356 : i32
      %add3A_479 = arith.constant 0 : i32
      %add3A_480 = arith.addi %mul3A_478, %add3A_479 : i32
      %get3A_481 = arith.constant 0 : i32
      %get3A_482 = arith.constant 1 : i32
      %get3A_483 = arith.index_cast %get3A_481 : i32 to index
      %get3A_484 = arith.index_cast %get3A_482 : i32 to index
      %get3A_485 = arith.index_cast %add3A_480 : i32 to index
      %get3A_486 = arith.constant 32 : index
      %get3A_487 = tpu.vector_load %arg6[%get3A_483, %get3A_484, %get3A_485, %get3A_486] {strides = array<i32>} : memref<4x2x100x64xf32, #tpu.memory_space<vmem>>, vector<1x1x1x16xf32>,
      %get3A_488 = vector.shape_cast %get3A_487 : vector<1x1x1x16xf32> to vector<16xf32>
      %add3A_489 = arith.addf %add3A_476, %get3A_488 : vector<16xf32>
      %mul3A_490 = arith.constant 2 : i32
      %mul3A_491 = arith.muli %mul3A_490, %scan3A_356 : i32
      %add3A_492 = arith.constant 1 : i32
      %add3A_493 = arith.addi %mul3A_491, %add3A_492 : i32
      %get3A_494 = arith.constant 0 : i32
      %get3A_495 = arith.constant 0 : i32
      %get3A_496 = arith.index_cast %get3A_494 : i32 to index
      %get3A_497 = arith.index_cast %get3A_495 : i32 to index
      %get3A_498 = arith.index_cast %add3A_493 : i32 to index
      %get3A_499 = arith.constant 32 : index
      %get3A_500 = tpu.vector_load %arg6[%get3A_496, %get3A_497, %get3A_498, %get3A_499] {strides = array<i32>} : memref<4x2x100x64xf32, #tpu.memory_space<vmem>>, vector<1x1x1x16xf32>,
      %get3A_501 = vector.shape_cast %get3A_500 : vector<1x1x1x16xf32> to vector<16xf32>
      %add3A_502 = arith.addf %add3A_489, %get3A_501 : vector<16xf32>
      %mul3A_503 = arith.constant 2 : i32
      %mul3A_504 = arith.muli %mul3A_503, %scan3A_356 : i32
      %add3A_505 = arith.constant 1 : i32
      %add3A_506 = arith.addi %mul3A_504, %add3A_505 : i32
      %get3A_507 = arith.constant 0 : i32
      %get3A_508 = arith.constant 1 : i32
      %get3A_509 = arith.index_cast %get3A_507 : i32 to index
      %get3A_510 = arith.index_cast %get3A_508 : i32 to index
      %get3A_511 = arith.index_cast %add3A_506 : i32 to index
      %get3A_512 = arith.constant 32 : index
      %get3A_513 = tpu.vector_load %arg6[%get3A_509, %get3A_510, %get3A_511, %get3A_512] {strides = array<i32>} : memref<4x2x100x64xf32, #tpu.memory_space<vmem>>, vector<1x1x1x16xf32>,
      %get3A_514 = vector.shape_cast %get3A_513 : vector<1x1x1x16xf32> to vector<16xf32>
      %add3A_515 = arith.addf %add3A_502, %get3A_514 : vector<16xf32>
      %mul3A_516 = arith.constant 2 : i32
      %mul3A_517 = arith.muli %mul3A_516, %scan3A_356 : i32
      %add3A_518 = arith.constant 0 : i32
      %add3A_519 = arith.addi %mul3A_517, %add3A_518 : i32
      %get3A_520 = arith.constant 0 : i32
      %get3A_521 = arith.constant 0 : i32
      %get3A_522 = arith.index_cast %get3A_520 : i32 to index
      %get3A_523 = arith.index_cast %get3A_521 : i32 to index
      %get3A_524 = arith.index_cast %add3A_519 : i32 to index
      %get3A_525 = arith.constant 48 : index
      %get3A_526 = tpu.vector_load %arg6[%get3A_522, %get3A_523, %get3A_524, %get3A_525] {strides = array<i32>} : memref<4x2x100x64xf32, #tpu.memory_space<vmem>>, vector<1x1x1x16xf32>,
      %get3A_527 = vector.shape_cast %get3A_526 : vector<1x1x1x16xf32> to vector<16xf32>
      %add3A_528 = arith.addf %scan3A_360, %get3A_527 : vector<16xf32>
      %mul3A_529 = arith.constant 2 : i32
      %mul3A_530 = arith.muli %mul3A_529, %scan3A_356 : i32
      %add3A_531 = arith.constant 0 : i32
      %add3A_532 = arith.addi %mul3A_530, %add3A_531 : i32
      %get3A_533 = arith.constant 0 : i32
      %get3A_534 = arith.constant 1 : i32
      %get3A_535 = arith.index_cast %get3A_533 : i32 to index
      %get3A_536 = arith.index_cast %get3A_534 : i32 to index
      %get3A_537 = arith.index_cast %add3A_532 : i32 to index
      %get3A_538 = arith.constant 48 : index
      %get3A_539 = tpu.vector_load %arg6[%get3A_535, %get3A_536, %get3A_537, %get3A_538] {strides = array<i32>} : memref<4x2x100x64xf32, #tpu.memory_space<vmem>>, vector<1x1x1x16xf32>,
      %get3A_540 = vector.shape_cast %get3A_539 : vector<1x1x1x16xf32> to vector<16xf32>
      %add3A_541 = arith.addf %add3A_528, %get3A_540 : vector<16xf32>
      %mul3A_542 = arith.constant 2 : i32
      %mul3A_543 = arith.muli %mul3A_542, %scan3A_356 : i32
      %add3A_544 = arith.constant 1 : i32
      %add3A_545 = arith.addi %mul3A_543, %add3A_544 : i32
      %get3A_546 = arith.constant 0 : i32
      %get3A_547 = arith.constant 0 : i32
      %get3A_548 = arith.index_cast %get3A_546 : i32 to index
      %get3A_549 = arith.index_cast %get3A_547 : i32 to index
      %get3A_550 = arith.index_cast %add3A_545 : i32 to index
      %get3A_551 = arith.constant 48 : index
      %get3A_552 = tpu.vector_load %arg6[%get3A_548, %get3A_549, %get3A_550, %get3A_551] {strides = array<i32>} : memref<4x2x100x64xf32, #tpu.memory_space<vmem>>, vector<1x1x1x16xf32>,
      %get3A_553 = vector.shape_cast %get3A_552 : vector<1x1x1x16xf32> to vector<16xf32>
      %add3A_554 = arith.addf %add3A_541, %get3A_553 : vector<16xf32>
      %mul3A_555 = arith.constant 2 : i32
      %mul3A_556 = arith.muli %mul3A_555, %scan3A_356 : i32
      %add3A_557 = arith.constant 1 : i32
      %add3A_558 = arith.addi %mul3A_556, %add3A_557 : i32
      %get3A_559 = arith.constant 0 : i32
      %get3A_560 = arith.constant 1 : i32
      %get3A_561 = arith.index_cast %get3A_559 : i32 to index
      %get3A_562 = arith.index_cast %get3A_560 : i32 to index
      %get3A_563 = arith.index_cast %add3A_558 : i32 to index
      %get3A_564 = arith.constant 48 : index
      %get3A_565 = tpu.vector_load %arg6[%get3A_561, %get3A_562, %get3A_563, %get3A_564] {strides = array<i32>} : memref<4x2x100x64xf32, #tpu.memory_space<vmem>>, vector<1x1x1x16xf32>,
      %get3A_566 = vector.shape_cast %get3A_565 : vector<1x1x1x16xf32> to vector<16xf32>
      %add3A_567 = arith.addf %add3A_554, %get3A_566 : vector<16xf32>
      scf.yield %add3A_411, %add3A_463, %add3A_515, %add3A_567 : vector<16xf32>, vector<16xf32>, vector<16xf32>, vector<16xf32>
    }
    %scan3A_152 = arith.constant 50 : i32
    %swap3A = arith.constant 124 : i32
    %swap3A_153 = arith.index_cast %swap3A : i32 to index
    %swap3A_154 = arith.constant 0 : index
    %swap3A_155 = tpu.vector_load %arg7[%swap3A_153, %swap3A_154] {strides = array<i32>} : memref<128x64xf32, #tpu.memory_space<vmem>>, vector<1x16xf32>,
    %swap3A_156 = vector.shape_cast %swap3A_155 : vector<1x16xf32> to vector<16xf32>
    %swap3A_157 = vector.shape_cast %scan3A_151#0 : vector<16xf32> to vector<1x16xf32>
    tpu.vector_store %arg7[%swap3A_153, %swap3A_154], %swap3A_157 {strides = array<i32>} : memref<128x64xf32, #tpu.memory_space<vmem>>, vector<1x16xf32>,
    %swap3A_158 = arith.constant 124 : i32
    %swap3A_159 = arith.index_cast %swap3A_158 : i32 to index
    %swap3A_160 = arith.constant 16 : index
    %swap3A_161 = tpu.vector_load %arg7[%swap3A_159, %swap3A_160] {strides = array<i32>} : memref<128x64xf32, #tpu.memory_space<vmem>>, vector<1x16xf32>,
    %swap3A_162 = vector.shape_cast %swap3A_161 : vector<1x16xf32> to vector<16xf32>
    %swap3A_163 = vector.shape_cast %scan3A_151#1 : vector<16xf32> to vector<1x16xf32>
    tpu.vector_store %arg7[%swap3A_159, %swap3A_160], %swap3A_163 {strides = array<i32>} : memref<128x64xf32, #tpu.memory_space<vmem>>, vector<1x16xf32>,
    %swap3A_164 = arith.constant 124 : i32
    %swap3A_165 = arith.index_cast %swap3A_164 : i32 to index
    %swap3A_166 = arith.constant 32 : index
    %swap3A_167 = tpu.vector_load %arg7[%swap3A_165, %swap3A_166] {strides = array<i32>} : memref<128x64xf32, #tpu.memory_space<vmem>>, vector<1x16xf32>,
    %swap3A_168 = vector.shape_cast %swap3A_167 : vector<1x16xf32> to vector<16xf32>
    %swap3A_169 = vector.shape_cast %scan3A_151#2 : vector<16xf32> to vector<1x16xf32>
    tpu.vector_store %arg7[%swap3A_165, %swap3A_166], %swap3A_169 {strides = array<i32>} : memref<128x64xf32, #tpu.memory_space<vmem>>, vector<1x16xf32>,
    %swap3A_170 = arith.constant 124 : i32
    %swap3A_171 = arith.index_cast %swap3A_170 : i32 to index
    %swap3A_172 = arith.constant 48 : index
    %swap3A_173 = tpu.vector_load %arg7[%swap3A_171, %swap3A_172] {strides = array<i32>} : memref<128x64xf32, #tpu.memory_space<vmem>>, vector<1x16xf32>,
    %swap3A_174 = vector.shape_cast %swap3A_173 : vector<1x16xf32> to vector<16xf32>
    %swap3A_175 = vector.shape_cast %scan3A_151#3 : vector<16xf32> to vector<1x16xf32>
    tpu.vector_store %arg7[%swap3A_171, %swap3A_172], %swap3A_175 {strides = array<i32>} : memref<128x64xf32, #tpu.memory_space<vmem>>, vector<1x16xf32>,
    %dma_wait3A_176 = arith.constant 125 : i32
    %dma_wait3A_177 = arith.constant 0 : i32
    %dma_wait3A_178 = arith.constant 1 : i32
    %dma_wait3A_179 = arith.constant 0 : i32
    %dma_wait3A_180 = arith.constant 0 : i32
    %dma_wait3A_181 = arith.constant 0 : i32
    %dma_wait3A_182 = tpu.memref_slice %arg6[%dma_wait3A_178, %dma_wait3A_179, %dma_wait3A_180, %dma_wait3A_181] : memref<4x2x100x64xf32, #tpu.memory_space<vmem>> -> memref<1x1x100x64xf32, #tpu.memory_space<vmem>>
    %dma_wait3A_183 = tpu.memref_squeeze %dma_wait3A_182 : memref<1x1x100x64xf32, #tpu.memory_space<vmem>> -> memref<100x64xf32, #tpu.memory_space<vmem>>
    %dma_wait3A_184 = arith.constant 0 : i32
    %dma_wait3A_185 = tpu.memref_slice %arg5[%dma_wait3A_176, %dma_wait3A_177, %dma_wait3A_184] : memref<128x2x100xi32, #tpu.memory_space<vmem>> -> memref<1x1x100xi32, #tpu.memory_space<vmem>>
    %dma_wait3A_186 = tpu.memref_squeeze %dma_wait3A_185 : memref<1x1x100xi32, #tpu.memory_space<vmem>> -> memref<100xi32, #tpu.memory_space<vmem>>
    %dma_wait3A_187 = arith.constant 0 : i32
    %dma_wait3A_188 = arith.constant 0 : i32
    %dma_wait3A_189 = tpu.memref_slice %arg3[%dma_wait3A_187, %dma_wait3A_188] : memref<100000x64xf32, #tpu.memory_space<hbm>> -> memref<100000x64xf32, #tpu.memory_space<hbm>>
    tpu.wait_indirect_dma semaphore(%arg9 : memref<!tpu.dma_semaphore, #tpu.memory_space<semaphore_mem>>) src(%dma_wait3A_189 : memref<100000x64xf32, #tpu.memory_space<hbm>>) dst(%dma_wait3A_183 : memref<100x64xf32, #tpu.memory_space<vmem>>)
    %dma_wait3A_190 = arith.constant 125 : i32
    %dma_wait3A_191 = arith.constant 1 : i32
    %dma_wait3A_192 = arith.constant 1 : i32
    %dma_wait3A_193 = arith.constant 1 : i32
    %dma_wait3A_194 = arith.constant 0 : i32
    %dma_wait3A_195 = arith.constant 0 : i32
    %dma_wait3A_196 = tpu.memref_slice %arg6[%dma_wait3A_192, %dma_wait3A_193, %dma_wait3A_194, %dma_wait3A_195] : memref<4x2x100x64xf32, #tpu.memory_space<vmem>> -> memref<1x1x100x64xf32, #tpu.memory_space<vmem>>
    %dma_wait3A_197 = tpu.memref_squeeze %dma_wait3A_196 : memref<1x1x100x64xf32, #tpu.memory_space<vmem>> -> memref<100x64xf32, #tpu.memory_space<vmem>>
    %dma_wait3A_198 = arith.constant 0 : i32
    %dma_wait3A_199 = tpu.memref_slice %arg5[%dma_wait3A_190, %dma_wait3A_191, %dma_wait3A_198] : memref<128x2x100xi32, #tpu.memory_space<vmem>> -> memref<1x1x100xi32, #tpu.memory_space<vmem>>
    %dma_wait3A_200 = tpu.memref_squeeze %dma_wait3A_199 : memref<1x1x100xi32, #tpu.memory_space<vmem>> -> memref<100xi32, #tpu.memory_space<vmem>>
    %dma_wait3A_201 = arith.constant 0 : i32
    %dma_wait3A_202 = arith.constant 0 : i32
    %dma_wait3A_203 = tpu.memref_slice %arg3[%dma_wait3A_201, %dma_wait3A_202] : memref<100000x64xf32, #tpu.memory_space<hbm>> -> memref<100000x64xf32, #tpu.memory_space<hbm>>
    tpu.wait_indirect_dma semaphore(%arg9 : memref<!tpu.dma_semaphore, #tpu.memory_space<semaphore_mem>>) src(%dma_wait3A_203 : memref<100000x64xf32, #tpu.memory_space<hbm>>) dst(%dma_wait3A_197 : memref<100x64xf32, #tpu.memory_space<vmem>>)
    %broadcast_in_dim3A_204 = arith.constant 0.000000e+00 : f32
    %broadcast_in_dim3A_205 = vector.broadcast %broadcast_in_dim3A_204 : f32 to vector<16xf32>
    %scan3A_206 = arith.constant 0 : i32
    %scan3A_207 = arith.constant 50 : i32
    %scan3A_208 = arith.addi %scan3A_206, %scan3A_207 : i32
    %scan3A_209 = arith.constant 1 : i32
    %scan3A_210:4 = scf.for %scan3A_356 = %scan3A_206 to %scan3A_208 step %scan3A_209 iter_args(%scan3A_357 = %broadcast_in_dim3A_205, %scan3A_358 = %broadcast_in_dim3A_205, %scan3A_359 = %broadcast_in_dim3A_205, %scan3A_360 = %broadcast_in_dim3A_205) -> (vector<16xf32>, vector<16xf32>, vector<16xf32>, vector<16xf32>)  : i32 {
      %mul3A_361 = arith.constant 2 : i32
      %mul3A_362 = arith.muli %mul3A_361, %scan3A_356 : i32
      %add3A_363 = arith.constant 0 : i32
      %add3A_364 = arith.addi %mul3A_362, %add3A_363 : i32
      %get3A = arith.constant 1 : i32
      %get3A_365 = arith.constant 0 : i32
      %get3A_366 = arith.index_cast %get3A : i32 to index
      %get3A_367 = arith.index_cast %get3A_365 : i32 to index
      %get3A_368 = arith.index_cast %add3A_364 : i32 to index
      %get3A_369 = arith.constant 0 : index
      %get3A_370 = tpu.vector_load %arg6[%get3A_366, %get3A_367, %get3A_368, %get3A_369] {strides = array<i32>} : memref<4x2x100x64xf32, #tpu.memory_space<vmem>>, vector<1x1x1x16xf32>,
      %get3A_371 = vector.shape_cast %get3A_370 : vector<1x1x1x16xf32> to vector<16xf32>
      %add3A_372 = arith.addf %scan3A_357, %get3A_371 : vector<16xf32>
      %mul3A_373 = arith.constant 2 : i32
      %mul3A_374 = arith.muli %mul3A_373, %scan3A_356 : i32
      %add3A_375 = arith.constant 0 : i32
      %add3A_376 = arith.addi %mul3A_374, %add3A_375 : i32
      %get3A_377 = arith.constant 1 : i32
      %get3A_378 = arith.constant 1 : i32
      %get3A_379 = arith.index_cast %get3A_377 : i32 to index
      %get3A_380 = arith.index_cast %get3A_378 : i32 to index
      %get3A_381 = arith.index_cast %add3A_376 : i32 to index
      %get3A_382 = arith.constant 0 : index
      %get3A_383 = tpu.vector_load %arg6[%get3A_379, %get3A_380, %get3A_381, %get3A_382] {strides = array<i32>} : memref<4x2x100x64xf32, #tpu.memory_space<vmem>>, vector<1x1x1x16xf32>,
      %get3A_384 = vector.shape_cast %get3A_383 : vector<1x1x1x16xf32> to vector<16xf32>
      %add3A_385 = arith.addf %add3A_372, %get3A_384 : vector<16xf32>
      %mul3A_386 = arith.constant 2 : i32
      %mul3A_387 = arith.muli %mul3A_386, %scan3A_356 : i32
      %add3A_388 = arith.constant 1 : i32
      %add3A_389 = arith.addi %mul3A_387, %add3A_388 : i32
      %get3A_390 = arith.constant 1 : i32
      %get3A_391 = arith.constant 0 : i32
      %get3A_392 = arith.index_cast %get3A_390 : i32 to index
      %get3A_393 = arith.index_cast %get3A_391 : i32 to index
      %get3A_394 = arith.index_cast %add3A_389 : i32 to index
      %get3A_395 = arith.constant 0 : index
      %get3A_396 = tpu.vector_load %arg6[%get3A_392, %get3A_393, %get3A_394, %get3A_395] {strides = array<i32>} : memref<4x2x100x64xf32, #tpu.memory_space<vmem>>, vector<1x1x1x16xf32>,
      %get3A_397 = vector.shape_cast %get3A_396 : vector<1x1x1x16xf32> to vector<16xf32>
      %add3A_398 = arith.addf %add3A_385, %get3A_397 : vector<16xf32>
      %mul3A_399 = arith.constant 2 : i32
      %mul3A_400 = arith.muli %mul3A_399, %scan3A_356 : i32
      %add3A_401 = arith.constant 1 : i32
      %add3A_402 = arith.addi %mul3A_400, %add3A_401 : i32
      %get3A_403 = arith.constant 1 : i32
      %get3A_404 = arith.constant 1 : i32
      %get3A_405 = arith.index_cast %get3A_403 : i32 to index
      %get3A_406 = arith.index_cast %get3A_404 : i32 to index
      %get3A_407 = arith.index_cast %add3A_402 : i32 to index
      %get3A_408 = arith.constant 0 : index
      %get3A_409 = tpu.vector_load %arg6[%get3A_405, %get3A_406, %get3A_407, %get3A_408] {strides = array<i32>} : memref<4x2x100x64xf32, #tpu.memory_space<vmem>>, vector<1x1x1x16xf32>,
      %get3A_410 = vector.shape_cast %get3A_409 : vector<1x1x1x16xf32> to vector<16xf32>
      %add3A_411 = arith.addf %add3A_398, %get3A_410 : vector<16xf32>
      %mul3A_412 = arith.constant 2 : i32
      %mul3A_413 = arith.muli %mul3A_412, %scan3A_356 : i32
      %add3A_414 = arith.constant 0 : i32
      %add3A_415 = arith.addi %mul3A_413, %add3A_414 : i32
      %get3A_416 = arith.constant 1 : i32
      %get3A_417 = arith.constant 0 : i32
      %get3A_418 = arith.index_cast %get3A_416 : i32 to index
      %get3A_419 = arith.index_cast %get3A_417 : i32 to index
      %get3A_420 = arith.index_cast %add3A_415 : i32 to index
      %get3A_421 = arith.constant 16 : index
      %get3A_422 = tpu.vector_load %arg6[%get3A_418, %get3A_419, %get3A_420, %get3A_421] {strides = array<i32>} : memref<4x2x100x64xf32, #tpu.memory_space<vmem>>, vector<1x1x1x16xf32>,
      %get3A_423 = vector.shape_cast %get3A_422 : vector<1x1x1x16xf32> to vector<16xf32>
      %add3A_424 = arith.addf %scan3A_358, %get3A_423 : vector<16xf32>
      %mul3A_425 = arith.constant 2 : i32
      %mul3A_426 = arith.muli %mul3A_425, %scan3A_356 : i32
      %add3A_427 = arith.constant 0 : i32
      %add3A_428 = arith.addi %mul3A_426, %add3A_427 : i32
      %get3A_429 = arith.constant 1 : i32
      %get3A_430 = arith.constant 1 : i32
      %get3A_431 = arith.index_cast %get3A_429 : i32 to index
      %get3A_432 = arith.index_cast %get3A_430 : i32 to index
      %get3A_433 = arith.index_cast %add3A_428 : i32 to index
      %get3A_434 = arith.constant 16 : index
      %get3A_435 = tpu.vector_load %arg6[%get3A_431, %get3A_432, %get3A_433, %get3A_434] {strides = array<i32>} : memref<4x2x100x64xf32, #tpu.memory_space<vmem>>, vector<1x1x1x16xf32>,
      %get3A_436 = vector.shape_cast %get3A_435 : vector<1x1x1x16xf32> to vector<16xf32>
      %add3A_437 = arith.addf %add3A_424, %get3A_436 : vector<16xf32>
      %mul3A_438 = arith.constant 2 : i32
      %mul3A_439 = arith.muli %mul3A_438, %scan3A_356 : i32
      %add3A_440 = arith.constant 1 : i32
      %add3A_441 = arith.addi %mul3A_439, %add3A_440 : i32
      %get3A_442 = arith.constant 1 : i32
      %get3A_443 = arith.constant 0 : i32
      %get3A_444 = arith.index_cast %get3A_442 : i32 to index
      %get3A_445 = arith.index_cast %get3A_443 : i32 to index
      %get3A_446 = arith.index_cast %add3A_441 : i32 to index
      %get3A_447 = arith.constant 16 : index
      %get3A_448 = tpu.vector_load %arg6[%get3A_444, %get3A_445, %get3A_446, %get3A_447] {strides = array<i32>} : memref<4x2x100x64xf32, #tpu.memory_space<vmem>>, vector<1x1x1x16xf32>,
      %get3A_449 = vector.shape_cast %get3A_448 : vector<1x1x1x16xf32> to vector<16xf32>
      %add3A_450 = arith.addf %add3A_437, %get3A_449 : vector<16xf32>
      %mul3A_451 = arith.constant 2 : i32
      %mul3A_452 = arith.muli %mul3A_451, %scan3A_356 : i32
      %add3A_453 = arith.constant 1 : i32
      %add3A_454 = arith.addi %mul3A_452, %add3A_453 : i32
      %get3A_455 = arith.constant 1 : i32
      %get3A_456 = arith.constant 1 : i32
      %get3A_457 = arith.index_cast %get3A_455 : i32 to index
      %get3A_458 = arith.index_cast %get3A_456 : i32 to index
      %get3A_459 = arith.index_cast %add3A_454 : i32 to index
      %get3A_460 = arith.constant 16 : index
      %get3A_461 = tpu.vector_load %arg6[%get3A_457, %get3A_458, %get3A_459, %get3A_460] {strides = array<i32>} : memref<4x2x100x64xf32, #tpu.memory_space<vmem>>, vector<1x1x1x16xf32>,
      %get3A_462 = vector.shape_cast %get3A_461 : vector<1x1x1x16xf32> to vector<16xf32>
      %add3A_463 = arith.addf %add3A_450, %get3A_462 : vector<16xf32>
      %mul3A_464 = arith.constant 2 : i32
      %mul3A_465 = arith.muli %mul3A_464, %scan3A_356 : i32
      %add3A_466 = arith.constant 0 : i32
      %add3A_467 = arith.addi %mul3A_465, %add3A_466 : i32
      %get3A_468 = arith.constant 1 : i32
      %get3A_469 = arith.constant 0 : i32
      %get3A_470 = arith.index_cast %get3A_468 : i32 to index
      %get3A_471 = arith.index_cast %get3A_469 : i32 to index
      %get3A_472 = arith.index_cast %add3A_467 : i32 to index
      %get3A_473 = arith.constant 32 : index
      %get3A_474 = tpu.vector_load %arg6[%get3A_470, %get3A_471, %get3A_472, %get3A_473] {strides = array<i32>} : memref<4x2x100x64xf32, #tpu.memory_space<vmem>>, vector<1x1x1x16xf32>,
      %get3A_475 = vector.shape_cast %get3A_474 : vector<1x1x1x16xf32> to vector<16xf32>
      %add3A_476 = arith.addf %scan3A_359, %get3A_475 : vector<16xf32>
      %mul3A_477 = arith.constant 2 : i32
      %mul3A_478 = arith.muli %mul3A_477, %scan3A_356 : i32
      %add3A_479 = arith.constant 0 : i32
      %add3A_480 = arith.addi %mul3A_478, %add3A_479 : i32
      %get3A_481 = arith.constant 1 : i32
      %get3A_482 = arith.constant 1 : i32
      %get3A_483 = arith.index_cast %get3A_481 : i32 to index
      %get3A_484 = arith.index_cast %get3A_482 : i32 to index
      %get3A_485 = arith.index_cast %add3A_480 : i32 to index
      %get3A_486 = arith.constant 32 : index
      %get3A_487 = tpu.vector_load %arg6[%get3A_483, %get3A_484, %get3A_485, %get3A_486] {strides = array<i32>} : memref<4x2x100x64xf32, #tpu.memory_space<vmem>>, vector<1x1x1x16xf32>,
      %get3A_488 = vector.shape_cast %get3A_487 : vector<1x1x1x16xf32> to vector<16xf32>
      %add3A_489 = arith.addf %add3A_476, %get3A_488 : vector<16xf32>
      %mul3A_490 = arith.constant 2 : i32
      %mul3A_491 = arith.muli %mul3A_490, %scan3A_356 : i32
      %add3A_492 = arith.constant 1 : i32
      %add3A_493 = arith.addi %mul3A_491, %add3A_492 : i32
      %get3A_494 = arith.constant 1 : i32
      %get3A_495 = arith.constant 0 : i32
      %get3A_496 = arith.index_cast %get3A_494 : i32 to index
      %get3A_497 = arith.index_cast %get3A_495 : i32 to index
      %get3A_498 = arith.index_cast %add3A_493 : i32 to index
      %get3A_499 = arith.constant 32 : index
      %get3A_500 = tpu.vector_load %arg6[%get3A_496, %get3A_497, %get3A_498, %get3A_499] {strides = array<i32>} : memref<4x2x100x64xf32, #tpu.memory_space<vmem>>, vector<1x1x1x16xf32>,
      %get3A_501 = vector.shape_cast %get3A_500 : vector<1x1x1x16xf32> to vector<16xf32>
      %add3A_502 = arith.addf %add3A_489, %get3A_501 : vector<16xf32>
      %mul3A_503 = arith.constant 2 : i32
      %mul3A_504 = arith.muli %mul3A_503, %scan3A_356 : i32
      %add3A_505 = arith.constant 1 : i32
      %add3A_506 = arith.addi %mul3A_504, %add3A_505 : i32
      %get3A_507 = arith.constant 1 : i32
      %get3A_508 = arith.constant 1 : i32
      %get3A_509 = arith.index_cast %get3A_507 : i32 to index
      %get3A_510 = arith.index_cast %get3A_508 : i32 to index
      %get3A_511 = arith.index_cast %add3A_506 : i32 to index
      %get3A_512 = arith.constant 32 : index
      %get3A_513 = tpu.vector_load %arg6[%get3A_509, %get3A_510, %get3A_511, %get3A_512] {strides = array<i32>} : memref<4x2x100x64xf32, #tpu.memory_space<vmem>>, vector<1x1x1x16xf32>,
      %get3A_514 = vector.shape_cast %get3A_513 : vector<1x1x1x16xf32> to vector<16xf32>
      %add3A_515 = arith.addf %add3A_502, %get3A_514 : vector<16xf32>
      %mul3A_516 = arith.constant 2 : i32
      %mul3A_517 = arith.muli %mul3A_516, %scan3A_356 : i32
      %add3A_518 = arith.constant 0 : i32
      %add3A_519 = arith.addi %mul3A_517, %add3A_518 : i32
      %get3A_520 = arith.constant 1 : i32
      %get3A_521 = arith.constant 0 : i32
      %get3A_522 = arith.index_cast %get3A_520 : i32 to index
      %get3A_523 = arith.index_cast %get3A_521 : i32 to index
      %get3A_524 = arith.index_cast %add3A_519 : i32 to index
      %get3A_525 = arith.constant 48 : index
      %get3A_526 = tpu.vector_load %arg6[%get3A_522, %get3A_523, %get3A_524, %get3A_525] {strides = array<i32>} : memref<4x2x100x64xf32, #tpu.memory_space<vmem>>, vector<1x1x1x16xf32>,
      %get3A_527 = vector.shape_cast %get3A_526 : vector<1x1x1x16xf32> to vector<16xf32>
      %add3A_528 = arith.addf %scan3A_360, %get3A_527 : vector<16xf32>
      %mul3A_529 = arith.constant 2 : i32
      %mul3A_530 = arith.muli %mul3A_529, %scan3A_356 : i32
      %add3A_531 = arith.constant 0 : i32
      %add3A_532 = arith.addi %mul3A_530, %add3A_531 : i32
      %get3A_533 = arith.constant 1 : i32
      %get3A_534 = arith.constant 1 : i32
      %get3A_535 = arith.index_cast %get3A_533 : i32 to index
      %get3A_536 = arith.index_cast %get3A_534 : i32 to index
      %get3A_537 = arith.index_cast %add3A_532 : i32 to index
      %get3A_538 = arith.constant 48 : index
      %get3A_539 = tpu.vector_load %arg6[%get3A_535, %get3A_536, %get3A_537, %get3A_538] {strides = array<i32>} : memref<4x2x100x64xf32, #tpu.memory_space<vmem>>, vector<1x1x1x16xf32>,
      %get3A_540 = vector.shape_cast %get3A_539 : vector<1x1x1x16xf32> to vector<16xf32>
      %add3A_541 = arith.addf %add3A_528, %get3A_540 : vector<16xf32>
      %mul3A_542 = arith.constant 2 : i32
      %mul3A_543 = arith.muli %mul3A_542, %scan3A_356 : i32
      %add3A_544 = arith.constant 1 : i32
      %add3A_545 = arith.addi %mul3A_543, %add3A_544 : i32
      %get3A_546 = arith.constant 1 : i32
      %get3A_547 = arith.constant 0 : i32
      %get3A_548 = arith.index_cast %get3A_546 : i32 to index
      %get3A_549 = arith.index_cast %get3A_547 : i32 to index
      %get3A_550 = arith.index_cast %add3A_545 : i32 to index
      %get3A_551 = arith.constant 48 : index
      %get3A_552 = tpu.vector_load %arg6[%get3A_548, %get3A_549, %get3A_550, %get3A_551] {strides = array<i32>} : memref<4x2x100x64xf32, #tpu.memory_space<vmem>>, vector<1x1x1x16xf32>,
      %get3A_553 = vector.shape_cast %get3A_552 : vector<1x1x1x16xf32> to vector<16xf32>
      %add3A_554 = arith.addf %add3A_541, %get3A_553 : vector<16xf32>
      %mul3A_555 = arith.constant 2 : i32
      %mul3A_556 = arith.muli %mul3A_555, %scan3A_356 : i32
      %add3A_557 = arith.constant 1 : i32
      %add3A_558 = arith.addi %mul3A_556, %add3A_557 : i32
      %get3A_559 = arith.constant 1 : i32
      %get3A_560 = arith.constant 1 : i32
      %get3A_561 = arith.index_cast %get3A_559 : i32 to index
      %get3A_562 = arith.index_cast %get3A_560 : i32 to index
      %get3A_563 = arith.index_cast %add3A_558 : i32 to index
      %get3A_564 = arith.constant 48 : index
      %get3A_565 = tpu.vector_load %arg6[%get3A_561, %get3A_562, %get3A_563, %get3A_564] {strides = array<i32>} : memref<4x2x100x64xf32, #tpu.memory_space<vmem>>, vector<1x1x1x16xf32>,
      %get3A_566 = vector.shape_cast %get3A_565 : vector<1x1x1x16xf32> to vector<16xf32>
      %add3A_567 = arith.addf %add3A_554, %get3A_566 : vector<16xf32>
      scf.yield %add3A_411, %add3A_463, %add3A_515, %add3A_567 : vector<16xf32>, vector<16xf32>, vector<16xf32>, vector<16xf32>
    }
    %scan3A_211 = arith.constant 50 : i32
    %swap3A_212 = arith.constant 125 : i32
    %swap3A_213 = arith.index_cast %swap3A_212 : i32 to index
    %swap3A_214 = arith.constant 0 : index
    %swap3A_215 = tpu.vector_load %arg7[%swap3A_213, %swap3A_214] {strides = array<i32>} : memref<128x64xf32, #tpu.memory_space<vmem>>, vector<1x16xf32>,
    %swap3A_216 = vector.shape_cast %swap3A_215 : vector<1x16xf32> to vector<16xf32>
    %swap3A_217 = vector.shape_cast %scan3A_210#0 : vector<16xf32> to vector<1x16xf32>
    tpu.vector_store %arg7[%swap3A_213, %swap3A_214], %swap3A_217 {strides = array<i32>} : memref<128x64xf32, #tpu.memory_space<vmem>>, vector<1x16xf32>,
    %swap3A_218 = arith.constant 125 : i32
    %swap3A_219 = arith.index_cast %swap3A_218 : i32 to index
    %swap3A_220 = arith.constant 16 : index
    %swap3A_221 = tpu.vector_load %arg7[%swap3A_219, %swap3A_220] {strides = array<i32>} : memref<128x64xf32, #tpu.memory_space<vmem>>, vector<1x16xf32>,
    %swap3A_222 = vector.shape_cast %swap3A_221 : vector<1x16xf32> to vector<16xf32>
    %swap3A_223 = vector.shape_cast %scan3A_210#1 : vector<16xf32> to vector<1x16xf32>
    tpu.vector_store %arg7[%swap3A_219, %swap3A_220], %swap3A_223 {strides = array<i32>} : memref<128x64xf32, #tpu.memory_space<vmem>>, vector<1x16xf32>,
    %swap3A_224 = arith.constant 125 : i32
    %swap3A_225 = arith.index_cast %swap3A_224 : i32 to index
    %swap3A_226 = arith.constant 32 : index
    %swap3A_227 = tpu.vector_load %arg7[%swap3A_225, %swap3A_226] {strides = array<i32>} : memref<128x64xf32, #tpu.memory_space<vmem>>, vector<1x16xf32>,
    %swap3A_228 = vector.shape_cast %swap3A_227 : vector<1x16xf32> to vector<16xf32>
    %swap3A_229 = vector.shape_cast %scan3A_210#2 : vector<16xf32> to vector<1x16xf32>
    tpu.vector_store %arg7[%swap3A_225, %swap3A_226], %swap3A_229 {strides = array<i32>} : memref<128x64xf32, #tpu.memory_space<vmem>>, vector<1x16xf32>,
    %swap3A_230 = arith.constant 125 : i32
    %swap3A_231 = arith.index_cast %swap3A_230 : i32 to index
    %swap3A_232 = arith.constant 48 : index
    %swap3A_233 = tpu.vector_load %arg7[%swap3A_231, %swap3A_232] {strides = array<i32>} : memref<128x64xf32, #tpu.memory_space<vmem>>, vector<1x16xf32>,
    %swap3A_234 = vector.shape_cast %swap3A_233 : vector<1x16xf32> to vector<16xf32>
    %swap3A_235 = vector.shape_cast %scan3A_210#3 : vector<16xf32> to vector<1x16xf32>
    tpu.vector_store %arg7[%swap3A_231, %swap3A_232], %swap3A_235 {strides = array<i32>} : memref<128x64xf32, #tpu.memory_space<vmem>>, vector<1x16xf32>,
    %dma_wait3A_236 = arith.constant 126 : i32
    %dma_wait3A_237 = arith.constant 0 : i32
    %dma_wait3A_238 = arith.constant 2 : i32
    %dma_wait3A_239 = arith.constant 0 : i32
    %dma_wait3A_240 = arith.constant 0 : i32
    %dma_wait3A_241 = arith.constant 0 : i32
    %dma_wait3A_242 = tpu.memref_slice %arg6[%dma_wait3A_238, %dma_wait3A_239, %dma_wait3A_240, %dma_wait3A_241] : memref<4x2x100x64xf32, #tpu.memory_space<vmem>> -> memref<1x1x100x64xf32, #tpu.memory_space<vmem>>
    %dma_wait3A_243 = tpu.memref_squeeze %dma_wait3A_242 : memref<1x1x100x64xf32, #tpu.memory_space<vmem>> -> memref<100x64xf32, #tpu.memory_space<vmem>>
    %dma_wait3A_244 = arith.constant 0 : i32
    %dma_wait3A_245 = tpu.memref_slice %arg5[%dma_wait3A_236, %dma_wait3A_237, %dma_wait3A_244] : memref<128x2x100xi32, #tpu.memory_space<vmem>> -> memref<1x1x100xi32, #tpu.memory_space<vmem>>
    %dma_wait3A_246 = tpu.memref_squeeze %dma_wait3A_245 : memref<1x1x100xi32, #tpu.memory_space<vmem>> -> memref<100xi32, #tpu.memory_space<vmem>>
    %dma_wait3A_247 = arith.constant 0 : i32
    %dma_wait3A_248 = arith.constant 0 : i32
    %dma_wait3A_249 = tpu.memref_slice %arg3[%dma_wait3A_247, %dma_wait3A_248] : memref<100000x64xf32, #tpu.memory_space<hbm>> -> memref<100000x64xf32, #tpu.memory_space<hbm>>
    tpu.wait_indirect_dma semaphore(%arg10 : memref<!tpu.dma_semaphore, #tpu.memory_space<semaphore_mem>>) src(%dma_wait3A_249 : memref<100000x64xf32, #tpu.memory_space<hbm>>) dst(%dma_wait3A_243 : memref<100x64xf32, #tpu.memory_space<vmem>>)
    %dma_wait3A_250 = arith.constant 126 : i32
    %dma_wait3A_251 = arith.constant 1 : i32
    %dma_wait3A_252 = arith.constant 2 : i32
    %dma_wait3A_253 = arith.constant 1 : i32
    %dma_wait3A_254 = arith.constant 0 : i32
    %dma_wait3A_255 = arith.constant 0 : i32
    %dma_wait3A_256 = tpu.memref_slice %arg6[%dma_wait3A_252, %dma_wait3A_253, %dma_wait3A_254, %dma_wait3A_255] : memref<4x2x100x64xf32, #tpu.memory_space<vmem>> -> memref<1x1x100x64xf32, #tpu.memory_space<vmem>>
    %dma_wait3A_257 = tpu.memref_squeeze %dma_wait3A_256 : memref<1x1x100x64xf32, #tpu.memory_space<vmem>> -> memref<100x64xf32, #tpu.memory_space<vmem>>
    %dma_wait3A_258 = arith.constant 0 : i32
    %dma_wait3A_259 = tpu.memref_slice %arg5[%dma_wait3A_250, %dma_wait3A_251, %dma_wait3A_258] : memref<128x2x100xi32, #tpu.memory_space<vmem>> -> memref<1x1x100xi32, #tpu.memory_space<vmem>>
    %dma_wait3A_260 = tpu.memref_squeeze %dma_wait3A_259 : memref<1x1x100xi32, #tpu.memory_space<vmem>> -> memref<100xi32, #tpu.memory_space<vmem>>
    %dma_wait3A_261 = arith.constant 0 : i32
    %dma_wait3A_262 = arith.constant 0 : i32
    %dma_wait3A_263 = tpu.memref_slice %arg3[%dma_wait3A_261, %dma_wait3A_262] : memref<100000x64xf32, #tpu.memory_space<hbm>> -> memref<100000x64xf32, #tpu.memory_space<hbm>>
    tpu.wait_indirect_dma semaphore(%arg10 : memref<!tpu.dma_semaphore, #tpu.memory_space<semaphore_mem>>) src(%dma_wait3A_263 : memref<100000x64xf32, #tpu.memory_space<hbm>>) dst(%dma_wait3A_257 : memref<100x64xf32, #tpu.memory_space<vmem>>)
    %broadcast_in_dim3A_264 = arith.constant 0.000000e+00 : f32
    %broadcast_in_dim3A_265 = vector.broadcast %broadcast_in_dim3A_264 : f32 to vector<16xf32>
    %scan3A_266 = arith.constant 0 : i32
    %scan3A_267 = arith.constant 50 : i32
    %scan3A_268 = arith.addi %scan3A_266, %scan3A_267 : i32
    %scan3A_269 = arith.constant 1 : i32
    %scan3A_270:4 = scf.for %scan3A_356 = %scan3A_266 to %scan3A_268 step %scan3A_269 iter_args(%scan3A_357 = %broadcast_in_dim3A_265, %scan3A_358 = %broadcast_in_dim3A_265, %scan3A_359 = %broadcast_in_dim3A_265, %scan3A_360 = %broadcast_in_dim3A_265) -> (vector<16xf32>, vector<16xf32>, vector<16xf32>, vector<16xf32>)  : i32 {
      %mul3A_361 = arith.constant 2 : i32
      %mul3A_362 = arith.muli %mul3A_361, %scan3A_356 : i32
      %add3A_363 = arith.constant 0 : i32
      %add3A_364 = arith.addi %mul3A_362, %add3A_363 : i32
      %get3A = arith.constant 2 : i32
      %get3A_365 = arith.constant 0 : i32
      %get3A_366 = arith.index_cast %get3A : i32 to index
      %get3A_367 = arith.index_cast %get3A_365 : i32 to index
      %get3A_368 = arith.index_cast %add3A_364 : i32 to index
      %get3A_369 = arith.constant 0 : index
      %get3A_370 = tpu.vector_load %arg6[%get3A_366, %get3A_367, %get3A_368, %get3A_369] {strides = array<i32>} : memref<4x2x100x64xf32, #tpu.memory_space<vmem>>, vector<1x1x1x16xf32>,
      %get3A_371 = vector.shape_cast %get3A_370 : vector<1x1x1x16xf32> to vector<16xf32>
      %add3A_372 = arith.addf %scan3A_357, %get3A_371 : vector<16xf32>
      %mul3A_373 = arith.constant 2 : i32
      %mul3A_374 = arith.muli %mul3A_373, %scan3A_356 : i32
      %add3A_375 = arith.constant 0 : i32
      %add3A_376 = arith.addi %mul3A_374, %add3A_375 : i32
      %get3A_377 = arith.constant 2 : i32
      %get3A_378 = arith.constant 1 : i32
      %get3A_379 = arith.index_cast %get3A_377 : i32 to index
      %get3A_380 = arith.index_cast %get3A_378 : i32 to index
      %get3A_381 = arith.index_cast %add3A_376 : i32 to index
      %get3A_382 = arith.constant 0 : index
      %get3A_383 = tpu.vector_load %arg6[%get3A_379, %get3A_380, %get3A_381, %get3A_382] {strides = array<i32>} : memref<4x2x100x64xf32, #tpu.memory_space<vmem>>, vector<1x1x1x16xf32>,
      %get3A_384 = vector.shape_cast %get3A_383 : vector<1x1x1x16xf32> to vector<16xf32>
      %add3A_385 = arith.addf %add3A_372, %get3A_384 : vector<16xf32>
      %mul3A_386 = arith.constant 2 : i32
      %mul3A_387 = arith.muli %mul3A_386, %scan3A_356 : i32
      %add3A_388 = arith.constant 1 : i32
      %add3A_389 = arith.addi %mul3A_387, %add3A_388 : i32
      %get3A_390 = arith.constant 2 : i32
      %get3A_391 = arith.constant 0 : i32
      %get3A_392 = arith.index_cast %get3A_390 : i32 to index
      %get3A_393 = arith.index_cast %get3A_391 : i32 to index
      %get3A_394 = arith.index_cast %add3A_389 : i32 to index
      %get3A_395 = arith.constant 0 : index
      %get3A_396 = tpu.vector_load %arg6[%get3A_392, %get3A_393, %get3A_394, %get3A_395] {strides = array<i32>} : memref<4x2x100x64xf32, #tpu.memory_space<vmem>>, vector<1x1x1x16xf32>,
      %get3A_397 = vector.shape_cast %get3A_396 : vector<1x1x1x16xf32> to vector<16xf32>
      %add3A_398 = arith.addf %add3A_385, %get3A_397 : vector<16xf32>
      %mul3A_399 = arith.constant 2 : i32
      %mul3A_400 = arith.muli %mul3A_399, %scan3A_356 : i32
      %add3A_401 = arith.constant 1 : i32
      %add3A_402 = arith.addi %mul3A_400, %add3A_401 : i32
      %get3A_403 = arith.constant 2 : i32
      %get3A_404 = arith.constant 1 : i32
      %get3A_405 = arith.index_cast %get3A_403 : i32 to index
      %get3A_406 = arith.index_cast %get3A_404 : i32 to index
      %get3A_407 = arith.index_cast %add3A_402 : i32 to index
      %get3A_408 = arith.constant 0 : index
      %get3A_409 = tpu.vector_load %arg6[%get3A_405, %get3A_406, %get3A_407, %get3A_408] {strides = array<i32>} : memref<4x2x100x64xf32, #tpu.memory_space<vmem>>, vector<1x1x1x16xf32>,
      %get3A_410 = vector.shape_cast %get3A_409 : vector<1x1x1x16xf32> to vector<16xf32>
      %add3A_411 = arith.addf %add3A_398, %get3A_410 : vector<16xf32>
      %mul3A_412 = arith.constant 2 : i32
      %mul3A_413 = arith.muli %mul3A_412, %scan3A_356 : i32
      %add3A_414 = arith.constant 0 : i32
      %add3A_415 = arith.addi %mul3A_413, %add3A_414 : i32
      %get3A_416 = arith.constant 2 : i32
      %get3A_417 = arith.constant 0 : i32
      %get3A_418 = arith.index_cast %get3A_416 : i32 to index
      %get3A_419 = arith.index_cast %get3A_417 : i32 to index
      %get3A_420 = arith.index_cast %add3A_415 : i32 to index
      %get3A_421 = arith.constant 16 : index
      %get3A_422 = tpu.vector_load %arg6[%get3A_418, %get3A_419, %get3A_420, %get3A_421] {strides = array<i32>} : memref<4x2x100x64xf32, #tpu.memory_space<vmem>>, vector<1x1x1x16xf32>,
      %get3A_423 = vector.shape_cast %get3A_422 : vector<1x1x1x16xf32> to vector<16xf32>
      %add3A_424 = arith.addf %scan3A_358, %get3A_423 : vector<16xf32>
      %mul3A_425 = arith.constant 2 : i32
      %mul3A_426 = arith.muli %mul3A_425, %scan3A_356 : i32
      %add3A_427 = arith.constant 0 : i32
      %add3A_428 = arith.addi %mul3A_426, %add3A_427 : i32
      %get3A_429 = arith.constant 2 : i32
      %get3A_430 = arith.constant 1 : i32
      %get3A_431 = arith.index_cast %get3A_429 : i32 to index
      %get3A_432 = arith.index_cast %get3A_430 : i32 to index
      %get3A_433 = arith.index_cast %add3A_428 : i32 to index
      %get3A_434 = arith.constant 16 : index
      %get3A_435 = tpu.vector_load %arg6[%get3A_431, %get3A_432, %get3A_433, %get3A_434] {strides = array<i32>} : memref<4x2x100x64xf32, #tpu.memory_space<vmem>>, vector<1x1x1x16xf32>,
      %get3A_436 = vector.shape_cast %get3A_435 : vector<1x1x1x16xf32> to vector<16xf32>
      %add3A_437 = arith.addf %add3A_424, %get3A_436 : vector<16xf32>
      %mul3A_438 = arith.constant 2 : i32
      %mul3A_439 = arith.muli %mul3A_438, %scan3A_356 : i32
      %add3A_440 = arith.constant 1 : i32
      %add3A_441 = arith.addi %mul3A_439, %add3A_440 : i32
      %get3A_442 = arith.constant 2 : i32
      %get3A_443 = arith.constant 0 : i32
      %get3A_444 = arith.index_cast %get3A_442 : i32 to index
      %get3A_445 = arith.index_cast %get3A_443 : i32 to index
      %get3A_446 = arith.index_cast %add3A_441 : i32 to index
      %get3A_447 = arith.constant 16 : index
      %get3A_448 = tpu.vector_load %arg6[%get3A_444, %get3A_445, %get3A_446, %get3A_447] {strides = array<i32>} : memref<4x2x100x64xf32, #tpu.memory_space<vmem>>, vector<1x1x1x16xf32>,
      %get3A_449 = vector.shape_cast %get3A_448 : vector<1x1x1x16xf32> to vector<16xf32>
      %add3A_450 = arith.addf %add3A_437, %get3A_449 : vector<16xf32>
      %mul3A_451 = arith.constant 2 : i32
      %mul3A_452 = arith.muli %mul3A_451, %scan3A_356 : i32
      %add3A_453 = arith.constant 1 : i32
      %add3A_454 = arith.addi %mul3A_452, %add3A_453 : i32
      %get3A_455 = arith.constant 2 : i32
      %get3A_456 = arith.constant 1 : i32
      %get3A_457 = arith.index_cast %get3A_455 : i32 to index
      %get3A_458 = arith.index_cast %get3A_456 : i32 to index
      %get3A_459 = arith.index_cast %add3A_454 : i32 to index
      %get3A_460 = arith.constant 16 : index
      %get3A_461 = tpu.vector_load %arg6[%get3A_457, %get3A_458, %get3A_459, %get3A_460] {strides = array<i32>} : memref<4x2x100x64xf32, #tpu.memory_space<vmem>>, vector<1x1x1x16xf32>,
      %get3A_462 = vector.shape_cast %get3A_461 : vector<1x1x1x16xf32> to vector<16xf32>
      %add3A_463 = arith.addf %add3A_450, %get3A_462 : vector<16xf32>
      %mul3A_464 = arith.constant 2 : i32
      %mul3A_465 = arith.muli %mul3A_464, %scan3A_356 : i32
      %add3A_466 = arith.constant 0 : i32
      %add3A_467 = arith.addi %mul3A_465, %add3A_466 : i32
      %get3A_468 = arith.constant 2 : i32
      %get3A_469 = arith.constant 0 : i32
      %get3A_470 = arith.index_cast %get3A_468 : i32 to index
      %get3A_471 = arith.index_cast %get3A_469 : i32 to index
      %get3A_472 = arith.index_cast %add3A_467 : i32 to index
      %get3A_473 = arith.constant 32 : index
      %get3A_474 = tpu.vector_load %arg6[%get3A_470, %get3A_471, %get3A_472, %get3A_473] {strides = array<i32>} : memref<4x2x100x64xf32, #tpu.memory_space<vmem>>, vector<1x1x1x16xf32>,
      %get3A_475 = vector.shape_cast %get3A_474 : vector<1x1x1x16xf32> to vector<16xf32>
      %add3A_476 = arith.addf %scan3A_359, %get3A_475 : vector<16xf32>
      %mul3A_477 = arith.constant 2 : i32
      %mul3A_478 = arith.muli %mul3A_477, %scan3A_356 : i32
      %add3A_479 = arith.constant 0 : i32
      %add3A_480 = arith.addi %mul3A_478, %add3A_479 : i32
      %get3A_481 = arith.constant 2 : i32
      %get3A_482 = arith.constant 1 : i32
      %get3A_483 = arith.index_cast %get3A_481 : i32 to index
      %get3A_484 = arith.index_cast %get3A_482 : i32 to index
      %get3A_485 = arith.index_cast %add3A_480 : i32 to index
      %get3A_486 = arith.constant 32 : index
      %get3A_487 = tpu.vector_load %arg6[%get3A_483, %get3A_484, %get3A_485, %get3A_486] {strides = array<i32>} : memref<4x2x100x64xf32, #tpu.memory_space<vmem>>, vector<1x1x1x16xf32>,
      %get3A_488 = vector.shape_cast %get3A_487 : vector<1x1x1x16xf32> to vector<16xf32>
      %add3A_489 = arith.addf %add3A_476, %get3A_488 : vector<16xf32>
      %mul3A_490 = arith.constant 2 : i32
      %mul3A_491 = arith.muli %mul3A_490, %scan3A_356 : i32
      %add3A_492 = arith.constant 1 : i32
      %add3A_493 = arith.addi %mul3A_491, %add3A_492 : i32
      %get3A_494 = arith.constant 2 : i32
      %get3A_495 = arith.constant 0 : i32
      %get3A_496 = arith.index_cast %get3A_494 : i32 to index
      %get3A_497 = arith.index_cast %get3A_495 : i32 to index
      %get3A_498 = arith.index_cast %add3A_493 : i32 to index
      %get3A_499 = arith.constant 32 : index
      %get3A_500 = tpu.vector_load %arg6[%get3A_496, %get3A_497, %get3A_498, %get3A_499] {strides = array<i32>} : memref<4x2x100x64xf32, #tpu.memory_space<vmem>>, vector<1x1x1x16xf32>,
      %get3A_501 = vector.shape_cast %get3A_500 : vector<1x1x1x16xf32> to vector<16xf32>
      %add3A_502 = arith.addf %add3A_489, %get3A_501 : vector<16xf32>
      %mul3A_503 = arith.constant 2 : i32
      %mul3A_504 = arith.muli %mul3A_503, %scan3A_356 : i32
      %add3A_505 = arith.constant 1 : i32
      %add3A_506 = arith.addi %mul3A_504, %add3A_505 : i32
      %get3A_507 = arith.constant 2 : i32
      %get3A_508 = arith.constant 1 : i32
      %get3A_509 = arith.index_cast %get3A_507 : i32 to index
      %get3A_510 = arith.index_cast %get3A_508 : i32 to index
      %get3A_511 = arith.index_cast %add3A_506 : i32 to index
      %get3A_512 = arith.constant 32 : index
      %get3A_513 = tpu.vector_load %arg6[%get3A_509, %get3A_510, %get3A_511, %get3A_512] {strides = array<i32>} : memref<4x2x100x64xf32, #tpu.memory_space<vmem>>, vector<1x1x1x16xf32>,
      %get3A_514 = vector.shape_cast %get3A_513 : vector<1x1x1x16xf32> to vector<16xf32>
      %add3A_515 = arith.addf %add3A_502, %get3A_514 : vector<16xf32>
      %mul3A_516 = arith.constant 2 : i32
      %mul3A_517 = arith.muli %mul3A_516, %scan3A_356 : i32
      %add3A_518 = arith.constant 0 : i32
      %add3A_519 = arith.addi %mul3A_517, %add3A_518 : i32
      %get3A_520 = arith.constant 2 : i32
      %get3A_521 = arith.constant 0 : i32
      %get3A_522 = arith.index_cast %get3A_520 : i32 to index
      %get3A_523 = arith.index_cast %get3A_521 : i32 to index
      %get3A_524 = arith.index_cast %add3A_519 : i32 to index
      %get3A_525 = arith.constant 48 : index
      %get3A_526 = tpu.vector_load %arg6[%get3A_522, %get3A_523, %get3A_524, %get3A_525] {strides = array<i32>} : memref<4x2x100x64xf32, #tpu.memory_space<vmem>>, vector<1x1x1x16xf32>,
      %get3A_527 = vector.shape_cast %get3A_526 : vector<1x1x1x16xf32> to vector<16xf32>
      %add3A_528 = arith.addf %scan3A_360, %get3A_527 : vector<16xf32>
      %mul3A_529 = arith.constant 2 : i32
      %mul3A_530 = arith.muli %mul3A_529, %scan3A_356 : i32
      %add3A_531 = arith.constant 0 : i32
      %add3A_532 = arith.addi %mul3A_530, %add3A_531 : i32
      %get3A_533 = arith.constant 2 : i32
      %get3A_534 = arith.constant 1 : i32
      %get3A_535 = arith.index_cast %get3A_533 : i32 to index
      %get3A_536 = arith.index_cast %get3A_534 : i32 to index
      %get3A_537 = arith.index_cast %add3A_532 : i32 to index
      %get3A_538 = arith.constant 48 : index
      %get3A_539 = tpu.vector_load %arg6[%get3A_535, %get3A_536, %get3A_537, %get3A_538] {strides = array<i32>} : memref<4x2x100x64xf32, #tpu.memory_space<vmem>>, vector<1x1x1x16xf32>,
      %get3A_540 = vector.shape_cast %get3A_539 : vector<1x1x1x16xf32> to vector<16xf32>
      %add3A_541 = arith.addf %add3A_528, %get3A_540 : vector<16xf32>
      %mul3A_542 = arith.constant 2 : i32
      %mul3A_543 = arith.muli %mul3A_542, %scan3A_356 : i32
      %add3A_544 = arith.constant 1 : i32
      %add3A_545 = arith.addi %mul3A_543, %add3A_544 : i32
      %get3A_546 = arith.constant 2 : i32
      %get3A_547 = arith.constant 0 : i32
      %get3A_548 = arith.index_cast %get3A_546 : i32 to index
      %get3A_549 = arith.index_cast %get3A_547 : i32 to index
      %get3A_550 = arith.index_cast %add3A_545 : i32 to index
      %get3A_551 = arith.constant 48 : index
      %get3A_552 = tpu.vector_load %arg6[%get3A_548, %get3A_549, %get3A_550, %get3A_551] {strides = array<i32>} : memref<4x2x100x64xf32, #tpu.memory_space<vmem>>, vector<1x1x1x16xf32>,
      %get3A_553 = vector.shape_cast %get3A_552 : vector<1x1x1x16xf32> to vector<16xf32>
      %add3A_554 = arith.addf %add3A_541, %get3A_553 : vector<16xf32>
      %mul3A_555 = arith.constant 2 : i32
      %mul3A_556 = arith.muli %mul3A_555, %scan3A_356 : i32
      %add3A_557 = arith.constant 1 : i32
      %add3A_558 = arith.addi %mul3A_556, %add3A_557 : i32
      %get3A_559 = arith.constant 2 : i32
      %get3A_560 = arith.constant 1 : i32
      %get3A_561 = arith.index_cast %get3A_559 : i32 to index
      %get3A_562 = arith.index_cast %get3A_560 : i32 to index
      %get3A_563 = arith.index_cast %add3A_558 : i32 to index
      %get3A_564 = arith.constant 48 : index
      %get3A_565 = tpu.vector_load %arg6[%get3A_561, %get3A_562, %get3A_563, %get3A_564] {strides = array<i32>} : memref<4x2x100x64xf32, #tpu.memory_space<vmem>>, vector<1x1x1x16xf32>,
      %get3A_566 = vector.shape_cast %get3A_565 : vector<1x1x1x16xf32> to vector<16xf32>
      %add3A_567 = arith.addf %add3A_554, %get3A_566 : vector<16xf32>
      scf.yield %add3A_411, %add3A_463, %add3A_515, %add3A_567 : vector<16xf32>, vector<16xf32>, vector<16xf32>, vector<16xf32>
    }
    %scan3A_271 = arith.constant 50 : i32
    %swap3A_272 = arith.constant 126 : i32
    %swap3A_273 = arith.index_cast %swap3A_272 : i32 to index
    %swap3A_274 = arith.constant 0 : index
    %swap3A_275 = tpu.vector_load %arg7[%swap3A_273, %swap3A_274] {strides = array<i32>} : memref<128x64xf32, #tpu.memory_space<vmem>>, vector<1x16xf32>,
    %swap3A_276 = vector.shape_cast %swap3A_275 : vector<1x16xf32> to vector<16xf32>
    %swap3A_277 = vector.shape_cast %scan3A_270#0 : vector<16xf32> to vector<1x16xf32>
    tpu.vector_store %arg7[%swap3A_273, %swap3A_274], %swap3A_277 {strides = array<i32>} : memref<128x64xf32, #tpu.memory_space<vmem>>, vector<1x16xf32>,
    %swap3A_278 = arith.constant 126 : i32
    %swap3A_279 = arith.index_cast %swap3A_278 : i32 to index
    %swap3A_280 = arith.constant 16 : index
    %swap3A_281 = tpu.vector_load %arg7[%swap3A_279, %swap3A_280] {strides = array<i32>} : memref<128x64xf32, #tpu.memory_space<vmem>>, vector<1x16xf32>,
    %swap3A_282 = vector.shape_cast %swap3A_281 : vector<1x16xf32> to vector<16xf32>
    %swap3A_283 = vector.shape_cast %scan3A_270#1 : vector<16xf32> to vector<1x16xf32>
    tpu.vector_store %arg7[%swap3A_279, %swap3A_280], %swap3A_283 {strides = array<i32>} : memref<128x64xf32, #tpu.memory_space<vmem>>, vector<1x16xf32>,
    %swap3A_284 = arith.constant 126 : i32
    %swap3A_285 = arith.index_cast %swap3A_284 : i32 to index
    %swap3A_286 = arith.constant 32 : index
    %swap3A_287 = tpu.vector_load %arg7[%swap3A_285, %swap3A_286] {strides = array<i32>} : memref<128x64xf32, #tpu.memory_space<vmem>>, vector<1x16xf32>,
    %swap3A_288 = vector.shape_cast %swap3A_287 : vector<1x16xf32> to vector<16xf32>
    %swap3A_289 = vector.shape_cast %scan3A_270#2 : vector<16xf32> to vector<1x16xf32>
    tpu.vector_store %arg7[%swap3A_285, %swap3A_286], %swap3A_289 {strides = array<i32>} : memref<128x64xf32, #tpu.memory_space<vmem>>, vector<1x16xf32>,
    %swap3A_290 = arith.constant 126 : i32
    %swap3A_291 = arith.index_cast %swap3A_290 : i32 to index
    %swap3A_292 = arith.constant 48 : index
    %swap3A_293 = tpu.vector_load %arg7[%swap3A_291, %swap3A_292] {strides = array<i32>} : memref<128x64xf32, #tpu.memory_space<vmem>>, vector<1x16xf32>,
    %swap3A_294 = vector.shape_cast %swap3A_293 : vector<1x16xf32> to vector<16xf32>
    %swap3A_295 = vector.shape_cast %scan3A_270#3 : vector<16xf32> to vector<1x16xf32>
    tpu.vector_store %arg7[%swap3A_291, %swap3A_292], %swap3A_295 {strides = array<i32>} : memref<128x64xf32, #tpu.memory_space<vmem>>, vector<1x16xf32>,
    %dma_wait3A_296 = arith.constant 127 : i32
    %dma_wait3A_297 = arith.constant 0 : i32
    %dma_wait3A_298 = arith.constant 3 : i32
    %dma_wait3A_299 = arith.constant 0 : i32
    %dma_wait3A_300 = arith.constant 0 : i32
    %dma_wait3A_301 = arith.constant 0 : i32
    %dma_wait3A_302 = tpu.memref_slice %arg6[%dma_wait3A_298, %dma_wait3A_299, %dma_wait3A_300, %dma_wait3A_301] : memref<4x2x100x64xf32, #tpu.memory_space<vmem>> -> memref<1x1x100x64xf32, #tpu.memory_space<vmem>>
    %dma_wait3A_303 = tpu.memref_squeeze %dma_wait3A_302 : memref<1x1x100x64xf32, #tpu.memory_space<vmem>> -> memref<100x64xf32, #tpu.memory_space<vmem>>
    %dma_wait3A_304 = arith.constant 0 : i32
    %dma_wait3A_305 = tpu.memref_slice %arg5[%dma_wait3A_296, %dma_wait3A_297, %dma_wait3A_304] : memref<128x2x100xi32, #tpu.memory_space<vmem>> -> memref<1x1x100xi32, #tpu.memory_space<vmem>>
    %dma_wait3A_306 = tpu.memref_squeeze %dma_wait3A_305 : memref<1x1x100xi32, #tpu.memory_space<vmem>> -> memref<100xi32, #tpu.memory_space<vmem>>
    %dma_wait3A_307 = arith.constant 0 : i32
    %dma_wait3A_308 = arith.constant 0 : i32
    %dma_wait3A_309 = tpu.memref_slice %arg3[%dma_wait3A_307, %dma_wait3A_308] : memref<100000x64xf32, #tpu.memory_space<hbm>> -> memref<100000x64xf32, #tpu.memory_space<hbm>>
    tpu.wait_indirect_dma semaphore(%arg11 : memref<!tpu.dma_semaphore, #tpu.memory_space<semaphore_mem>>) src(%dma_wait3A_309 : memref<100000x64xf32, #tpu.memory_space<hbm>>) dst(%dma_wait3A_303 : memref<100x64xf32, #tpu.memory_space<vmem>>)
    %dma_wait3A_310 = arith.constant 127 : i32
    %dma_wait3A_311 = arith.constant 1 : i32
    %dma_wait3A_312 = arith.constant 3 : i32
    %dma_wait3A_313 = arith.constant 1 : i32
    %dma_wait3A_314 = arith.constant 0 : i32
    %dma_wait3A_315 = arith.constant 0 : i32
    %dma_wait3A_316 = tpu.memref_slice %arg6[%dma_wait3A_312, %dma_wait3A_313, %dma_wait3A_314, %dma_wait3A_315] : memref<4x2x100x64xf32, #tpu.memory_space<vmem>> -> memref<1x1x100x64xf32, #tpu.memory_space<vmem>>
    %dma_wait3A_317 = tpu.memref_squeeze %dma_wait3A_316 : memref<1x1x100x64xf32, #tpu.memory_space<vmem>> -> memref<100x64xf32, #tpu.memory_space<vmem>>
    %dma_wait3A_318 = arith.constant 0 : i32
    %dma_wait3A_319 = tpu.memref_slice %arg5[%dma_wait3A_310, %dma_wait3A_311, %dma_wait3A_318] : memref<128x2x100xi32, #tpu.memory_space<vmem>> -> memref<1x1x100xi32, #tpu.memory_space<vmem>>
    %dma_wait3A_320 = tpu.memref_squeeze %dma_wait3A_319 : memref<1x1x100xi32, #tpu.memory_space<vmem>> -> memref<100xi32, #tpu.memory_space<vmem>>
    %dma_wait3A_321 = arith.constant 0 : i32
    %dma_wait3A_322 = arith.constant 0 : i32
    %dma_wait3A_323 = tpu.memref_slice %arg3[%dma_wait3A_321, %dma_wait3A_322] : memref<100000x64xf32, #tpu.memory_space<hbm>> -> memref<100000x64xf32, #tpu.memory_space<hbm>>
    tpu.wait_indirect_dma semaphore(%arg11 : memref<!tpu.dma_semaphore, #tpu.memory_space<semaphore_mem>>) src(%dma_wait3A_323 : memref<100000x64xf32, #tpu.memory_space<hbm>>) dst(%dma_wait3A_317 : memref<100x64xf32, #tpu.memory_space<vmem>>)
    %broadcast_in_dim3A_324 = arith.constant 0.000000e+00 : f32
    %broadcast_in_dim3A_325 = vector.broadcast %broadcast_in_dim3A_324 : f32 to vector<16xf32>
    %scan3A_326 = arith.constant 0 : i32
    %scan3A_327 = arith.constant 50 : i32
    %scan3A_328 = arith.addi %scan3A_326, %scan3A_327 : i32
    %scan3A_329 = arith.constant 1 : i32
    %scan3A_330:4 = scf.for %scan3A_356 = %scan3A_326 to %scan3A_328 step %scan3A_329 iter_args(%scan3A_357 = %broadcast_in_dim3A_325, %scan3A_358 = %broadcast_in_dim3A_325, %scan3A_359 = %broadcast_in_dim3A_325, %scan3A_360 = %broadcast_in_dim3A_325) -> (vector<16xf32>, vector<16xf32>, vector<16xf32>, vector<16xf32>)  : i32 {
      %mul3A_361 = arith.constant 2 : i32
      %mul3A_362 = arith.muli %mul3A_361, %scan3A_356 : i32
      %add3A_363 = arith.constant 0 : i32
      %add3A_364 = arith.addi %mul3A_362, %add3A_363 : i32
      %get3A = arith.constant 3 : i32
      %get3A_365 = arith.constant 0 : i32
      %get3A_366 = arith.index_cast %get3A : i32 to index
      %get3A_367 = arith.index_cast %get3A_365 : i32 to index
      %get3A_368 = arith.index_cast %add3A_364 : i32 to index
      %get3A_369 = arith.constant 0 : index
      %get3A_370 = tpu.vector_load %arg6[%get3A_366, %get3A_367, %get3A_368, %get3A_369] {strides = array<i32>} : memref<4x2x100x64xf32, #tpu.memory_space<vmem>>, vector<1x1x1x16xf32>,
      %get3A_371 = vector.shape_cast %get3A_370 : vector<1x1x1x16xf32> to vector<16xf32>
      %add3A_372 = arith.addf %scan3A_357, %get3A_371 : vector<16xf32>
      %mul3A_373 = arith.constant 2 : i32
      %mul3A_374 = arith.muli %mul3A_373, %scan3A_356 : i32
      %add3A_375 = arith.constant 0 : i32
      %add3A_376 = arith.addi %mul3A_374, %add3A_375 : i32
      %get3A_377 = arith.constant 3 : i32
      %get3A_378 = arith.constant 1 : i32
      %get3A_379 = arith.index_cast %get3A_377 : i32 to index
      %get3A_380 = arith.index_cast %get3A_378 : i32 to index
      %get3A_381 = arith.index_cast %add3A_376 : i32 to index
      %get3A_382 = arith.constant 0 : index
      %get3A_383 = tpu.vector_load %arg6[%get3A_379, %get3A_380, %get3A_381, %get3A_382] {strides = array<i32>} : memref<4x2x100x64xf32, #tpu.memory_space<vmem>>, vector<1x1x1x16xf32>,
      %get3A_384 = vector.shape_cast %get3A_383 : vector<1x1x1x16xf32> to vector<16xf32>
      %add3A_385 = arith.addf %add3A_372, %get3A_384 : vector<16xf32>
      %mul3A_386 = arith.constant 2 : i32
      %mul3A_387 = arith.muli %mul3A_386, %scan3A_356 : i32
      %add3A_388 = arith.constant 1 : i32
      %add3A_389 = arith.addi %mul3A_387, %add3A_388 : i32
      %get3A_390 = arith.constant 3 : i32
      %get3A_391 = arith.constant 0 : i32
      %get3A_392 = arith.index_cast %get3A_390 : i32 to index
      %get3A_393 = arith.index_cast %get3A_391 : i32 to index
      %get3A_394 = arith.index_cast %add3A_389 : i32 to index
      %get3A_395 = arith.constant 0 : index
      %get3A_396 = tpu.vector_load %arg6[%get3A_392, %get3A_393, %get3A_394, %get3A_395] {strides = array<i32>} : memref<4x2x100x64xf32, #tpu.memory_space<vmem>>, vector<1x1x1x16xf32>,
      %get3A_397 = vector.shape_cast %get3A_396 : vector<1x1x1x16xf32> to vector<16xf32>
      %add3A_398 = arith.addf %add3A_385, %get3A_397 : vector<16xf32>
      %mul3A_399 = arith.constant 2 : i32
      %mul3A_400 = arith.muli %mul3A_399, %scan3A_356 : i32
      %add3A_401 = arith.constant 1 : i32
      %add3A_402 = arith.addi %mul3A_400, %add3A_401 : i32
      %get3A_403 = arith.constant 3 : i32
      %get3A_404 = arith.constant 1 : i32
      %get3A_405 = arith.index_cast %get3A_403 : i32 to index
      %get3A_406 = arith.index_cast %get3A_404 : i32 to index
      %get3A_407 = arith.index_cast %add3A_402 : i32 to index
      %get3A_408 = arith.constant 0 : index
      %get3A_409 = tpu.vector_load %arg6[%get3A_405, %get3A_406, %get3A_407, %get3A_408] {strides = array<i32>} : memref<4x2x100x64xf32, #tpu.memory_space<vmem>>, vector<1x1x1x16xf32>,
      %get3A_410 = vector.shape_cast %get3A_409 : vector<1x1x1x16xf32> to vector<16xf32>
      %add3A_411 = arith.addf %add3A_398, %get3A_410 : vector<16xf32>
      %mul3A_412 = arith.constant 2 : i32
      %mul3A_413 = arith.muli %mul3A_412, %scan3A_356 : i32
      %add3A_414 = arith.constant 0 : i32
      %add3A_415 = arith.addi %mul3A_413, %add3A_414 : i32
      %get3A_416 = arith.constant 3 : i32
      %get3A_417 = arith.constant 0 : i32
      %get3A_418 = arith.index_cast %get3A_416 : i32 to index
      %get3A_419 = arith.index_cast %get3A_417 : i32 to index
      %get3A_420 = arith.index_cast %add3A_415 : i32 to index
      %get3A_421 = arith.constant 16 : index
      %get3A_422 = tpu.vector_load %arg6[%get3A_418, %get3A_419, %get3A_420, %get3A_421] {strides = array<i32>} : memref<4x2x100x64xf32, #tpu.memory_space<vmem>>, vector<1x1x1x16xf32>,
      %get3A_423 = vector.shape_cast %get3A_422 : vector<1x1x1x16xf32> to vector<16xf32>
      %add3A_424 = arith.addf %scan3A_358, %get3A_423 : vector<16xf32>
      %mul3A_425 = arith.constant 2 : i32
      %mul3A_426 = arith.muli %mul3A_425, %scan3A_356 : i32
      %add3A_427 = arith.constant 0 : i32
      %add3A_428 = arith.addi %mul3A_426, %add3A_427 : i32
      %get3A_429 = arith.constant 3 : i32
      %get3A_430 = arith.constant 1 : i32
      %get3A_431 = arith.index_cast %get3A_429 : i32 to index
      %get3A_432 = arith.index_cast %get3A_430 : i32 to index
      %get3A_433 = arith.index_cast %add3A_428 : i32 to index
      %get3A_434 = arith.constant 16 : index
      %get3A_435 = tpu.vector_load %arg6[%get3A_431, %get3A_432, %get3A_433, %get3A_434] {strides = array<i32>} : memref<4x2x100x64xf32, #tpu.memory_space<vmem>>, vector<1x1x1x16xf32>,
      %get3A_436 = vector.shape_cast %get3A_435 : vector<1x1x1x16xf32> to vector<16xf32>
      %add3A_437 = arith.addf %add3A_424, %get3A_436 : vector<16xf32>
      %mul3A_438 = arith.constant 2 : i32
      %mul3A_439 = arith.muli %mul3A_438, %scan3A_356 : i32
      %add3A_440 = arith.constant 1 : i32
      %add3A_441 = arith.addi %mul3A_439, %add3A_440 : i32
      %get3A_442 = arith.constant 3 : i32
      %get3A_443 = arith.constant 0 : i32
      %get3A_444 = arith.index_cast %get3A_442 : i32 to index
      %get3A_445 = arith.index_cast %get3A_443 : i32 to index
      %get3A_446 = arith.index_cast %add3A_441 : i32 to index
      %get3A_447 = arith.constant 16 : index
      %get3A_448 = tpu.vector_load %arg6[%get3A_444, %get3A_445, %get3A_446, %get3A_447] {strides = array<i32>} : memref<4x2x100x64xf32, #tpu.memory_space<vmem>>, vector<1x1x1x16xf32>,
      %get3A_449 = vector.shape_cast %get3A_448 : vector<1x1x1x16xf32> to vector<16xf32>
      %add3A_450 = arith.addf %add3A_437, %get3A_449 : vector<16xf32>
      %mul3A_451 = arith.constant 2 : i32
      %mul3A_452 = arith.muli %mul3A_451, %scan3A_356 : i32
      %add3A_453 = arith.constant 1 : i32
      %add3A_454 = arith.addi %mul3A_452, %add3A_453 : i32
      %get3A_455 = arith.constant 3 : i32
      %get3A_456 = arith.constant 1 : i32
      %get3A_457 = arith.index_cast %get3A_455 : i32 to index
      %get3A_458 = arith.index_cast %get3A_456 : i32 to index
      %get3A_459 = arith.index_cast %add3A_454 : i32 to index
      %get3A_460 = arith.constant 16 : index
      %get3A_461 = tpu.vector_load %arg6[%get3A_457, %get3A_458, %get3A_459, %get3A_460] {strides = array<i32>} : memref<4x2x100x64xf32, #tpu.memory_space<vmem>>, vector<1x1x1x16xf32>,
      %get3A_462 = vector.shape_cast %get3A_461 : vector<1x1x1x16xf32> to vector<16xf32>
      %add3A_463 = arith.addf %add3A_450, %get3A_462 : vector<16xf32>
      %mul3A_464 = arith.constant 2 : i32
      %mul3A_465 = arith.muli %mul3A_464, %scan3A_356 : i32
      %add3A_466 = arith.constant 0 : i32
      %add3A_467 = arith.addi %mul3A_465, %add3A_466 : i32
      %get3A_468 = arith.constant 3 : i32
      %get3A_469 = arith.constant 0 : i32
      %get3A_470 = arith.index_cast %get3A_468 : i32 to index
      %get3A_471 = arith.index_cast %get3A_469 : i32 to index
      %get3A_472 = arith.index_cast %add3A_467 : i32 to index
      %get3A_473 = arith.constant 32 : index
      %get3A_474 = tpu.vector_load %arg6[%get3A_470, %get3A_471, %get3A_472, %get3A_473] {strides = array<i32>} : memref<4x2x100x64xf32, #tpu.memory_space<vmem>>, vector<1x1x1x16xf32>,
      %get3A_475 = vector.shape_cast %get3A_474 : vector<1x1x1x16xf32> to vector<16xf32>
      %add3A_476 = arith.addf %scan3A_359, %get3A_475 : vector<16xf32>
      %mul3A_477 = arith.constant 2 : i32
      %mul3A_478 = arith.muli %mul3A_477, %scan3A_356 : i32
      %add3A_479 = arith.constant 0 : i32
      %add3A_480 = arith.addi %mul3A_478, %add3A_479 : i32
      %get3A_481 = arith.constant 3 : i32
      %get3A_482 = arith.constant 1 : i32
      %get3A_483 = arith.index_cast %get3A_481 : i32 to index
      %get3A_484 = arith.index_cast %get3A_482 : i32 to index
      %get3A_485 = arith.index_cast %add3A_480 : i32 to index
      %get3A_486 = arith.constant 32 : index
      %get3A_487 = tpu.vector_load %arg6[%get3A_483, %get3A_484, %get3A_485, %get3A_486] {strides = array<i32>} : memref<4x2x100x64xf32, #tpu.memory_space<vmem>>, vector<1x1x1x16xf32>,
      %get3A_488 = vector.shape_cast %get3A_487 : vector<1x1x1x16xf32> to vector<16xf32>
      %add3A_489 = arith.addf %add3A_476, %get3A_488 : vector<16xf32>
      %mul3A_490 = arith.constant 2 : i32
      %mul3A_491 = arith.muli %mul3A_490, %scan3A_356 : i32
      %add3A_492 = arith.constant 1 : i32
      %add3A_493 = arith.addi %mul3A_491, %add3A_492 : i32
      %get3A_494 = arith.constant 3 : i32
      %get3A_495 = arith.constant 0 : i32
      %get3A_496 = arith.index_cast %get3A_494 : i32 to index
      %get3A_497 = arith.index_cast %get3A_495 : i32 to index
      %get3A_498 = arith.index_cast %add3A_493 : i32 to index
      %get3A_499 = arith.constant 32 : index
      %get3A_500 = tpu.vector_load %arg6[%get3A_496, %get3A_497, %get3A_498, %get3A_499] {strides = array<i32>} : memref<4x2x100x64xf32, #tpu.memory_space<vmem>>, vector<1x1x1x16xf32>,
      %get3A_501 = vector.shape_cast %get3A_500 : vector<1x1x1x16xf32> to vector<16xf32>
      %add3A_502 = arith.addf %add3A_489, %get3A_501 : vector<16xf32>
      %mul3A_503 = arith.constant 2 : i32
      %mul3A_504 = arith.muli %mul3A_503, %scan3A_356 : i32
      %add3A_505 = arith.constant 1 : i32
      %add3A_506 = arith.addi %mul3A_504, %add3A_505 : i32
      %get3A_507 = arith.constant 3 : i32
      %get3A_508 = arith.constant 1 : i32
      %get3A_509 = arith.index_cast %get3A_507 : i32 to index
      %get3A_510 = arith.index_cast %get3A_508 : i32 to index
      %get3A_511 = arith.index_cast %add3A_506 : i32 to index
      %get3A_512 = arith.constant 32 : index
      %get3A_513 = tpu.vector_load %arg6[%get3A_509, %get3A_510, %get3A_511, %get3A_512] {strides = array<i32>} : memref<4x2x100x64xf32, #tpu.memory_space<vmem>>, vector<1x1x1x16xf32>,
      %get3A_514 = vector.shape_cast %get3A_513 : vector<1x1x1x16xf32> to vector<16xf32>
      %add3A_515 = arith.addf %add3A_502, %get3A_514 : vector<16xf32>
      %mul3A_516 = arith.constant 2 : i32
      %mul3A_517 = arith.muli %mul3A_516, %scan3A_356 : i32
      %add3A_518 = arith.constant 0 : i32
      %add3A_519 = arith.addi %mul3A_517, %add3A_518 : i32
      %get3A_520 = arith.constant 3 : i32
      %get3A_521 = arith.constant 0 : i32
      %get3A_522 = arith.index_cast %get3A_520 : i32 to index
      %get3A_523 = arith.index_cast %get3A_521 : i32 to index
      %get3A_524 = arith.index_cast %add3A_519 : i32 to index
      %get3A_525 = arith.constant 48 : index
      %get3A_526 = tpu.vector_load %arg6[%get3A_522, %get3A_523, %get3A_524, %get3A_525] {strides = array<i32>} : memref<4x2x100x64xf32, #tpu.memory_space<vmem>>, vector<1x1x1x16xf32>,
      %get3A_527 = vector.shape_cast %get3A_526 : vector<1x1x1x16xf32> to vector<16xf32>
      %add3A_528 = arith.addf %scan3A_360, %get3A_527 : vector<16xf32>
      %mul3A_529 = arith.constant 2 : i32
      %mul3A_530 = arith.muli %mul3A_529, %scan3A_356 : i32
      %add3A_531 = arith.constant 0 : i32
      %add3A_532 = arith.addi %mul3A_530, %add3A_531 : i32
      %get3A_533 = arith.constant 3 : i32
      %get3A_534 = arith.constant 1 : i32
      %get3A_535 = arith.index_cast %get3A_533 : i32 to index
      %get3A_536 = arith.index_cast %get3A_534 : i32 to index
      %get3A_537 = arith.index_cast %add3A_532 : i32 to index
      %get3A_538 = arith.constant 48 : index
      %get3A_539 = tpu.vector_load %arg6[%get3A_535, %get3A_536, %get3A_537, %get3A_538] {strides = array<i32>} : memref<4x2x100x64xf32, #tpu.memory_space<vmem>>, vector<1x1x1x16xf32>,
      %get3A_540 = vector.shape_cast %get3A_539 : vector<1x1x1x16xf32> to vector<16xf32>
      %add3A_541 = arith.addf %add3A_528, %get3A_540 : vector<16xf32>
      %mul3A_542 = arith.constant 2 : i32
      %mul3A_543 = arith.muli %mul3A_542, %scan3A_356 : i32
      %add3A_544 = arith.constant 1 : i32
      %add3A_545 = arith.addi %mul3A_543, %add3A_544 : i32
      %get3A_546 = arith.constant 3 : i32
      %get3A_547 = arith.constant 0 : i32
      %get3A_548 = arith.index_cast %get3A_546 : i32 to index
      %get3A_549 = arith.index_cast %get3A_547 : i32 to index
      %get3A_550 = arith.index_cast %add3A_545 : i32 to index
      %get3A_551 = arith.constant 48 : index
      %get3A_552 = tpu.vector_load %arg6[%get3A_548, %get3A_549, %get3A_550, %get3A_551] {strides = array<i32>} : memref<4x2x100x64xf32, #tpu.memory_space<vmem>>, vector<1x1x1x16xf32>,
      %get3A_553 = vector.shape_cast %get3A_552 : vector<1x1x1x16xf32> to vector<16xf32>
      %add3A_554 = arith.addf %add3A_541, %get3A_553 : vector<16xf32>
      %mul3A_555 = arith.constant 2 : i32
      %mul3A_556 = arith.muli %mul3A_555, %scan3A_356 : i32
      %add3A_557 = arith.constant 1 : i32
      %add3A_558 = arith.addi %mul3A_556, %add3A_557 : i32
      %get3A_559 = arith.constant 3 : i32
      %get3A_560 = arith.constant 1 : i32
      %get3A_561 = arith.index_cast %get3A_559 : i32 to index
      %get3A_562 = arith.index_cast %get3A_560 : i32 to index
      %get3A_563 = arith.index_cast %add3A_558 : i32 to index
      %get3A_564 = arith.constant 48 : index
      %get3A_565 = tpu.vector_load %arg6[%get3A_561, %get3A_562, %get3A_563, %get3A_564] {strides = array<i32>} : memref<4x2x100x64xf32, #tpu.memory_space<vmem>>, vector<1x1x1x16xf32>,
      %get3A_566 = vector.shape_cast %get3A_565 : vector<1x1x1x16xf32> to vector<16xf32>
      %add3A_567 = arith.addf %add3A_554, %get3A_566 : vector<16xf32>
      scf.yield %add3A_411, %add3A_463, %add3A_515, %add3A_567 : vector<16xf32>, vector<16xf32>, vector<16xf32>, vector<16xf32>
    }
    %scan3A_331 = arith.constant 50 : i32
    %swap3A_332 = arith.constant 127 : i32
    %swap3A_333 = arith.index_cast %swap3A_332 : i32 to index
    %swap3A_334 = arith.constant 0 : index
    %swap3A_335 = tpu.vector_load %arg7[%swap3A_333, %swap3A_334] {strides = array<i32>} : memref<128x64xf32, #tpu.memory_space<vmem>>, vector<1x16xf32>,
    %swap3A_336 = vector.shape_cast %swap3A_335 : vector<1x16xf32> to vector<16xf32>
    %swap3A_337 = vector.shape_cast %scan3A_330#0 : vector<16xf32> to vector<1x16xf32>
    tpu.vector_store %arg7[%swap3A_333, %swap3A_334], %swap3A_337 {strides = array<i32>} : memref<128x64xf32, #tpu.memory_space<vmem>>, vector<1x16xf32>,
    %swap3A_338 = arith.constant 127 : i32
    %swap3A_339 = arith.index_cast %swap3A_338 : i32 to index
    %swap3A_340 = arith.constant 16 : index
    %swap3A_341 = tpu.vector_load %arg7[%swap3A_339, %swap3A_340] {strides = array<i32>} : memref<128x64xf32, #tpu.memory_space<vmem>>, vector<1x16xf32>,
    %swap3A_342 = vector.shape_cast %swap3A_341 : vector<1x16xf32> to vector<16xf32>
    %swap3A_343 = vector.shape_cast %scan3A_330#1 : vector<16xf32> to vector<1x16xf32>
    tpu.vector_store %arg7[%swap3A_339, %swap3A_340], %swap3A_343 {strides = array<i32>} : memref<128x64xf32, #tpu.memory_space<vmem>>, vector<1x16xf32>,
    %swap3A_344 = arith.constant 127 : i32
    %swap3A_345 = arith.index_cast %swap3A_344 : i32 to index
    %swap3A_346 = arith.constant 32 : index
    %swap3A_347 = tpu.vector_load %arg7[%swap3A_345, %swap3A_346] {strides = array<i32>} : memref<128x64xf32, #tpu.memory_space<vmem>>, vector<1x16xf32>,
    %swap3A_348 = vector.shape_cast %swap3A_347 : vector<1x16xf32> to vector<16xf32>
    %swap3A_349 = vector.shape_cast %scan3A_330#2 : vector<16xf32> to vector<1x16xf32>
    tpu.vector_store %arg7[%swap3A_345, %swap3A_346], %swap3A_349 {strides = array<i32>} : memref<128x64xf32, #tpu.memory_space<vmem>>, vector<1x16xf32>,
    %swap3A_350 = arith.constant 127 : i32
    %swap3A_351 = arith.index_cast %swap3A_350 : i32 to index
    %swap3A_352 = arith.constant 48 : index
    %swap3A_353 = tpu.vector_load %arg7[%swap3A_351, %swap3A_352] {strides = array<i32>} : memref<128x64xf32, #tpu.memory_space<vmem>>, vector<1x16xf32>,
    %swap3A_354 = vector.shape_cast %swap3A_353 : vector<1x16xf32> to vector<16xf32>
    %swap3A_355 = vector.shape_cast %scan3A_330#3 : vector<16xf32> to vector<1x16xf32>
    tpu.vector_store %arg7[%swap3A_351, %swap3A_352], %swap3A_355 {strides = array<i32>} : memref<128x64xf32, #tpu.memory_space<vmem>>, vector<1x16xf32>,
    "tpu.region"() ({
      %run_scoped3A = tpu.sem_alloc : memref<!tpu.dma_semaphore, #tpu.memory_space<semaphore_mem>>
      %dma_start3A_356 = arith.constant 0 : i32
      %dma_start3A_357 = tpu.memref_slice %arg4[%mul3A_2, %dma_start3A_356] : memref<4096x64xf32, #tpu.memory_space<hbm>> -> memref<128x64xf32, #tpu.memory_space<hbm>>
      %dma_start3A_358 = arith.constant 0 : i32
      %dma_start3A_359 = tpu.memref_slice %arg4[%mul3A_2, %dma_start3A_358] : memref<4096x64xf32, #tpu.memory_space<hbm>> -> memref<128x64xf32, #tpu.memory_space<hbm>>
      tpu.enqueue_dma source(%arg7 : memref<128x64xf32, #tpu.memory_space<vmem>>) target(%dma_start3A_359 : memref<128x64xf32, #tpu.memory_space<hbm>>) target_semaphore(%run_scoped3A : memref<!tpu.dma_semaphore, #tpu.memory_space<semaphore_mem>>)
      %dma_wait3A_360 = arith.constant 0 : i32
      %dma_wait3A_361 = tpu.memref_slice %arg4[%mul3A_2, %dma_wait3A_360] : memref<4096x64xf32, #tpu.memory_space<hbm>> -> memref<128x64xf32, #tpu.memory_space<hbm>>
      %dma_wait3A_362 = arith.constant 0 : i32
      %dma_wait3A_363 = tpu.memref_slice %arg4[%mul3A_2, %dma_wait3A_362] : memref<4096x64xf32, #tpu.memory_space<hbm>> -> memref<128x64xf32, #tpu.memory_space<hbm>>
      tpu.wait_dma2 semaphore(%run_scoped3A : memref<!tpu.dma_semaphore, #tpu.memory_space<semaphore_mem>>) src(%arg7 : memref<128x64xf32, #tpu.memory_space<vmem>>) dst(%dma_wait3A_363 : memref<128x64xf32, #tpu.memory_space<hbm>>)
      tpu.yield
    }) : () -> ()
    return
  }
}

</mosaic_0001>

<sc_bundles>
// kernel: _sc_pooled_sums.3.cloned.1.call-start
scs
__scs_entry_jumppad:
0x0: {  	(pc) =	sbr.rel $0x88, $3  }
0x1: {  	(tag) =	ssettag $0x0;
	lr =	simm.s32 $0x1  }
0x2: {  	[smem:$0x3F9F] =	sst lr;
	_ =	strace $0xD0000000  }
0x3: {  	_ = 	snop  }
0x4: {  	_ = 	snop  }
0x5: {  	_ = 	snop  }
0x6: {  	_ = 	snop  }
0x7: {  	_ = 	snop  }
__scs_overlays_trampoline_lowered:
0x8: {  	[smem:$0x3FAE] =	sst s0  }
0x9: {  	[smem:$0x3FAF] =	sst s1  }
0xa: {  	[smem:$0x3FB0] =	sst s2  }
0xb: {  	[smem:$0x3FB1] =	sst s3  }
0xc: {  	[smem:$0x3FB2] =	sst s4  }
0xd: {  	[smem:$0x3FB3] =	sst s5  }
0xe: {  	[smem:$0x3FB4] =	sst s6  }
0xf: {  	[smem:$0x3FB5] =	sst s7  }
0x10: {  	[smem:$0x3FB6] =	sst s8  }
0x11: {  	[smem:$0x3FB7] =	sst s9;
	s0 =	simm.s32 @!p0 $0x0  }
0x12: {  	s1 =	sld [smem:$0x3F9D];
	s0 =	simm.s32 @p0 $0x1  }
0x13: {  	[smem:$0x3FB8] =	sst s0;
	s0 =	simm.s32 @!p1 $0x0  }
0x14: {  	s2 =	sld [smem:$0x3F9C];
	s0 =	simm.s32 @p1 $0x1  }
0x15: {  	[smem:$0x3FB9] =	sst s0;
	s0 =	simm.s32 @!p2 $0x0  }
0x16: {  	s3 =	sld [smem:$0x3FDB];
	s0 =	simm.s32 @p2 $0x1  }
0x17: {  	s4 =	simm.s32 $0x1BF5;
	[smem:$0x3FBB] =	sst s0  }
0x18: {  	s0 =	sld [smem:$0x3F9E];
	_ =	swait.ge [sflag:s4], $0x0  }
0x19: {  	s7 =	sld [smem:$0x3F9F]  }
0x1a: {  	s8 =	sadd.s32 $0xFFFFE003, lr  }
0x1b: {  	s9 =	sadd.s32 $0xFFFFFEF7, lr;
	s5 =	simm.s32 $0xFFFFFFFF;
	p2 =	slt.u32 s8, $0xFFFFF086  }
0x1c: {  	p1 =	slt.u32 s9, $0xF7A;
	s5 =	simm.s32 @!p2 $0x0  }
0x1d: {  	s5 =	simm.s32 @p1 $0x1;
	p0 =	seq.s32 s7, s2  }
0x1e: {  	s7 =	smul.u32 @!p0 $0xF7A, s2;
	p2 =	seq.s32 @!p0 s5, $0x0  }
0x1f: {  	s9 =	smul.u32 $0xF7A, s1;
	s8 =	simm.s32 @!p0 $0x1BF5;
	p2 =	por !p2, p0  }
0x20: {  	[sflag:s8] =	ssyncset.s32 @!p0 $0xFFFFF086;
	s6 =	sadd.s32 @!p0 s3, s7;
	s7 =	simm.s32 @!p0 $0x108  }
0x21: {  	s3 =	sadd.s32 s3, s9;
	s6 =	sadd.s32 @!p0 $0x88, s6;
	s7 =	simm.s32 @p2 $0x1082  }
0x22: {  	[simem:s7], [sflag:s8] =	dma.local @!p0 [hbm:s6], $0xF7A  }
0x23: {  	s9 =	sor.u32 $0xD0000000, s2;
	s6 =	simm.s32 $0x108;
	_ =	swait.ge @!p0 [sflag:s8], $0x0  }
0x24: {  	s3 =	sadd.s32 $0x88, s3;
	s6 =	simm.s32 @!p1 $0x1082;
	[sflag:s4] =	ssyncset.s32 $0xFFFFF086  }
0x25: {  	[simem:s6], [sflag:s4] =	dma.local [hbm:s3], $0xF7A  }
0x26: {  	[smem:$0x3F9F] =	sst s1;
	(tag) =	ssettag s2;
	_ =	strace s9  }
0x27: {  	s1 =	sld [smem:$0x3FAF]  }
0x28: {  	s2 =	sld [smem:$0x3FB0]  }
0x29: {  	s4 =	sld [smem:$0x3FB2]  }
0x2a: {  	p0 =	seq.s32 s5, $0x0;
	s5 =	sld [smem:$0x3FB3]  }
0x2b: {  	s6 =	sld [smem:$0x3FB4]  }
0x2c: {  	s7 =	sld [smem:$0x3FB5]  }
0x2d: {  	s3 =	simm.s32 $0x108;
	s8 =	sld [smem:$0x3FB6]  }
0x2e: {  	s3 =	simm.s32 @!p0 $0x1082;
	s9 =	sld [smem:$0x3FB7]  }
0x2f: {  	lr =	sadd.s32 s0, s3;
	s0 =	sld [smem:$0x3FAE]  }
0x30: {  	s3 =	sld [smem:$0x3FB1]  }
0x31: {  	[smem:$0x3FBA] =	sst s10  }
0x32: {  	s10 =	sld [smem:$0x3FB8];
	_ =	sdelay $0x3  }
0x33: {  	p0 =	seq.s32 s10, $0x1;
	s10 =	sld [smem:$0x3FBA];
	_ =	sdelay $0x3  }
0x34: {  	[smem:$0x3FBA] =	sst s10  }
0x35: {  	s10 =	sld [smem:$0x3FB9];
	_ =	sdelay $0x3  }
0x36: {  	p1 =	seq.s32 s10, $0x1;
	s10 =	sld [smem:$0x3FBA];
	_ =	sdelay $0x3  }
0x37: {  	[smem:$0x3FBA] =	sst s10  }
0x38: {  	s10 =	sld [smem:$0x3FBB]  }
0x39: {  	_ = 	snop;
	(pc) =	sbr.ind lr, $3  }
0x3a: {  	_ = 	snop  }
0x3b: {  	_ = 	snop  }
0x3c: {  	p2 =	seq.s32 s10, $0x1;
	s10 =	sld [smem:$0x3FBA]  }
0x3d: {  	_ =	shalt  }
0x3e: {  	_ =	shalt  }
0x3f: {  	_ =	shalt  }
0x40: {  	_ =	shalt  }
0x41: {  	_ =	shalt  }
0x42: {  	_ =	shalt  }
0x43: {  	_ =	shalt  }
0x44: {  	_ =	shalt  }
0x45: {  	_ =	shalt  }
0x46: {  	_ =	shalt  }
0x47: {  	_ =	shalt  }
0x48: {  	_ =	shalt  }
0x49: {  	_ =	shalt  }
0x4a: {  	_ =	shalt  }
0x4b: {  	_ =	shalt  }
0x4c: {  	_ =	shalt  }
0x4d: {  	_ =	shalt  }
0x4e: {  	_ =	shalt  }
0x4f: {  	_ =	shalt  }
0x50: {  	_ =	shalt  }
0x51: {  	_ =	shalt  }
0x52: {  	_ =	shalt  }
0x53: {  	_ =	shalt  }
0x54: {  	_ =	shalt  }
0x55: {  	_ =	shalt  }
0x56: {  	_ =	shalt  }
0x57: {  	_ =	shalt  }
0x58: {  	_ =	shalt  }
0x59: {  	_ =	shalt  }
0x5a: {  	_ =	shalt  }
0x5b: {  	_ =	shalt  }
0x5c: {  	_ =	shalt  }
0x5d: {  	_ =	shalt  }
0x5e: {  	_ =	shalt  }
0x5f: {  	_ =	shalt  }
0x60: {  	_ =	shalt  }
0x61: {  	_ =	shalt  }
0x62: {  	_ =	shalt  }
0x63: {  	_ =	shalt  }
0x64: {  	_ =	shalt  }
0x65: {  	_ =	shalt  }
0x66: {  	_ =	shalt  }
0x67: {  	_ =	shalt  }
0x68: {  	_ =	shalt  }
0x69: {  	_ =	shalt  }
0x6a: {  	_ =	shalt  }
0x6b: {  	_ =	shalt  }
0x6c: {  	_ =	shalt  }
0x6d: {  	_ =	shalt  }
0x6e: {  	_ =	shalt  }
0x6f: {  	_ =	shalt  }
0x70: {  	_ =	shalt  }
0x71: {  	_ =	shalt  }
0x72: {  	_ =	shalt  }
0x73: {  	_ =	shalt  }
0x74: {  	_ =	shalt  }
0x75: {  	_ =	shalt  }
0x76: {  	_ =	shalt  }
0x77: {  	_ =	shalt  }
0x78: {  	_ =	shalt  }
0x79: {  	_ =	shalt  }
0x7a: {  	_ =	shalt  }
0x7b: {  	_ =	shalt  }
0x7c: {  	_ =	shalt  }
0x7d: {  	_ =	shalt  }
0x7e: {  	_ =	shalt  }
0x7f: {  	_ =	shalt  }
0x80: {  	_ =	shalt  }
0x81: {  	_ =	shalt  }
0x82: {  	_ =	shalt  }
0x83: {  	_ =	shalt  }
0x84: {  	_ =	shalt  }
0x85: {  	_ =	shalt  }
0x86: {  	_ =	shalt  }
0x87: {  	_ =	shalt  }
.Lfunc_end0:
.L_simem_size_0:
called_computation_lowered:
.L_overlay_start_0:
0x88: {  	s2 =	sld [smem:$0x3FD9]  }
0x89: {  	s3 =	sld [smem:$0x3FFE];
	_ =	sdelay $0x1  }
0x8a: {  	s1 =	srdreg.scid  }
0x8b: {  	s0 =	sand.u32 $0x1, s1  }
0x8c: {  	s17 =	sshll.u32 s0, $0xA;
	s2 =	sadd.s32 s3, s2  }
0x8d: {  	s2 =	sadd.s32 s2, s17  }
0x8e: {  	[smem:$0x3FC6] =	sst s2  }
0x8f: {  	_ = 	snop  }
0x90: {  	s2 =	sld [smem:$0x3FD0];
	(tm) =	ssettm $0x1  }
0x91: {  	s18 =	sld [smem:$0x3FFB];
	_ =	sdelay $0x3  }
0x92: {  	_ =	strace s18  }
0x93: {  	s3 =	sld [smem:$0x3FFC];
	_ =	sdelay $0x3  }
0x94: {  	_ =	strace s3  }
0x95: {  	s3 =	sld [smem:$0x3FFD];
	_ =	sdelay $0x3  }
0x96: {  	_ =	strace s3  }
0x97: {  	_ =	strace $0x8FFFFFFF  }
0x98: {  	s19 =	sld [smem:$0x3FDB];
	_ =	sdelay $0x1  }
0x99: {  	s4 =	simm.s32 $_scs_section_size  }
0x9a: {  	s5 =	simm.s32 $_size__tile_overlayer_lowered;
	s6 =	simm.s32 $_tile_overlayer_lowered  }
0x9b: {  	s22 =	simm.s32 $0x1BFF;
	s21 =	sshll.u32 s6, $0x1;
	s3 =	sadd.s32 s4, s19  }
0x9c: {  	s7 =	simm.s32 $0x0;
	s20 =	sshll.u32 s5, $0x1;
	s5 =	sadd.s32 s21, s3  }
0x9d: {  	[timem:s7], [sflag:s22] =	dma.local [hbm:s5], s20  }
0x9e: {  	_ =	swait.ge [sflag:s22], s20  }
0x9f: {  	s4 =	ssub.s32 $0x0, s20;
	[sflag:s22] =	ssyncset.done $0x0  }
0xa0: {  	[sflag:s22] =	ssyncadd.s32 s4;
	_ =	sdelay $0x1  }
0xa1: {  	s23 =	simm.s32 $0x1B8B  }
0xa2: {  	_ =	swait.ge [sflag:s23], $0x1  }
0xa3: {  	[sflag:s23] =	ssyncset.done $0x0  }
0xa4: {  	s25 =	simm.s32 $0x1B8E;
	s24 =	sld [smem:$0x3FFE];
	[sflag:s23] =	ssyncadd.s32 $0xFFFFFFFF  }
0xa5: {  	s26 =	simm.s32 $execute0_lowered;
	[smem:$0x3FD2] =	sst s25  }
0xa6: {  	s5 =	sshll.u32 s26, $0x1;
	_ =	strace $0x80000046;
	[dreg:$0x1] =	wrdreg $0xFFFFFFFF  }
0xa7: {  	s28 =	simm.s32 $_size_execute0_lowered;
	s3 =	sadd.s32 s3, s5;
	[dreg:$0x0] =	wrdreg $0x0  }
0xa8: {  	s5 =	sshll.u32 s28, $0x1;
	[dreg:$0x2] =	wrdreg s3  }
0xa9: {  	[dreg:$0x3] =	wrdreg s5  }
0xaa: {  	[dreg:$0x4] =	wrdreg $0xC0  }
0xab: {  	_ =	task [dreg:s7], $0x5FFFF  }
0xac: {  	[dreg:$0x1] =	wrdreg $0xFFFFFFFF  }
0xad: {  	[dreg:$0x0] =	wrdreg $0x60  }
0xae: {  	[dreg:$0x2] =	wrdreg s24  }
0xaf: {  	[dreg:$0x3] =	wrdreg s2  }
0xb0: {  	[dreg:$0x4] =	wrdreg $0x9  }
0xb1: {  	_ =	task.clear_ibuf [dreg:s7], $0x5FFFF;
	_ =	strace $0x90000046  }
0xb2: {  	s29 =	simm.s32 $0x9;
	_ =	strace $0x80000048  }
0xb3: {  	_ =	swait.ge [sflag:s29], $0x1  }
0xb4: {  	[sflag:s29] =	ssyncadd.s32 $0xFFFFFFFF  }
0xb5: {  	_ =	strace $0x90000048  }
0xb6: {  	_ =	sfence  }
0xb7: {  	s30 =	sld [smem:$0x0];
	_ =	sdelay $0x2  }
0xb8: {  	s31 =	sshll.u32 s1, $0xD;
	s1 =	sshrl.u32 s1, $0x2  }
0xb9: {  	s3 =	sand.u32 $0x4000, s31;
	s1 =	sadd.s32 s1, s30  }
0xba: {  	s0 =	sor.u32 s3, s0;
	s1 =	sshll.u32 s1, $0x11  }
0xbb: {  	s0 =	sor.u32 s1, s0  }
0xbc: {  	s0 =	sadd.s32 $0x8F2B, s0  }
0xbd: {  	[sflag:s0] =	ssyncadd.remote.s32 $0x1  }
0xbe: {  	_ =	sfence.sel $0xFFFF  }
0xbf: {  	[dreg:$0x0] =	wrdreg $0xFFFFFFFF;
	(pc) =	sbr.abs _section_cstart, $3  }
0xc0: {  	[dreg:$0x1] =	wrdreg $0xFFFFFFFF  }
0xc1: {  	_ =	task.clear_ibuf [dreg:s7], $0x2FFFF;
	_ =	strace $0x9FFFFFFF  }
0xc2: {  	(tm) =	ssettm $0x7FFFFFFF  }
0xc3: {  	_ =	shalt  }
tec
execute0_lowered:
.L_overlay_start_1:
0x0: {  	(tag) =	ssettag $0x1  }
0x1: {  	s0 =	srdreg.scid  }
0x2: {  	s2 =	stileid.u32;
	s1 =	rddreg [dreg:$0x0]  }
0x3: {  	s5 =	rddreg [dreg:$0x1];
	s8 =	simm.s32 $0x64;
	s9 =	simm.s32 $0x6800  }
0x4: {  	s11 =	simm.s32 $0x8100;
	s13 =	simm.s32 $0x9A00;
	s14 =	simm.s32 $0x138  }
0x5: {  	s15 =	simm.s32 $0xB300;
	s16 =	simm.s32 $0x1A0;
	s17 =	simm.s32 $0xCC00  }
0x6: {  	s18 =	simm.s32 $0x208;
	s19 =	simm.s32 $0xE500;
	s20 =	simm.s32 $0x270  }
0x7: {  	s21 =	simm.s32 $0xFE00;
	s22 =	simm.s32 $0x2D8;
	s23 =	simm.s32 $0x11700  }
0x8: {  	s24 =	simm.s32 $0x1;
	s25 =	simm.s32 $0x2;
	s26 =	simm.s32 $0x3  }
0x9: {  	s28 =	simm.s32 $0x4;
	s29 =	simm.s32 $0x13000;
	s0 =	sand.u32 $0x1, s0  }
0xa: {  	s30 =	simm.s32 $0x0;
	s2 =	sshll.u32 s2, $0x8;
	s3 =	sshll.u32 s0, $0x7  }
0xb: {  	s0 =	ssub.s32 $0x2, s0;
	s4 =	sor.u32 s3, s2;
	s2 =	simm.s32 $0x0  }
0xc: {  	s31 =	sshrl.u32 s0, $0x1;
	s3 =	smul.u32 $0x1A, s4;
	[smem:$0x7FF] =	sst s2  }
0xd: {  	s7 =	sshll.u32 s4, $0x3;
	s0 =	ssub.s32 s0, s31;
	_ =	strace $0x80000047  }
0xe: {  	s5 =	sadd.s32 s5, s7;
	s7 =	simm.s32 $0x5;
	s6 =	sadd.s32 s3, s1  }
0xf: {  	s3 =	sadd.s32 $0x187000, s1;
	s4 =	sadd.s32 $0x600, s6;
	s6 =	smax.u32 s0, $0x1  }
.LBB2_1:
0x10: {  	[tilespmem:s2], [sflag:$0x5] =	stream.linear.gather [hbm4b:s4+s2], $0x6800, $0x38;
	[tilespmem:$0x15000] =	vst v63  }
0x11: {  	_ =	swait.ge [sflag:s7], $0x6800  }
0x12: {  	[sflag:s7] =	ssyncset.done $0x0  }
0x13: {  	[sflag:s7] =	ssyncadd.s32 $0xFFFF9800  }
0x14: {  	[tilespmem:s9], [sflag:$0x1] =	stream.indirect.gather [hbm4b:s3+s8], $0x40, s2, s8, $0xb8;
	[tilespmem:$0x15000] =	vst v63  }
0x15: {  	s0 =	simm.s32 $0x68  }
0x16: {  	[tilespmem:s11], [sflag:$0x1] =	stream.indirect.gather [hbm4b:s3+s8], $0x40, s0, s8, $0xb8;
	[tilespmem:$0x15000] =	vst v63  }
0x17: {  	s12 =	simm.s32 $0xD0  }
0x18: {  	[tilespmem:s13], [sflag:$0x2] =	stream.indirect.gather [hbm4b:s3+s8], $0x40, s12, s8, $0xb8;
	[tilespmem:$0x15000] =	vst v63  }
0x19: {  	_ = 	snop  }
0x1a: {  	[tilespmem:s15], [sflag:$0x2] =	stream.indirect.gather [hbm4b:s3+s8], $0x40, s14, s8, $0xb8;
	[tilespmem:$0x15000] =	vst v63  }
0x1b: {  	_ = 	snop  }
0x1c: {  	[tilespmem:s17], [sflag:$0x3] =	stream.indirect.gather [hbm4b:s3+s8], $0x40, s16, s8, $0xb8;
	[tilespmem:$0x15000] =	vst v63  }
0x1d: {  	_ = 	snop  }
0x1e: {  	[tilespmem:s19], [sflag:$0x3] =	stream.indirect.gather [hbm4b:s3+s8], $0x40, s18, s8, $0xb8;
	[tilespmem:$0x15000] =	vst v63  }
0x1f: {  	_ = 	snop  }
0x20: {  	[tilespmem:s21], [sflag:$0x4] =	stream.indirect.gather [hbm4b:s3+s8], $0x40, s20, s8, $0xb8;
	[tilespmem:$0x15000] =	vst v63  }
0x21: {  	s31 =	simm.s32 $0x0  }
0x22: {  	[tilespmem:s23], [sflag:$0x4] =	stream.indirect.gather [hbm4b:s3+s8], $0x40, s22, s8, $0xb8;
	[tilespmem:$0x15000] =	vst v63  }
.LBB2_2:
0x23: {  	_ =	swait.ge [sflag:s24], $0x1900  }
0x24: {  	[sflag:s24] =	ssyncset.done $0x0  }
0x25: {  	[sflag:s24] =	ssyncadd.s32 $0xFFFFE700  }
0x26: {  	_ =	swait.ge [sflag:s24], $0x1900  }
0x27: {  	[sflag:s24] =	ssyncset.done $0x0  }
0x28: {  	s0 =	simm.s32 $0x40;
	[sflag:s24] =	ssyncadd.s32 $0xFFFFE700  }
0x29: {  	v0 =	vld [tilespmem:s0+$0x8100]  }
0x2a: {  	v1 =	vld [tilespmem:s0+$0x8110]  }
0x2b: {  	v2 =	vld [tilespmem:s0+$0x6800]  }
0x2c: {  	v3 =	vld [tilespmem:s0+$0x6810]  }
0x2d: {  	v4 =	vld [tilespmem:s0+$0x80C0]  }
0x2e: {  	v5 =	vld [tilespmem:s0+$0x80D0]  }
0x2f: {  	v10 =	vld [tilespmem:s0+$0x67C0]  }
0x30: {  	v7 =	vimm.f32 $0.0e+00;
	v12 =	vld [tilespmem:s0+$0x67D0]  }
0x31: {  	s1 =	simm.s32 $0x300;
	v9 =	vimm.f32 $0.0e+00;
	v8 =	vimm.f32 $0.0e+00;
	v6 =	vimm.f32 $0.0e+00;
	v11 =	vld [tilespmem:s0+$0x67E0]  }
.LBB2_3:
0x32: {  	p0 =	sne.s32 s1, $0x6300;
	v13 =	vld [tilespmem:s0+$0x67F0]  }
0x33: {  	v14 =	vld [tilespmem:s0+$0x80E0]  }
0x34: {  	v15 =	vld [tilespmem:s0+$0x80F0]  }
0x35: {  	v16 =	vld [tilespmem:s0+$0x6820]  }
0x36: {  	v7 =	vadd.f32 v10, v7;
	v9 =	vadd.f32 v12, v9;
	v10 =	vld [tilespmem:s0+$0x6830]  }
0x37: {  	v8 =	vadd.f32 v11, v8;
	v11 =	vld [tilespmem:s0+$0x8120];
	v6 =	vadd.f32 v13, v6  }
0x38: {  	v4 =	vadd.f32 v4, v7;
	v5 =	vadd.f32 v5, v9;
	v12 =	vld [tilespmem:s0+$0x8130];
	s0 =	sshra.s32 s1, $0x2  }
0x39: {  	v7 =	vadd.f32 v14, v8;
	v13 =	vld [tilespmem:s0+$0x8100];
	v6 =	vadd.f32 v15, v6  }
0x3a: {  	v4 =	vadd.f32 v2, v4;
	v5 =	vadd.f32 v3, v5;
	v14 =	vld [tilespmem:s0+$0x8110]  }
0x3b: {  	v8 =	vadd.f32 v16, v7;
	v2 =	vld [tilespmem:s0+$0x6800];
	v6 =	vadd.f32 v10, v6  }
0x3c: {  	v7 =	vadd.f32 v0, v4;
	v9 =	vadd.f32 v1, v5;
	v3 =	vld [tilespmem:s0+$0x6810]  }
.Ltmp0:
0x3d: {  	v8 =	vadd.f32 v11, v8;
	v4 =	vld [tilespmem:s0+$0x80C0];
	v6 =	vadd.f32 v12, v6;
	(pc) =	sbr.rel @p0 .LBB2_3-.Ltmp0, $4  }
0x3e: {  	v5 =	vld [tilespmem:s0+$0x80D0];
	v0 =	vmov v13  }
0x3f: {  	v10 =	vld [tilespmem:s0+$0x67C0];
	v1 =	vmov v14  }
0x40: {  	v12 =	vld [tilespmem:s0+$0x67D0]  }
0x41: {  	s1 =	sadd.s32 $0x200, s1;
	v11 =	vld [tilespmem:s0+$0x67E0]  }
0x42: {  	v13 =	vld [tilespmem:s0+$0x67F0]  }
0x43: {  	v14 =	vld [tilespmem:s0+$0x80E0]  }
0x44: {  	v15 =	vld [tilespmem:s0+$0x80F0];
	v7 =	vadd.f32 v10, v7  }
0x45: {  	v10 =	vld [tilespmem:s0+$0x6820];
	v9 =	vadd.f32 v12, v9  }
0x46: {  	v12 =	vld [tilespmem:s0+$0x6830];
	v8 =	vadd.f32 v11, v8;
	v4 =	vadd.f32 v4, v7  }
0x47: {  	v7 =	vld [tilespmem:s0+$0x8120];
	v6 =	vadd.f32 v13, v6;
	v5 =	vadd.f32 v5, v9  }
0x48: {  	v9 =	vld [tilespmem:s0+$0x8130];
	v8 =	vadd.f32 v14, v8;
	v2 =	vadd.f32 v2, v4  }
0x49: {  	v4 =	vadd.f32 v15, v6;
	v3 =	vadd.f32 v3, v5  }
0x4a: {  	s1 =	sshll.u32 s31, $0x8;
	v5 =	vadd.f32 v10, v8;
	v0 =	vadd.f32 v0, v2  }
0x4b: {  	s1 =	sand.u32 $0x3FFFFF00, s1;
	v2 =	vadd.f32 v12, v4;
	v1 =	vadd.f32 v1, v3  }
0x4c: {  	s10 =	smul.u32 $0xD00, s31;
	v3 =	vadd.f32 v7, v5;
	[tilespmem:s1+$0x13000] =	vst v0  }
0x4d: {  	v0 =	vadd.f32 v9, v2;
	[tilespmem:s1+$0x13010] =	vst v1  }
0x4e: {  	s0 =	sshra.s32 s10, $0x2;
	[tilespmem:s1+$0x13020] =	vst v3  }
0x4f: {  	s10 =	sadd.s32 $0x340, s0;
	[tilespmem:s1+$0x13030] =	vst v0  }
0x50: {  	[tilespmem:s9], [sflag:$0x1] =	stream.indirect.gather [hbm4b:s3+s8], $0x40, s10, s8, $0xb8;
	[tilespmem:$0x15000] =	vst v63  }
0x51: {  	s12 =	sadd.s32 $0x3A8, s0  }
0x52: {  	[tilespmem:s11], [sflag:$0x1] =	stream.indirect.gather [hbm4b:s3+s8], $0x40, s12, s8, $0xb8;
	[tilespmem:$0x15000] =	vst v63  }
0x53: {  	_ =	swait.ge [sflag:s25], $0x1900  }
0x54: {  	[sflag:s25] =	ssyncset.done $0x0  }
0x55: {  	[sflag:s25] =	ssyncadd.s32 $0xFFFFE700  }
0x56: {  	_ =	swait.ge [sflag:s25], $0x1900  }
0x57: {  	[sflag:s25] =	ssyncset.done $0x0  }
0x58: {  	s10 =	simm.s32 $0x0;
	[sflag:s25] =	ssyncadd.s32 $0xFFFFE700  }
0x59: {  	v0 =	vld [tilespmem:s10+$0xB340]  }
0x5a: {  	v1 =	vld [tilespmem:s10+$0xB350]  }
0x5b: {  	v2 =	vld [tilespmem:s10+$0x9A40]  }
0x5c: {  	v3 =	vld [tilespmem:s10+$0x9A50]  }
0x5d: {  	v4 =	vld [tilespmem:s10+$0xB300]  }
0x5e: {  	v5 =	vld [tilespmem:s10+$0xB310]  }
0x5f: {  	v10 =	vld [tilespmem:s10+$0x9A00]  }
0x60: {  	v6 =	vimm.f32 $0.0e+00;
	v12 =	vld [tilespmem:s10+$0x9A10]  }
0x61: {  	v8 =	vimm.f32 $0.0e+00;
	v7 =	vimm.f32 $0.0e+00;
	v9 =	vimm.f32 $0.0e+00;
	s12 =	simm.s32 $0x200;
	v11 =	vld [tilespmem:s10+$0x9A20]  }
.LBB2_5:
0x62: {  	p0 =	sne.s32 s12, $0x6200;
	v13 =	vld [tilespmem:s10+$0x9A30]  }
0x63: {  	v14 =	vld [tilespmem:s10+$0xB320]  }
0x64: {  	v15 =	vld [tilespmem:s10+$0xB330]  }
0x65: {  	v16 =	vld [tilespmem:s10+$0x9A60]  }
0x66: {  	v7 =	vadd.f32 v10, v7;
	v9 =	vadd.f32 v12, v9;
	v10 =	vld [tilespmem:s10+$0x9A70]  }
0x67: {  	v8 =	vadd.f32 v11, v8;
	v11 =	vld [tilespmem:s10+$0xB360];
	v6 =	vadd.f32 v13, v6  }
0x68: {  	v4 =	vadd.f32 v4, v7;
	v5 =	vadd.f32 v5, v9;
	v12 =	vld [tilespmem:s10+$0xB370];
	s10 =	sshra.s32 s12, $0x2  }
0x69: {  	v7 =	vadd.f32 v14, v8;
	v13 =	vld [tilespmem:s10+$0xB340];
	v6 =	vadd.f32 v15, v6  }
0x6a: {  	v4 =	vadd.f32 v2, v4;
	v5 =	vadd.f32 v3, v5;
	v14 =	vld [tilespmem:s10+$0xB350]  }
0x6b: {  	v8 =	vadd.f32 v16, v7;
	v2 =	vld [tilespmem:s10+$0x9A40];
	v6 =	vadd.f32 v10, v6  }
0x6c: {  	v7 =	vadd.f32 v0, v4;
	v9 =	vadd.f32 v1, v5;
	v3 =	vld [tilespmem:s10+$0x9A50]  }
.Ltmp1:
0x6d: {  	v8 =	vadd.f32 v11, v8;
	v4 =	vld [tilespmem:s10+$0xB300];
	v6 =	vadd.f32 v12, v6;
	(pc) =	sbr.rel @p0 .LBB2_5-.Ltmp1, $4  }
0x6e: {  	v5 =	vld [tilespmem:s10+$0xB310];
	v0 =	vmov v13  }
0x6f: {  	v10 =	vld [tilespmem:s10+$0x9A00];
	v1 =	vmov v14  }
0x70: {  	v12 =	vld [tilespmem:s10+$0x9A10]  }
0x71: {  	s12 =	sadd.s32 $0x200, s12;
	v11 =	vld [tilespmem:s10+$0x9A20]  }
0x72: {  	v13 =	vld [tilespmem:s10+$0x9A30]  }
0x73: {  	v14 =	vld [tilespmem:s10+$0xB320]  }
0x74: {  	v15 =	vld [tilespmem:s10+$0xB330];
	v7 =	vadd.f32 v10, v7  }
0x75: {  	v10 =	vld [tilespmem:s10+$0x9A60];
	v9 =	vadd.f32 v12, v9  }
0x76: {  	v12 =	vld [tilespmem:s10+$0x9A70];
	v8 =	vadd.f32 v11, v8;
	v4 =	vadd.f32 v4, v7  }
0x77: {  	v7 =	vld [tilespmem:s10+$0xB360];
	v6 =	vadd.f32 v13, v6;
	v5 =	vadd.f32 v5, v9  }
0x78: {  	v9 =	vld [tilespmem:s10+$0xB370];
	v8 =	vadd.f32 v14, v8;
	v2 =	vadd.f32 v2, v4  }
0x79: {  	v4 =	vadd.f32 v15, v6;
	v3 =	vadd.f32 v3, v5  }
0x7a: {  	v5 =	vadd.f32 v10, v8;
	v0 =	vadd.f32 v0, v2  }
0x7b: {  	v2 =	vadd.f32 v12, v4;
	v1 =	vadd.f32 v1, v3  }
0x7c: {  	v3 =	vadd.f32 v7, v5;
	[tilespmem:s1+$0x13040] =	vst v0  }
0x7d: {  	v0 =	vadd.f32 v9, v2;
	[tilespmem:s1+$0x13050] =	vst v1  }
0x7e: {  	[tilespmem:s1+$0x13060] =	vst v3  }
0x7f: {  	s12 =	sadd.s32 $0x410, s0;
	[tilespmem:s1+$0x13070] =	vst v0  }
0x80: {  	[tilespmem:s13], [sflag:$0x2] =	stream.indirect.gather [hbm4b:s3+s8], $0x40, s12, s8, $0xb8;
	[tilespmem:$0x15000] =	vst v63  }
0x81: {  	s12 =	sadd.s32 $0x478, s0  }
0x82: {  	[tilespmem:s15], [sflag:$0x2] =	stream.indirect.gather [hbm4b:s3+s8], $0x40, s12, s8, $0xb8;
	[tilespmem:$0x15000] =	vst v63  }
0x83: {  	_ =	swait.ge [sflag:s26], $0x1900  }
0x84: {  	[sflag:s26] =	ssyncset.done $0x0  }
0x85: {  	[sflag:s26] =	ssyncadd.s32 $0xFFFFE700  }
0x86: {  	_ =	swait.ge [sflag:s26], $0x1900  }
0x87: {  	[sflag:s26] =	ssyncset.done $0x0  }
0x88: {  	s10 =	simm.s32 $0x0;
	[sflag:s26] =	ssyncadd.s32 $0xFFFFE700  }
0x89: {  	v0 =	vld [tilespmem:s10+$0xE540]  }
0x8a: {  	v1 =	vld [tilespmem:s10+$0xE550]  }
0x8b: {  	v2 =	vld [tilespmem:s10+$0xCC40]  }
0x8c: {  	v3 =	vld [tilespmem:s10+$0xCC50]  }
0x8d: {  	v4 =	vld [tilespmem:s10+$0xE500]  }
0x8e: {  	v5 =	vld [tilespmem:s10+$0xE510]  }
0x8f: {  	v10 =	vld [tilespmem:s10+$0xCC00]  }
0x90: {  	v6 =	vimm.f32 $0.0e+00;
	v12 =	vld [tilespmem:s10+$0xCC10]  }
0x91: {  	v8 =	vimm.f32 $0.0e+00;
	v7 =	vimm.f32 $0.0e+00;
	v9 =	vimm.f32 $0.0e+00;
	s12 =	simm.s32 $0x200;
	v11 =	vld [tilespmem:s10+$0xCC20]  }
.LBB2_7:
0x92: {  	p0 =	sne.s32 s12, $0x6200;
	v13 =	vld [tilespmem:s10+$0xCC30]  }
0x93: {  	v14 =	vld [tilespmem:s10+$0xE520]  }
0x94: {  	v15 =	vld [tilespmem:s10+$0xE530]  }
0x95: {  	v16 =	vld [tilespmem:s10+$0xCC60]  }
0x96: {  	v7 =	vadd.f32 v10, v7;
	v9 =	vadd.f32 v12, v9;
	v10 =	vld [tilespmem:s10+$0xCC70]  }
0x97: {  	v8 =	vadd.f32 v11, v8;
	v11 =	vld [tilespmem:s10+$0xE560];
	v6 =	vadd.f32 v13, v6  }
0x98: {  	v4 =	vadd.f32 v4, v7;
	v5 =	vadd.f32 v5, v9;
	v12 =	vld [tilespmem:s10+$0xE570];
	s10 =	sshra.s32 s12, $0x2  }
0x99: {  	v7 =	vadd.f32 v14, v8;
	v13 =	vld [tilespmem:s10+$0xE540];
	v6 =	vadd.f32 v15, v6  }
0x9a: {  	v4 =	vadd.f32 v2, v4;
	v5 =	vadd.f32 v3, v5;
	v14 =	vld [tilespmem:s10+$0xE550]  }
0x9b: {  	v8 =	vadd.f32 v16, v7;
	v2 =	vld [tilespmem:s10+$0xCC40];
	v6 =	vadd.f32 v10, v6  }
0x9c: {  	v7 =	vadd.f32 v0, v4;
	v9 =	vadd.f32 v1, v5;
	v3 =	vld [tilespmem:s10+$0xCC50]  }
.Ltmp2:
0x9d: {  	v8 =	vadd.f32 v11, v8;
	v4 =	vld [tilespmem:s10+$0xE500];
	v6 =	vadd.f32 v12, v6;
	(pc) =	sbr.rel @p0 .LBB2_7-.Ltmp2, $4  }
0x9e: {  	v5 =	vld [tilespmem:s10+$0xE510];
	v0 =	vmov v13  }
0x9f: {  	v10 =	vld [tilespmem:s10+$0xCC00];
	v1 =	vmov v14  }
0xa0: {  	v12 =	vld [tilespmem:s10+$0xCC10]  }
0xa1: {  	s12 =	sadd.s32 $0x200, s12;
	v11 =	vld [tilespmem:s10+$0xCC20]  }
0xa2: {  	v13 =	vld [tilespmem:s10+$0xCC30]  }
0xa3: {  	v14 =	vld [tilespmem:s10+$0xE520]  }
0xa4: {  	v15 =	vld [tilespmem:s10+$0xE530];
	v7 =	vadd.f32 v10, v7  }
0xa5: {  	v10 =	vld [tilespmem:s10+$0xCC60];
	v9 =	vadd.f32 v12, v9  }
0xa6: {  	v12 =	vld [tilespmem:s10+$0xCC70];
	v8 =	vadd.f32 v11, v8;
	v4 =	vadd.f32 v4, v7  }
0xa7: {  	v7 =	vld [tilespmem:s10+$0xE560];
	v6 =	vadd.f32 v13, v6;
	v5 =	vadd.f32 v5, v9  }
0xa8: {  	v9 =	vld [tilespmem:s10+$0xE570];
	v8 =	vadd.f32 v14, v8;
	v2 =	vadd.f32 v2, v4  }
0xa9: {  	v4 =	vadd.f32 v15, v6;
	v3 =	vadd.f32 v3, v5  }
0xaa: {  	v5 =	vadd.f32 v10, v8;
	v0 =	vadd.f32 v0, v2  }
0xab: {  	v2 =	vadd.f32 v12, v4;
	v1 =	vadd.f32 v1, v3  }
0xac: {  	v3 =	vadd.f32 v7, v5;
	[tilespmem:s1+$0x13080] =	vst v0  }
0xad: {  	v0 =	vadd.f32 v9, v2;
	[tilespmem:s1+$0x13090] =	vst v1  }
0xae: {  	[tilespmem:s1+$0x130A0] =	vst v3  }
0xaf: {  	s12 =	sadd.s32 $0x4E0, s0;
	[tilespmem:s1+$0x130B0] =	vst v0  }
0xb0: {  	[tilespmem:s17], [sflag:$0x3] =	stream.indirect.gather [hbm4b:s3+s8], $0x40, s12, s8, $0xb8;
	[tilespmem:$0x15000] =	vst v63  }
0xb1: {  	s12 =	sadd.s32 $0x548, s0  }
0xb2: {  	[tilespmem:s19], [sflag:$0x3] =	stream.indirect.gather [hbm4b:s3+s8], $0x40, s12, s8, $0xb8;
	[tilespmem:$0x15000] =	vst v63  }
0xb3: {  	_ =	swait.ge [sflag:s28], $0x1900  }
0xb4: {  	[sflag:s28] =	ssyncset.done $0x0  }
0xb5: {  	[sflag:s28] =	ssyncadd.s32 $0xFFFFE700  }
0xb6: {  	_ =	swait.ge [sflag:s28], $0x1900  }
0xb7: {  	[sflag:s28] =	ssyncset.done $0x0  }
0xb8: {  	s10 =	simm.s32 $0x0;
	[sflag:s28] =	ssyncadd.s32 $0xFFFFE700  }
0xb9: {  	v0 =	vld [tilespmem:s10+$0x11740]  }
0xba: {  	v1 =	vld [tilespmem:s10+$0x11750]  }
0xbb: {  	v2 =	vld [tilespmem:s10+$0xFE40]  }
0xbc: {  	v3 =	vld [tilespmem:s10+$0xFE50]  }
0xbd: {  	v4 =	vld [tilespmem:s10+$0x11700]  }
0xbe: {  	v5 =	vld [tilespmem:s10+$0x11710]  }
0xbf: {  	v10 =	vld [tilespmem:s10+$0xFE00]  }
0xc0: {  	v6 =	vimm.f32 $0.0e+00;
	v12 =	vld [tilespmem:s10+$0xFE10]  }
0xc1: {  	v8 =	vimm.f32 $0.0e+00;
	v7 =	vimm.f32 $0.0e+00;
	v9 =	vimm.f32 $0.0e+00;
	s12 =	simm.s32 $0x200;
	v11 =	vld [tilespmem:s10+$0xFE20]  }
.LBB2_9:
0xc2: {  	p0 =	sne.s32 s12, $0x6200;
	v13 =	vld [tilespmem:s10+$0xFE30]  }
0xc3: {  	v14 =	vld [tilespmem:s10+$0x11720]  }
0xc4: {  	v15 =	vld [tilespmem:s10+$0x11730]  }
0xc5: {  	v16 =	vld [tilespmem:s10+$0xFE60]  }
0xc6: {  	v7 =	vadd.f32 v10, v7;
	v9 =	vadd.f32 v12, v9;
	v10 =	vld [tilespmem:s10+$0xFE70]  }
0xc7: {  	v8 =	vadd.f32 v11, v8;
	v11 =	vld [tilespmem:s10+$0x11760];
	v6 =	vadd.f32 v13, v6  }
0xc8: {  	v4 =	vadd.f32 v4, v7;
	v5 =	vadd.f32 v5, v9;
	v12 =	vld [tilespmem:s10+$0x11770];
	s10 =	sshra.s32 s12, $0x2  }
0xc9: {  	v7 =	vadd.f32 v14, v8;
	v13 =	vld [tilespmem:s10+$0x11740];
	v6 =	vadd.f32 v15, v6  }
0xca: {  	v4 =	vadd.f32 v2, v4;
	v5 =	vadd.f32 v3, v5;
	v14 =	vld [tilespmem:s10+$0x11750]  }
0xcb: {  	v8 =	vadd.f32 v16, v7;
	v2 =	vld [tilespmem:s10+$0xFE40];
	v6 =	vadd.f32 v10, v6  }
0xcc: {  	v7 =	vadd.f32 v0, v4;
	v9 =	vadd.f32 v1, v5;
	v3 =	vld [tilespmem:s10+$0xFE50]  }
.Ltmp3:
0xcd: {  	v8 =	vadd.f32 v11, v8;
	v4 =	vld [tilespmem:s10+$0x11700];
	v6 =	vadd.f32 v12, v6;
	(pc) =	sbr.rel @p0 .LBB2_9-.Ltmp3, $4  }
0xce: {  	v5 =	vld [tilespmem:s10+$0x11710];
	v0 =	vmov v13  }
0xcf: {  	v10 =	vld [tilespmem:s10+$0xFE00];
	v1 =	vmov v14  }
0xd0: {  	v12 =	vld [tilespmem:s10+$0xFE10]  }
0xd1: {  	s12 =	sadd.s32 $0x200, s12;
	v11 =	vld [tilespmem:s10+$0xFE20]  }
0xd2: {  	v13 =	vld [tilespmem:s10+$0xFE30]  }
0xd3: {  	v14 =	vld [tilespmem:s10+$0x11720]  }
0xd4: {  	v15 =	vld [tilespmem:s10+$0x11730];
	v7 =	vadd.f32 v10, v7  }
0xd5: {  	v55 =	vld [tilespmem:s10+$0xFE60];
	v9 =	vadd.f32 v12, v9  }
0xd6: {  	v56 =	vld [tilespmem:s10+$0xFE70];
	v8 =	vadd.f32 v11, v8;
	v4 =	vadd.f32 v4, v7  }
0xd7: {  	v57 =	vld [tilespmem:s10+$0x11760];
	v6 =	vadd.f32 v13, v6;
	v5 =	vadd.f32 v5, v9  }
0xd8: {  	v58 =	vld [tilespmem:s10+$0x11770];
	v8 =	vadd.f32 v14, v8;
	v2 =	vadd.f32 v2, v4  }
0xd9: {  	v59 =	vadd.f32 v15, v6;
	v3 =	vadd.f32 v3, v5  }
0xda: {  	v60 =	vadd.f32 v55, v8;
	v0 =	vadd.f32 v0, v2  }
0xdb: {  	v61 =	vadd.f32 v56, v59;
	v1 =	vadd.f32 v1, v3  }
0xdc: {  	s31 =	sadd.s32 $0x1, s31;
	v62 =	vadd.f32 v57, v60;
	[tilespmem:s1+$0x130C0] =	vst v0  }
0xdd: {  	p0 =	sne.s32 s31, $0x1F;
	v63 =	vadd.f32 v58, v61;
	[tilespmem:s1+$0x130D0] =	vst v1  }
.Ltmp4:
0xde: {  	[tilespmem:s1+$0x130E0] =	vst v62;
	(pc) =	sbr.rel @p0 .LBB2_2-.Ltmp4, $4  }
0xdf: {  	s10 =	sadd.s32 $0x5B0, s0;
	[tilespmem:s1+$0x130F0] =	vst v63  }
0xe0: {  	[tilespmem:s21], [sflag:$0x4] =	stream.indirect.gather [hbm4b:s3+s8], $0x40, s10, s8, $0xb8;
	[tilespmem:$0x15000] =	vst v63  }
0xe1: {  	s12 =	sadd.s32 $0x618, s0  }
0xe2: {  	[tilespmem:s23], [sflag:$0x4] =	stream.indirect.gather [hbm4b:s3+s8], $0x40, s12, s8, $0xb8;
	[tilespmem:$0x15000] =	vst v63  }
0xe3: {  	_ =	swait.ge [sflag:s24], $0x1900  }
0xe4: {  	[sflag:s24] =	ssyncset.done $0x0  }
0xe5: {  	[sflag:s24] =	ssyncadd.s32 $0xFFFFE700  }
0xe6: {  	_ =	swait.ge [sflag:s24], $0x1900  }
0xe7: {  	[sflag:s24] =	ssyncset.done $0x0  }
0xe8: {  	s0 =	simm.s32 $0x40;
	[sflag:s24] =	ssyncadd.s32 $0xFFFFE700  }
0xe9: {  	v0 =	vld [tilespmem:s0+$0x8100]  }
0xea: {  	v1 =	vld [tilespmem:s0+$0x8110]  }
0xeb: {  	v2 =	vld [tilespmem:s0+$0x6800]  }
0xec: {  	v3 =	vld [tilespmem:s0+$0x6810]  }
0xed: {  	v4 =	vld [tilespmem:s0+$0x80C0]  }
0xee: {  	v5 =	vld [tilespmem:s0+$0x80D0]  }
0xef: {  	v10 =	vld [tilespmem:s0+$0x67C0]  }
0xf0: {  	v7 =	vimm.f32 $0.0e+00;
	v12 =	vld [tilespmem:s0+$0x67D0]  }
0xf1: {  	s1 =	simm.s32 $0x300;
	v9 =	vimm.f32 $0.0e+00;
	v8 =	vimm.f32 $0.0e+00;
	v6 =	vimm.f32 $0.0e+00;
	v11 =	vld [tilespmem:s0+$0x67E0]  }
.LBB2_12:
0xf2: {  	p0 =	sne.s32 s1, $0x6300;
	v13 =	vld [tilespmem:s0+$0x67F0]  }
0xf3: {  	v14 =	vld [tilespmem:s0+$0x80E0]  }
0xf4: {  	v15 =	vld [tilespmem:s0+$0x80F0]  }
0xf5: {  	v16 =	vld [tilespmem:s0+$0x6820]  }
0xf6: {  	v7 =	vadd.f32 v10, v7;
	v9 =	vadd.f32 v12, v9;
	v10 =	vld [tilespmem:s0+$0x6830]  }
0xf7: {  	v8 =	vadd.f32 v11, v8;
	v11 =	vld [tilespmem:s0+$0x8120];
	v6 =	vadd.f32 v13, v6  }
0xf8: {  	v4 =	vadd.f32 v4, v7;
	v5 =	vadd.f32 v5, v9;
	v12 =	vld [tilespmem:s0+$0x8130];
	s0 =	sshra.s32 s1, $0x2  }
0xf9: {  	v7 =	vadd.f32 v14, v8;
	v13 =	vld [tilespmem:s0+$0x8100];
	v6 =	vadd.f32 v15, v6  }
0xfa: {  	v4 =	vadd.f32 v2, v4;
	v5 =	vadd.f32 v3, v5;
	v14 =	vld [tilespmem:s0+$0x8110]  }
0xfb: {  	v8 =	vadd.f32 v16, v7;
	v2 =	vld [tilespmem:s0+$0x6800];
	v6 =	vadd.f32 v10, v6  }
0xfc: {  	v7 =	vadd.f32 v0, v4;
	v9 =	vadd.f32 v1, v5;
	v3 =	vld [tilespmem:s0+$0x6810]  }
.Ltmp5:
0xfd: {  	v8 =	vadd.f32 v11, v8;
	v4 =	vld [tilespmem:s0+$0x80C0];
	v6 =	vadd.f32 v12, v6;
	(pc) =	sbr.rel @p0 .LBB2_12-.Ltmp5, $4  }
0xfe: {  	v5 =	vld [tilespmem:s0+$0x80D0];
	v0 =	vmov v13  }
0xff: {  	v10 =	vld [tilespmem:s0+$0x67C0];
	v1 =	vmov v14  }
0x100: {  	v12 =	vld [tilespmem:s0+$0x67D0]  }
0x101: {  	s1 =	sadd.s32 $0x200, s1;
	v11 =	vld [tilespmem:s0+$0x67E0]  }
0x102: {  	v13 =	vld [tilespmem:s0+$0x67F0]  }
0x103: {  	v14 =	vld [tilespmem:s0+$0x80E0]  }
0x104: {  	v15 =	vld [tilespmem:s0+$0x80F0];
	v7 =	vadd.f32 v10, v7  }
0x105: {  	v10 =	vld [tilespmem:s0+$0x6820];
	v9 =	vadd.f32 v12, v9  }
0x106: {  	v12 =	vld [tilespmem:s0+$0x6830];
	v8 =	vadd.f32 v11, v8;
	v4 =	vadd.f32 v4, v7  }
0x107: {  	v7 =	vld [tilespmem:s0+$0x8120];
	v6 =	vadd.f32 v13, v6;
	v5 =	vadd.f32 v5, v9  }
0x108: {  	v9 =	vld [tilespmem:s0+$0x8130];
	v8 =	vadd.f32 v14, v8;
	v2 =	vadd.f32 v2, v4  }
0x109: {  	v4 =	vadd.f32 v15, v6;
	v3 =	vadd.f32 v3, v5  }
0x10a: {  	v5 =	vadd.f32 v10, v8;
	v0 =	vadd.f32 v0, v2  }
0x10b: {  	v2 =	vadd.f32 v12, v4;
	v1 =	vadd.f32 v1, v3  }
0x10c: {  	v3 =	vadd.f32 v7, v5;
	[tilespmem:$0x14F00] =	vst v0  }
0x10d: {  	v0 =	vadd.f32 v9, v2;
	[tilespmem:$0x14F10] =	vst v1  }
0x10e: {  	[tilespmem:$0x14F20] =	vst v3  }
0x10f: {  	[tilespmem:$0x14F30] =	vst v0  }
0x110: {  	_ =	swait.ge [sflag:s25], $0x1900  }
0x111: {  	[sflag:s25] =	ssyncset.done $0x0  }
0x112: {  	[sflag:s25] =	ssyncadd.s32 $0xFFFFE700  }
0x113: {  	_ =	swait.ge [sflag:s25], $0x1900  }
0x114: {  	[sflag:s25] =	ssyncset.done $0x0  }
0x115: {  	s0 =	simm.s32 $0x0;
	[sflag:s25] =	ssyncadd.s32 $0xFFFFE700  }
0x116: {  	v0 =	vld [tilespmem:s0+$0xB340]  }
0x117: {  	v1 =	vld [tilespmem:s0+$0xB350]  }
0x118: {  	v2 =	vld [tilespmem:s0+$0x9A40]  }
0x119: {  	v3 =	vld [tilespmem:s0+$0x9A50]  }
0x11a: {  	v4 =	vld [tilespmem:s0+$0xB300]  }
0x11b: {  	v5 =	vld [tilespmem:s0+$0xB310]  }
0x11c: {  	v10 =	vld [tilespmem:s0+$0x9A00]  }
0x11d: {  	v6 =	vimm.f32 $0.0e+00;
	v12 =	vld [tilespmem:s0+$0x9A10]  }
0x11e: {  	s1 =	simm.s32 $0x200;
	v8 =	vimm.f32 $0.0e+00;
	v7 =	vimm.f32 $0.0e+00;
	v9 =	vimm.f32 $0.0e+00;
	v11 =	vld [tilespmem:s0+$0x9A20]  }
.LBB2_14:
0x11f: {  	p0 =	sne.s32 s1, $0x6200;
	v13 =	vld [tilespmem:s0+$0x9A30]  }
0x120: {  	v14 =	vld [tilespmem:s0+$0xB320]  }
0x121: {  	v15 =	vld [tilespmem:s0+$0xB330]  }
0x122: {  	v16 =	vld [tilespmem:s0+$0x9A60]  }
0x123: {  	v7 =	vadd.f32 v10, v7;
	v9 =	vadd.f32 v12, v9;
	v10 =	vld [tilespmem:s0+$0x9A70]  }
0x124: {  	v8 =	vadd.f32 v11, v8;
	v11 =	vld [tilespmem:s0+$0xB360];
	v6 =	vadd.f32 v13, v6  }
0x125: {  	v4 =	vadd.f32 v4, v7;
	v5 =	vadd.f32 v5, v9;
	v12 =	vld [tilespmem:s0+$0xB370];
	s0 =	sshra.s32 s1, $0x2  }
0x126: {  	v7 =	vadd.f32 v14, v8;
	v13 =	vld [tilespmem:s0+$0xB340];
	v6 =	vadd.f32 v15, v6  }
0x127: {  	v4 =	vadd.f32 v2, v4;
	v5 =	vadd.f32 v3, v5;
	v14 =	vld [tilespmem:s0+$0xB350]  }
0x128: {  	v8 =	vadd.f32 v16, v7;
	v2 =	vld [tilespmem:s0+$0x9A40];
	v6 =	vadd.f32 v10, v6  }
0x129: {  	v7 =	vadd.f32 v0, v4;
	v9 =	vadd.f32 v1, v5;
	v3 =	vld [tilespmem:s0+$0x9A50]  }
.Ltmp6:
0x12a: {  	v8 =	vadd.f32 v11, v8;
	v4 =	vld [tilespmem:s0+$0xB300];
	v6 =	vadd.f32 v12, v6;
	(pc) =	sbr.rel @p0 .LBB2_14-.Ltmp6, $4  }
0x12b: {  	v5 =	vld [tilespmem:s0+$0xB310];
	v0 =	vmov v13  }
0x12c: {  	v10 =	vld [tilespmem:s0+$0x9A00];
	v1 =	vmov v14  }
0x12d: {  	v12 =	vld [tilespmem:s0+$0x9A10]  }
0x12e: {  	s1 =	sadd.s32 $0x200, s1;
	v11 =	vld [tilespmem:s0+$0x9A20]  }
0x12f: {  	v13 =	vld [tilespmem:s0+$0x9A30]  }
0x130: {  	v14 =	vld [tilespmem:s0+$0xB320]  }
0x131: {  	v15 =	vld [tilespmem:s0+$0xB330];
	v7 =	vadd.f32 v10, v7  }
0x132: {  	v10 =	vld [tilespmem:s0+$0x9A60];
	v9 =	vadd.f32 v12, v9  }
0x133: {  	v12 =	vld [tilespmem:s0+$0x9A70];
	v8 =	vadd.f32 v11, v8;
	v4 =	vadd.f32 v4, v7  }
0x134: {  	v7 =	vld [tilespmem:s0+$0xB360];
	v6 =	vadd.f32 v13, v6;
	v5 =	vadd.f32 v5, v9  }
0x135: {  	v9 =	vld [tilespmem:s0+$0xB370];
	v8 =	vadd.f32 v14, v8;
	v2 =	vadd.f32 v2, v4  }
0x136: {  	v4 =	vadd.f32 v15, v6;
	v3 =	vadd.f32 v3, v5  }
0x137: {  	v5 =	vadd.f32 v10, v8;
	v0 =	vadd.f32 v0, v2  }
0x138: {  	v2 =	vadd.f32 v12, v4;
	v1 =	vadd.f32 v1, v3  }
0x139: {  	v3 =	vadd.f32 v7, v5;
	[tilespmem:$0x14F40] =	vst v0  }
0x13a: {  	v0 =	vadd.f32 v9, v2;
	[tilespmem:$0x14F50] =	vst v1  }
0x13b: {  	[tilespmem:$0x14F60] =	vst v3  }
0x13c: {  	[tilespmem:$0x14F70] =	vst v0  }
0x13d: {  	_ =	swait.ge [sflag:s26], $0x1900  }
0x13e: {  	[sflag:s26] =	ssyncset.done $0x0  }
0x13f: {  	[sflag:s26] =	ssyncadd.s32 $0xFFFFE700  }
0x140: {  	_ =	swait.ge [sflag:s26], $0x1900  }
0x141: {  	[sflag:s26] =	ssyncset.done $0x0  }
0x142: {  	s0 =	simm.s32 $0x0;
	[sflag:s26] =	ssyncadd.s32 $0xFFFFE700  }
0x143: {  	v0 =	vld [tilespmem:s0+$0xE540]  }
0x144: {  	v1 =	vld [tilespmem:s0+$0xE550]  }
0x145: {  	v2 =	vld [tilespmem:s0+$0xCC40]  }
0x146: {  	v3 =	vld [tilespmem:s0+$0xCC50]  }
0x147: {  	v4 =	vld [tilespmem:s0+$0xE500]  }
0x148: {  	v5 =	vld [tilespmem:s0+$0xE510]  }
0x149: {  	v10 =	vld [tilespmem:s0+$0xCC00]  }
0x14a: {  	v6 =	vimm.f32 $0.0e+00;
	v12 =	vld [tilespmem:s0+$0xCC10]  }
0x14b: {  	s1 =	simm.s32 $0x200;
	v8 =	vimm.f32 $0.0e+00;
	v7 =	vimm.f32 $0.0e+00;
	v9 =	vimm.f32 $0.0e+00;
	v11 =	vld [tilespmem:s0+$0xCC20]  }
.LBB2_16:
0x14c: {  	p0 =	sne.s32 s1, $0x6200;
	v13 =	vld [tilespmem:s0+$0xCC30]  }
0x14d: {  	v14 =	vld [tilespmem:s0+$0xE520]  }
0x14e: {  	v15 =	vld [tilespmem:s0+$0xE530]  }
0x14f: {  	v16 =	vld [tilespmem:s0+$0xCC60]  }
0x150: {  	v7 =	vadd.f32 v10, v7;
	v9 =	vadd.f32 v12, v9;
	v10 =	vld [tilespmem:s0+$0xCC70]  }
0x151: {  	v8 =	vadd.f32 v11, v8;
	v11 =	vld [tilespmem:s0+$0xE560];
	v6 =	vadd.f32 v13, v6  }
0x152: {  	v4 =	vadd.f32 v4, v7;
	v5 =	vadd.f32 v5, v9;
	v12 =	vld [tilespmem:s0+$0xE570];
	s0 =	sshra.s32 s1, $0x2  }
0x153: {  	v7 =	vadd.f32 v14, v8;
	v13 =	vld [tilespmem:s0+$0xE540];
	v6 =	vadd.f32 v15, v6  }
0x154: {  	v4 =	vadd.f32 v2, v4;
	v5 =	vadd.f32 v3, v5;
	v14 =	vld [tilespmem:s0+$0xE550]  }
0x155: {  	v8 =	vadd.f32 v16, v7;
	v2 =	vld [tilespmem:s0+$0xCC40];
	v6 =	vadd.f32 v10, v6  }
0x156: {  	v7 =	vadd.f32 v0, v4;
	v9 =	vadd.f32 v1, v5;
	v3 =	vld [tilespmem:s0+$0xCC50]  }
.Ltmp7:
0x157: {  	v8 =	vadd.f32 v11, v8;
	v4 =	vld [tilespmem:s0+$0xE500];
	v6 =	vadd.f32 v12, v6;
	(pc) =	sbr.rel @p0 .LBB2_16-.Ltmp7, $4  }
0x158: {  	v5 =	vld [tilespmem:s0+$0xE510];
	v0 =	vmov v13  }
0x159: {  	v10 =	vld [tilespmem:s0+$0xCC00];
	v1 =	vmov v14  }
0x15a: {  	v12 =	vld [tilespmem:s0+$0xCC10]  }
0x15b: {  	s1 =	sadd.s32 $0x200, s1;
	v11 =	vld [tilespmem:s0+$0xCC20]  }
0x15c: {  	v13 =	vld [tilespmem:s0+$0xCC30]  }
0x15d: {  	v14 =	vld [tilespmem:s0+$0xE520]  }
0x15e: {  	v15 =	vld [tilespmem:s0+$0xE530];
	v7 =	vadd.f32 v10, v7  }
0x15f: {  	v10 =	vld [tilespmem:s0+$0xCC60];
	v9 =	vadd.f32 v12, v9  }
0x160: {  	v12 =	vld [tilespmem:s0+$0xCC70];
	v8 =	vadd.f32 v11, v8;
	v4 =	vadd.f32 v4, v7  }
0x161: {  	v7 =	vld [tilespmem:s0+$0xE560];
	v6 =	vadd.f32 v13, v6;
	v5 =	vadd.f32 v5, v9  }
0x162: {  	v9 =	vld [tilespmem:s0+$0xE570];
	v8 =	vadd.f32 v14, v8;
	v2 =	vadd.f32 v2, v4  }
0x163: {  	v4 =	vadd.f32 v15, v6;
	v3 =	vadd.f32 v3, v5  }
0x164: {  	v5 =	vadd.f32 v10, v8;
	v0 =	vadd.f32 v0, v2  }
0x165: {  	v2 =	vadd.f32 v12, v4;
	v1 =	vadd.f32 v1, v3  }
0x166: {  	v3 =	vadd.f32 v7, v5;
	[tilespmem:$0x14F80] =	vst v0  }
0x167: {  	v0 =	vadd.f32 v9, v2;
	[tilespmem:$0x14F90] =	vst v1  }
0x168: {  	[tilespmem:$0x14FA0] =	vst v3  }
0x169: {  	[tilespmem:$0x14FB0] =	vst v0  }
0x16a: {  	_ =	swait.ge [sflag:s28], $0x1900  }
0x16b: {  	[sflag:s28] =	ssyncset.done $0x0  }
0x16c: {  	[sflag:s28] =	ssyncadd.s32 $0xFFFFE700  }
0x16d: {  	_ =	swait.ge [sflag:s28], $0x1900  }
0x16e: {  	[sflag:s28] =	ssyncset.done $0x0  }
0x16f: {  	s0 =	simm.s32 $0x0;
	[sflag:s28] =	ssyncadd.s32 $0xFFFFE700  }
0x170: {  	v0 =	vld [tilespmem:s0+$0x11740]  }
0x171: {  	v1 =	vld [tilespmem:s0+$0x11750]  }
0x172: {  	v2 =	vld [tilespmem:s0+$0xFE40]  }
0x173: {  	v3 =	vld [tilespmem:s0+$0xFE50]  }
0x174: {  	v4 =	vld [tilespmem:s0+$0x11700]  }
0x175: {  	v5 =	vld [tilespmem:s0+$0x11710]  }
0x176: {  	v10 =	vld [tilespmem:s0+$0xFE00]  }
0x177: {  	v6 =	vimm.f32 $0.0e+00;
	v12 =	vld [tilespmem:s0+$0xFE10]  }
0x178: {  	s1 =	simm.s32 $0x200;
	v8 =	vimm.f32 $0.0e+00;
	v7 =	vimm.f32 $0.0e+00;
	v9 =	vimm.f32 $0.0e+00;
	v11 =	vld [tilespmem:s0+$0xFE20]  }
.LBB2_18:
0x179: {  	p0 =	sne.s32 s1, $0x6200;
	v13 =	vld [tilespmem:s0+$0xFE30]  }
0x17a: {  	v14 =	vld [tilespmem:s0+$0x11720]  }
0x17b: {  	v15 =	vld [tilespmem:s0+$0x11730]  }
0x17c: {  	v16 =	vld [tilespmem:s0+$0xFE60]  }
0x17d: {  	v7 =	vadd.f32 v10, v7;
	v9 =	vadd.f32 v12, v9;
	v10 =	vld [tilespmem:s0+$0xFE70]  }
0x17e: {  	v8 =	vadd.f32 v11, v8;
	v11 =	vld [tilespmem:s0+$0x11760];
	v6 =	vadd.f32 v13, v6  }
0x17f: {  	v4 =	vadd.f32 v4, v7;
	v5 =	vadd.f32 v5, v9;
	v12 =	vld [tilespmem:s0+$0x11770];
	s0 =	sshra.s32 s1, $0x2  }
0x180: {  	v7 =	vadd.f32 v14, v8;
	v13 =	vld [tilespmem:s0+$0x11740];
	v6 =	vadd.f32 v15, v6  }
0x181: {  	v4 =	vadd.f32 v2, v4;
	v5 =	vadd.f32 v3, v5;
	v14 =	vld [tilespmem:s0+$0x11750]  }
0x182: {  	v8 =	vadd.f32 v16, v7;
	v2 =	vld [tilespmem:s0+$0xFE40];
	v6 =	vadd.f32 v10, v6  }
0x183: {  	v7 =	vadd.f32 v0, v4;
	v9 =	vadd.f32 v1, v5;
	v3 =	vld [tilespmem:s0+$0xFE50]  }
.Ltmp8:
0x184: {  	v8 =	vadd.f32 v11, v8;
	v4 =	vld [tilespmem:s0+$0x11700];
	v6 =	vadd.f32 v12, v6;
	(pc) =	sbr.rel @p0 .LBB2_18-.Ltmp8, $4  }
0x185: {  	v5 =	vld [tilespmem:s0+$0x11710];
	v0 =	vmov v13  }
0x186: {  	v10 =	vld [tilespmem:s0+$0xFE00];
	v1 =	vmov v14  }
0x187: {  	v12 =	vld [tilespmem:s0+$0xFE10]  }
0x188: {  	s1 =	sadd.s32 $0x200, s1;
	v11 =	vld [tilespmem:s0+$0xFE20]  }
0x189: {  	v13 =	vld [tilespmem:s0+$0xFE30]  }
0x18a: {  	v14 =	vld [tilespmem:s0+$0x11720]  }
0x18b: {  	v15 =	vld [tilespmem:s0+$0x11730];
	v7 =	vadd.f32 v10, v7  }
0x18c: {  	v55 =	vld [tilespmem:s0+$0xFE60];
	v9 =	vadd.f32 v12, v9  }
0x18d: {  	v56 =	vld [tilespmem:s0+$0xFE70];
	v8 =	vadd.f32 v11, v8;
	v4 =	vadd.f32 v4, v7  }
0x18e: {  	v57 =	vld [tilespmem:s0+$0x11760];
	v6 =	vadd.f32 v13, v6;
	v5 =	vadd.f32 v5, v9  }
0x18f: {  	v58 =	vld [tilespmem:s0+$0x11770];
	v8 =	vadd.f32 v14, v8;
	v2 =	vadd.f32 v2, v4  }
0x190: {  	v59 =	vadd.f32 v15, v6;
	v3 =	vadd.f32 v3, v5  }
0x191: {  	v60 =	vadd.f32 v55, v8;
	v0 =	vadd.f32 v0, v2  }
0x192: {  	v61 =	vadd.f32 v56, v59;
	v1 =	vadd.f32 v1, v3  }
0x193: {  	v62 =	vadd.f32 v57, v60;
	[tilespmem:$0x14FC0] =	vst v0  }
0x194: {  	s30 =	sadd.s32 $0x1, s30;
	v63 =	vadd.f32 v58, v61;
	[tilespmem:$0x14FD0] =	vst v1  }
0x195: {  	p0 =	sne.s32 s30, s6;
	[tilespmem:$0x14FE0] =	vst v62  }
.Ltmp9:
0x196: {  	[tilespmem:$0x14FF0] =	vst v63;
	(pc) =	sbr.rel @p0 .LBB2_1-.Ltmp9, $4  }
0x197: {  	[hbm4b:s5+s2] =	stream.linear.scatter [tilespmem:s29], [sflag:$0x5], $0x2000, $0x38;
	[tilespmem:$0x15000] =	vst v63  }
0x198: {  	_ =	swait.ge [sflag:s7], $0x2000  }
0x199: {  	[sflag:s7] =	ssyncset.done $0x0  }
0x19a: {  	[sflag:s7] =	ssyncadd.s32 $0xFFFFE000  }
0x19b: {  	_ =	sfence.sel $0x180000  }
0x19c: {  	[bflag:$0x0] =	sbarrier.arrive $0xFFFF  }
0x19d: {  	_ =	strace $0x90000047  }
0x19e: {  	s0 =	stileid.u32;
	[bflag:$0x2] =	sbarrier.arrive $0xFFFF  }
0x19f: {  	p0 =	sne.s32 s0, $0x0;
	s0 =	rddreg [dreg:$0x2]  }
0x1a0: {  	s0 =	sadd.s32 @!p0 $0x100000, s0  }
0x1a1: {  	[sflag:s0] =	ssyncadd.tile.s32 @!p0 $0x1;
	_ =	shalt  }
.Lfunc_end2:
_tile_overlayer_lowered:
.L_overlay_start_2:
0x1a2: {  	(tag) =	ssettag $0x2  }
0x1a3: {  	s0 =	rddreg [dreg:$0x0];
	s2 =	stileid.u32  }
0x1a4: {  	s1 =	rddreg [dreg:$0x1];
	p0 =	sne.s32 s2, $0x0  }
0x1a5: {  	s3 =	rddreg [dreg:$0x2];
	[bflag:$0x3] =	sbarrier.arrive $0xFFFF;
	s2 =	simm.s32 @!p0 $0x1C05  }
0x1a6: {  	[timem:s3], [sflag:s2] =	dma.local @!p0 [hbm:s0], s1  }
0x1a7: {  	s0 =	simm.s32 @!p0 $0x5  }
0x1a8: {  	_ =	swait.ge @!p0 [sflag:s0], s1  }
0x1a9: {  	s1 =	ssub.s32 @!p0 $0x0, s1;
	[sflag:s0] =	ssyncset.done @!p0 $0x0  }
0x1aa: {  	[sflag:s0] =	ssyncadd.s32 @!p0 s1  }
0x1ab: {  	[bflag:$0x3] =	sbarrier.arrive $0xFFFF  }
0x1ac: {  	_ =	shalt  }

</sc_bundles>
